<compile_context>
chip_gen: v7x
topology: tpu7x:2x2x1
jax: 0.10.2.dev20260603
libtpu: 0.0.44.dev20260713+nightly
codegen_flags: <defaults>
</compile_context>

<pallas_src>
import jax
import jax.numpy as jnp
from jax import lax
from jax.experimental import pallas as pl
from jax.experimental.pallas import tpu as pltpu
from jax.experimental.pallas import tpu_sc as plsc

B = 2
N = 10000
E = 320000
C = 128

NC = 2
NS = 16
LANES = 16

E_PER_TILE = E // NS
CHUNK = 80
NCHUNK = E_PER_TILE // CHUNK
PAIRS = NCHUNK // 2

HCHUNK = 4000
NH_CHUNKS = E // HCHUNK

ZBLK = 80
NZBLK = N // ZBLK
Z_ROUNDS = (NZBLK + NS - 1) // NS

RBLK = 16
NBLK_TOT = N // RBLK
BLK_ROUNDS = (NBLK_TOT + NS - 1) // NS
LH_DATA = BLK_ROUNDS * RBLK
LH = LH_DATA + LANES


def _matmul_body(x_ref, th_ref, o_ref):
    o_ref[0] = jnp.dot(x_ref[0], th_ref[...], preferred_element_type=jnp.float32)


def _project(x, theta):
    RB = 1000
    return pl.pallas_call(
        _matmul_body,
        grid=(B, N // RB),
        in_specs=[
            pl.BlockSpec((1, RB, C), lambda b, i: (b, i, 0)),
            pl.BlockSpec((C, C), lambda b, i: (0, 0)),
        ],
        out_specs=pl.BlockSpec((1, RB, C), lambda b, i: (b, i, 0)),
        out_shape=jax.ShapeDtypeStruct((B, N, C), jnp.float32),
    )(x, theta)


def _sc_body(xt_hbm, nidx_hbm, eidx_hbm, bias_hbm, out_hbm, xe_hbm,
             acc_sh, srcr_v, dstr_v, rows0_v, rows1_v, hist_v, hidx_v,
             nrm_v, bias_v, gsem0, gsem1, ssem0, ssem1, hsem, isem):
    c = lax.axis_index("c")
    s = lax.axis_index("s")
    ebase = s * E_PER_TILE
    row0 = c * N

    pltpu.sync_copy(bias_hbm, bias_v)
    ones16 = jnp.ones((LANES,), jnp.float32)
    spill16 = LH_DATA + lax.iota(jnp.int32, LANES)

    def zero_acc():
        def zrow(r, _):
            for j in range(C // LANES):
                rows0_v[r, j * LANES:(j + 1) * LANES] = jnp.zeros((LANES,), jnp.float32)
            return 0
        lax.fori_loop(0, ZBLK, zrow, 0)
        for i in range(Z_ROUNDS):
            blk = i * NS + s

            @pl.when(blk < NZBLK)
            def _():
                pltpu.sync_copy(rows0_v, acc_sh.at[pl.ds(blk * ZBLK, ZBLK)])

    def zero_hist():
        def zh(i, _):
            hist_v[pl.ds(i * LANES, LANES)] = jnp.zeros((LANES,), jnp.float32)
            return 0
        lax.fori_loop(0, LH // LANES, zh, 0)

    def hist_dma(h, dst_hbm, start):
        off = c * E + jnp.minimum(h, NH_CHUNKS - 1) * HCHUNK
        d = pltpu.make_async_copy(dst_hbm.at[pl.ds(off, HCHUNK)],
                                  hidx_v.at[pl.ds((h % 2) * HCHUNK, HCHUNK)], hsem)
        if start:
            d.start()
        return d

    def hist_chunk(h):
        pbase = (h % 2) * HCHUNK

        def add_j(j, _):
            for u in range(5):
                v = hidx_v[pl.ds(pbase + (j * 5 + u) * LANES, LANES)]
                own = (lax.shift_right_logical(v, 4) & (NS - 1)) == s
                loc = lax.shift_left(lax.shift_right_logical(v, 8), 4) + (v & (RBLK - 1))
                tgt = jnp.where(own, loc, spill16)
                plsc.addupdate_scatter(hist_v, [tgt], ones16)
            return 0
        lax.fori_loop(0, HCHUNK // LANES // 5, add_j, 0)

    def stream_pass(tbl_hbm, src_hbm, dst_hbm):
        base = c * E + ebase
        idx_end = B * E - CHUNK

        def idx_dmas(k, ring_row):
            off = jnp.minimum(base + k * CHUNK, idx_end)
            return (pltpu.make_async_copy(src_hbm.at[pl.ds(off, CHUNK)],
                                          srcr_v.at[ring_row], isem),
                    pltpu.make_async_copy(dst_hbm.at[pl.ds(off, CHUNK)],
                                          dstr_v.at[ring_row], isem))

        def bias_idx(ring_row):
            def bias_j(j, _):
                sl = pl.ds(j * LANES, LANES)
                srcr_v[ring_row, sl] = srcr_v[ring_row, sl] + row0
                return 0
            lax.fori_loop(0, CHUNK // LANES, bias_j, 0)

        def load_idx(k, ring_row):
            for d in idx_dmas(k, ring_row):
                d.start()
                d.wait()
            bias_idx(ring_row)

        def gather(k, rows_ref, gsem):
            return pltpu.async_copy(tbl_hbm.at[srcr_v.at[k % 4]], rows_ref, gsem)

        load_idx(0, 0)
        load_idx(1, 1)
        gather(0, rows0_v, gsem0)
        gather(1, rows1_v, gsem1)
        hist_dma(0, dst_hbm, start=True)

        def pair_body(t, _):
            for sub, (rows_ref, gsem, ssem) in enumerate(
                    ((rows0_v, gsem0, ssem0), (rows1_v, gsem1, ssem1))):
                k = 2 * t + sub
                pltpu.make_async_copy(tbl_hbm.at[srcr_v.at[k % 4]], rows_ref, gsem).wait()
                sc = pltpu.async_copy(rows_ref, acc_sh.at[dstr_v.at[k % 4]], ssem, add=True)
                da, db = idx_dmas(k + 2, (k + 2) % 4)
                da.start()
                db.start()
                if sub == 1:
                    @pl.when(t < NH_CHUNKS)
                    def _():
                        hist_dma(t, dst_hbm, start=False).wait()
                        hist_dma(t + 1, dst_hbm, start=True)
                        hist_chunk(t)
                sc.wait()
                da.wait()
                db.wait()
                bias_idx((k + 2) % 4)
                gather(k + 2, rows_ref, gsem)
            return 0
        lax.fori_loop(0, PAIRS, pair_body, 0)
        pltpu.make_async_copy(tbl_hbm.at[srcr_v.at[NCHUNK % 4]], rows0_v, gsem0).wait()
        pltpu.make_async_copy(tbl_hbm.at[srcr_v.at[(NCHUNK + 1) % 4]], rows1_v, gsem1).wait()
        hist_dma(NH_CHUNKS, dst_hbm, start=False).wait()

    def normalize(dst_hbm, add_bias):
        def nround(i, _):
            blk = i * NS + s

            @pl.when(blk < NBLK_TOT)
            def _():
                base = blk * RBLK
                pltpu.sync_copy(acc_sh.at[pl.ds(base, RBLK)], nrm_v)

                def nrow(r, _):
                    gi = jnp.full((LANES,), 0, jnp.int32) + (i * RBLK + r)
                    d = plsc.load_gather(hist_v, [gi])
                    recip = jnp.where(d > 0.0, 1.0 / d, 0.0)
                    for j in range(C // LANES):
                        sl = pl.ds(j * LANES, LANES)
                        v = nrm_v[r, sl] * recip
                        if add_bias:
                            v = v + bias_v[sl]
                        nrm_v[r, sl] = v
                    return 0
                lax.fori_loop(0, RBLK, nrow, 0)
                pltpu.sync_copy(nrm_v, dst_hbm.at[pl.ds(row0 + base, RBLK)])
            return 0
        lax.fori_loop(0, BLK_ROUNDS, nround, 0)

    zero_acc()
    zero_hist()
    plsc.subcore_barrier()
    stream_pass(xt_hbm, nidx_hbm, eidx_hbm)
    plsc.subcore_barrier()
    normalize(xe_hbm, add_bias=False)
    plsc.subcore_barrier()
    zero_acc()
    zero_hist()
    plsc.subcore_barrier()
    stream_pass(xe_hbm, eidx_hbm, nidx_hbm)
    plsc.subcore_barrier()
    normalize(out_hbm, add_bias=True)


def _build_sc_kernel(interpret=False):
    mesh = plsc.VectorSubcoreMesh(
        core_axis_name="c", subcore_axis_name="s", num_cores=NC, num_subcores=NS
    )
    return pl.kernel(
        _sc_body,
        out_type=(
            jax.ShapeDtypeStruct((B * N, C), jnp.float32),
            jax.ShapeDtypeStruct((B * N, C), jnp.float32),
        ),
        mesh=mesh,
        compiler_params=pltpu.CompilerParams(needs_layout_passes=False),
        scratch_types=[
            pltpu.VMEM_SHARED((N, C), jnp.float32),
            pltpu.VMEM((4, CHUNK), jnp.int32),
            pltpu.VMEM((4, CHUNK), jnp.int32),
            pltpu.VMEM((CHUNK, C), jnp.float32),
            pltpu.VMEM((CHUNK, C), jnp.float32),
            pltpu.VMEM((LH,), jnp.float32),
            pltpu.VMEM((2 * HCHUNK,), jnp.int32),
            pltpu.VMEM((RBLK, C), jnp.float32),
            pltpu.VMEM((C,), jnp.float32),
            pltpu.SemaphoreType.DMA,
            pltpu.SemaphoreType.DMA,
            pltpu.SemaphoreType.DMA,
            pltpu.SemaphoreType.DMA,
            pltpu.SemaphoreType.DMA,
            pltpu.SemaphoreType.DMA,
        ],
        interpret=interpret,
    )


_hyconv_sc = _build_sc_kernel()


def kernel(x, H, theta, bias):
    xt = _project(x, theta).reshape(B * N, C)
    nidx = H[:, 0, :].reshape(-1)
    eidx = H[:, 1, :].reshape(-1)
    out, _ = _hyconv_sc(xt, nidx, eidx, bias)
    return out.reshape(B, N, C)

# --- scband reference (transcript-rebuilt; emitter-appended) ---
"""Pipeline reference for scband-hy-conv-18245021073764 (READ-ONLY COPY).

The authoritative reference and input builder live on the scoring server;
editing this copy changes nothing except your own understanding.
"""

import jax, jax.numpy as jnp
import numpy as np

B = 2
N_NODES = 10000
N_HYEDGES = 10000
N_INC = 320000
IN_CH = 128
OUT_CH = 128


def setup_inputs(seed: int = 0) -> dict:
    key = jax.random.key(seed)
    k1, k2, k3 = jax.random.split(key, 3)
    x = jax.random.normal(k1, (B, N_NODES, IN_CH), dtype=jnp.float32)
    H = jax.random.randint(k2, (B, 2, N_INC), 0, N_NODES, dtype=jnp.int32)
    # xavier_uniform init for theta
    limit = float(np.sqrt(6.0 / (IN_CH + OUT_CH)))
    theta = jax.random.uniform(k3, (IN_CH, OUT_CH), dtype=jnp.float32, minval=-limit, maxval=limit)
    bias = jnp.zeros((OUT_CH,), dtype=jnp.float32)
    return {"x": x, "H": H, "theta": theta, "bias": bias}


def reference(x, H, theta, bias):
    # x: [B, N, C_in], H: [B, 2, E] (row 0 = node_idx, row 1 = hyedge_idx)
    xt = jnp.einsum("bnc,co->bno", x, theta)

    def per_graph(x_in, H_in):
        node_idx = H_in[0]
        hyedge_idx = H_in[1]
        # node -> hyperedge aggregation with 1/hyperedge-degree norm
        deg_e = jnp.bincount(hyedge_idx, length=N_HYEDGES).astype(jnp.float32)
        hyedge_norm = (1.0 / deg_e)[hyedge_idx]
        msg = x_in[node_idx] * hyedge_norm[:, None]
        x_edge = jax.ops.segment_sum(msg, hyedge_idx, num_segments=N_HYEDGES)
        # hyperedge -> node aggregation with 1/node-degree norm
        deg_n = jnp.bincount(node_idx, length=N_NODES).astype(jnp.float32)
        node_norm = (1.0 / deg_n)[node_idx]
        msg2 = x_edge[hyedge_idx] * node_norm[:, None]
        x_out = jax.ops.segment_sum(msg2, node_idx, num_segments=N_NODES)
        return x_out + bias

    return jax.vmap(per_graph)(xt, H)

if __name__ == "__main__":
    import jax
    _d = setup_inputs()
    print(jax.jit(kernel)(*tuple(_d.values())))

</pallas_src>

<mosaic_0001>
#map = affine_map<(d0, d1) -> (0, 0)>
#map1 = affine_map<(d0, d1) -> (0)>
module attributes {stable_mosaic.version = 14 : i64} {
  func.func @_sc_body(%arg0: i32, %arg1: i32, %arg2: memref<20000x128xf32, #tpu.memory_space<hbm>>, %arg3: memref<640000xi32, #tpu.memory_space<hbm>>, %arg4: memref<640000xi32, #tpu.memory_space<hbm>>, %arg5: memref<128xf32, #tpu.memory_space<hbm>>, %arg6: memref<20000x128xf32, #tpu.memory_space<hbm>>, %arg7: memref<20000x128xf32, #tpu.memory_space<hbm>>, %arg8: memref<10000x128xf32, #tpu.memory_space<vmem_shared>>, %arg9: memref<4x80xi32, #tpu.memory_space<vmem>>, %arg10: memref<4x80xi32, #tpu.memory_space<vmem>>, %arg11: memref<80x128xf32, #tpu.memory_space<vmem>>, %arg12: memref<80x128xf32, #tpu.memory_space<vmem>>, %arg13: memref<656xf32, #tpu.memory_space<vmem>>, %arg14: memref<8000xi32, #tpu.memory_space<vmem>>, %arg15: memref<16x128xf32, #tpu.memory_space<vmem>>, %arg16: memref<128xf32, #tpu.memory_space<vmem>>, %arg17: memref<!tpu.dma_semaphore, #tpu.memory_space<semaphore_mem>>, %arg18: memref<!tpu.dma_semaphore, #tpu.memory_space<semaphore_mem>>, %arg19: memref<!tpu.dma_semaphore, #tpu.memory_space<semaphore_mem>>, %arg20: memref<!tpu.dma_semaphore, #tpu.memory_space<semaphore_mem>>, %arg21: memref<!tpu.dma_semaphore, #tpu.memory_space<semaphore_mem>>, %arg22: memref<!tpu.dma_semaphore, #tpu.memory_space<semaphore_mem>>) attributes {dimension_semantics = [#tpu.dimension_semantics<core_parallel>, #tpu.dimension_semantics<subcore_parallel>], iteration_bounds = array<i64: 2, 16>, scalar_prefetch = 0 : i64, scratch_operands = 15 : i64, tpu.core_type = #tpu.core_type<sc_vector_subcore>, window_params = [{transform_indices = #map}, {transform_indices = #map1}, {transform_indices = #map1}, {transform_indices = #map1}, {transform_indices = #map}, {transform_indices = #map}]} {
    %mul3A = arith.constant 20000 : i32
    %mul3A_0 = arith.muli %arg1, %mul3A : i32
    %mul3A_1 = arith.constant 10000 : i32
    %mul3A_2 = arith.muli %arg0, %mul3A_1 : i32
    "tpu.region"() ({
      %run_scoped3A = tpu.sem_alloc : memref<!tpu.dma_semaphore, #tpu.memory_space<semaphore_mem>>
      tpu.enqueue_dma source(%arg5 : memref<128xf32, #tpu.memory_space<hbm>>) target(%arg16 : memref<128xf32, #tpu.memory_space<vmem>>) target_semaphore(%run_scoped3A : memref<!tpu.dma_semaphore, #tpu.memory_space<semaphore_mem>>)
      tpu.wait_dma2 semaphore(%run_scoped3A : memref<!tpu.dma_semaphore, #tpu.memory_space<semaphore_mem>>) src(%arg5 : memref<128xf32, #tpu.memory_space<hbm>>) dst(%arg16 : memref<128xf32, #tpu.memory_space<vmem>>)
      tpu.yield
    }) : () -> ()
    %broadcast_in_dim3A = arith.constant 1.000000e+00 : f32
    %broadcast_in_dim3A_3 = vector.broadcast %broadcast_in_dim3A : f32 to vector<16xf32>
    %iota3A = tpu.iota {dimensions = array<i32: 0>} : vector<16xi32>
    %add3A = arith.constant 640 : i32
    %add3A_4 = vector.broadcast %add3A : i32 to vector<16xi32>
    %add3A_5 = arith.addi %add3A_4, %iota3A : vector<16xi32>
    %scan3A = arith.constant 0 : i32
    %scan3A_6 = arith.constant 0 : i32
    %scan3A_7 = arith.constant 80 : i32
    %scan3A_8 = arith.addi %scan3A_6, %scan3A_7 : i32
    %scan3A_9 = arith.constant 1 : i32
    %scan3A_10 = scf.for %scan3A_477 = %scan3A_6 to %scan3A_8 step %scan3A_9 iter_args(%scan3A_478 = %scan3A) -> (i32)  : i32 {
      %broadcast_in_dim3A_479 = arith.constant 0.000000e+00 : f32
      %broadcast_in_dim3A_480 = vector.broadcast %broadcast_in_dim3A_479 : f32 to vector<16xf32>
      %swap3A = arith.index_cast %scan3A_477 : i32 to index
      %swap3A_481 = arith.constant 0 : index
      %swap3A_482 = tpu.vector_load %arg11[%swap3A, %swap3A_481] {strides = array<i32>} : memref<80x128xf32, #tpu.memory_space<vmem>>, vector<16xf32>,
      tpu.vector_store %arg11[%swap3A, %swap3A_481], %broadcast_in_dim3A_480 {strides = array<i32>} : memref<80x128xf32, #tpu.memory_space<vmem>>, vector<16xf32>,
      %broadcast_in_dim3A_483 = arith.constant 0.000000e+00 : f32
      %broadcast_in_dim3A_484 = vector.broadcast %broadcast_in_dim3A_483 : f32 to vector<16xf32>
      %swap3A_485 = arith.index_cast %scan3A_477 : i32 to index
      %swap3A_486 = arith.constant 16 : index
      %swap3A_487 = tpu.vector_load %arg11[%swap3A_485, %swap3A_486] {strides = array<i32>} : memref<80x128xf32, #tpu.memory_space<vmem>>, vector<16xf32>,
      tpu.vector_store %arg11[%swap3A_485, %swap3A_486], %broadcast_in_dim3A_484 {strides = array<i32>} : memref<80x128xf32, #tpu.memory_space<vmem>>, vector<16xf32>,
      %broadcast_in_dim3A_488 = arith.constant 0.000000e+00 : f32
      %broadcast_in_dim3A_489 = vector.broadcast %broadcast_in_dim3A_488 : f32 to vector<16xf32>
      %swap3A_490 = arith.index_cast %scan3A_477 : i32 to index
      %swap3A_491 = arith.constant 32 : index
      %swap3A_492 = tpu.vector_load %arg11[%swap3A_490, %swap3A_491] {strides = array<i32>} : memref<80x128xf32, #tpu.memory_space<vmem>>, vector<16xf32>,
      tpu.vector_store %arg11[%swap3A_490, %swap3A_491], %broadcast_in_dim3A_489 {strides = array<i32>} : memref<80x128xf32, #tpu.memory_space<vmem>>, vector<16xf32>,
      %broadcast_in_dim3A_493 = arith.constant 0.000000e+00 : f32
      %broadcast_in_dim3A_494 = vector.broadcast %broadcast_in_dim3A_493 : f32 to vector<16xf32>
      %swap3A_495 = arith.index_cast %scan3A_477 : i32 to index
      %swap3A_496 = arith.constant 48 : index
      %swap3A_497 = tpu.vector_load %arg11[%swap3A_495, %swap3A_496] {strides = array<i32>} : memref<80x128xf32, #tpu.memory_space<vmem>>, vector<16xf32>,
      tpu.vector_store %arg11[%swap3A_495, %swap3A_496], %broadcast_in_dim3A_494 {strides = array<i32>} : memref<80x128xf32, #tpu.memory_space<vmem>>, vector<16xf32>,
      %broadcast_in_dim3A_498 = arith.constant 0.000000e+00 : f32
      %broadcast_in_dim3A_499 = vector.broadcast %broadcast_in_dim3A_498 : f32 to vector<16xf32>
      %swap3A_500 = arith.index_cast %scan3A_477 : i32 to index
      %swap3A_501 = arith.constant 64 : index
      %swap3A_502 = tpu.vector_load %arg11[%swap3A_500, %swap3A_501] {strides = array<i32>} : memref<80x128xf32, #tpu.memory_space<vmem>>, vector<16xf32>,
      tpu.vector_store %arg11[%swap3A_500, %swap3A_501], %broadcast_in_dim3A_499 {strides = array<i32>} : memref<80x128xf32, #tpu.memory_space<vmem>>, vector<16xf32>,
      %broadcast_in_dim3A_503 = arith.constant 0.000000e+00 : f32
      %broadcast_in_dim3A_504 = vector.broadcast %broadcast_in_dim3A_503 : f32 to vector<16xf32>
      %swap3A_505 = arith.index_cast %scan3A_477 : i32 to index
      %swap3A_506 = arith.constant 80 : index
      %swap3A_507 = tpu.vector_load %arg11[%swap3A_505, %swap3A_506] {strides = array<i32>} : memref<80x128xf32, #tpu.memory_space<vmem>>, vector<16xf32>,
      tpu.vector_store %arg11[%swap3A_505, %swap3A_506], %broadcast_in_dim3A_504 {strides = array<i32>} : memref<80x128xf32, #tpu.memory_space<vmem>>, vector<16xf32>,
      %broadcast_in_dim3A_508 = arith.constant 0.000000e+00 : f32
      %broadcast_in_dim3A_509 = vector.broadcast %broadcast_in_dim3A_508 : f32 to vector<16xf32>
      %swap3A_510 = arith.index_cast %scan3A_477 : i32 to index
      %swap3A_511 = arith.constant 96 : index
      %swap3A_512 = tpu.vector_load %arg11[%swap3A_510, %swap3A_511] {strides = array<i32>} : memref<80x128xf32, #tpu.memory_space<vmem>>, vector<16xf32>,
      tpu.vector_store %arg11[%swap3A_510, %swap3A_511], %broadcast_in_dim3A_509 {strides = array<i32>} : memref<80x128xf32, #tpu.memory_space<vmem>>, vector<16xf32>,
      %broadcast_in_dim3A_513 = arith.constant 0.000000e+00 : f32
      %broadcast_in_dim3A_514 = vector.broadcast %broadcast_in_dim3A_513 : f32 to vector<16xf32>
      %swap3A_515 = arith.index_cast %scan3A_477 : i32 to index
      %swap3A_516 = arith.constant 112 : index
      %swap3A_517 = tpu.vector_load %arg11[%swap3A_515, %swap3A_516] {strides = array<i32>} : memref<80x128xf32, #tpu.memory_space<vmem>>, vector<16xf32>,
      tpu.vector_store %arg11[%swap3A_515, %swap3A_516], %broadcast_in_dim3A_514 {strides = array<i32>} : memref<80x128xf32, #tpu.memory_space<vmem>>, vector<16xf32>,
      %scan3A_518 = arith.constant 0 : i32
      scf.yield %scan3A_518 : i32
    }
    %scan3A_11 = arith.constant 80 : i32
    %add3A_12 = arith.constant 0 : i32
    %add3A_13 = arith.addi %add3A_12, %arg1 : i32
    %lt3A = arith.constant 125 : i32
    %lt3A_14 = arith.cmpi slt, %add3A_13, %lt3A : i32
    %convert_element_type3A = arith.extui %lt3A_14 : i1 to i32
    %cond3A = arith.constant 0 : i32
    %cond3A_15 = arith.cmpi ne, %convert_element_type3A, %cond3A : i32
    scf.if %cond3A_15 {
      %mul3A_477 = arith.constant 80 : i32
      %mul3A_478 = arith.muli %add3A_13, %mul3A_477 : i32
      "tpu.region"() ({
        %run_scoped3A = tpu.sem_alloc : memref<!tpu.dma_semaphore, #tpu.memory_space<semaphore_mem>>
        %dma_start3A_479 = arith.constant 0 : i32
        %dma_start3A_480 = tpu.memref_slice %arg8[%mul3A_478, %dma_start3A_479] : memref<10000x128xf32, #tpu.memory_space<vmem_shared>> -> memref<80x128xf32, #tpu.memory_space<vmem_shared>>
        %dma_start3A_481 = arith.constant 0 : i32
        %dma_start3A_482 = tpu.memref_slice %arg8[%mul3A_478, %dma_start3A_481] : memref<10000x128xf32, #tpu.memory_space<vmem_shared>> -> memref<80x128xf32, #tpu.memory_space<vmem_shared>>
        tpu.enqueue_dma source(%arg11 : memref<80x128xf32, #tpu.memory_space<vmem>>) target(%dma_start3A_482 : memref<80x128xf32, #tpu.memory_space<vmem_shared>>) target_semaphore(%run_scoped3A : memref<!tpu.dma_semaphore, #tpu.memory_space<semaphore_mem>>)
        %dma_wait3A_483 = arith.constant 0 : i32
        %dma_wait3A_484 = tpu.memref_slice %arg8[%mul3A_478, %dma_wait3A_483] : memref<10000x128xf32, #tpu.memory_space<vmem_shared>> -> memref<80x128xf32, #tpu.memory_space<vmem_shared>>
        %dma_wait3A_485 = arith.constant 0 : i32
        %dma_wait3A_486 = tpu.memref_slice %arg8[%mul3A_478, %dma_wait3A_485] : memref<10000x128xf32, #tpu.memory_space<vmem_shared>> -> memref<80x128xf32, #tpu.memory_space<vmem_shared>>
        tpu.wait_dma2 semaphore(%run_scoped3A : memref<!tpu.dma_semaphore, #tpu.memory_space<semaphore_mem>>) src(%arg11 : memref<80x128xf32, #tpu.memory_space<vmem>>) dst(%dma_wait3A_486 : memref<80x128xf32, #tpu.memory_space<vmem_shared>>)
        tpu.yield
      }) : () -> ()
    } else {
    }
    %add3A_16 = arith.constant 16 : i32
    %add3A_17 = arith.addi %add3A_16, %arg1 : i32
    %lt3A_18 = arith.constant 125 : i32
    %lt3A_19 = arith.cmpi slt, %add3A_17, %lt3A_18 : i32
    %convert_element_type3A_20 = arith.extui %lt3A_19 : i1 to i32
    %cond3A_21 = arith.constant 0 : i32
    %cond3A_22 = arith.cmpi ne, %convert_element_type3A_20, %cond3A_21 : i32
    scf.if %cond3A_22 {
      %mul3A_477 = arith.constant 80 : i32
      %mul3A_478 = arith.muli %add3A_17, %mul3A_477 : i32
      "tpu.region"() ({
        %run_scoped3A = tpu.sem_alloc : memref<!tpu.dma_semaphore, #tpu.memory_space<semaphore_mem>>
        %dma_start3A_479 = arith.constant 0 : i32
        %dma_start3A_480 = tpu.memref_slice %arg8[%mul3A_478, %dma_start3A_479] : memref<10000x128xf32, #tpu.memory_space<vmem_shared>> -> memref<80x128xf32, #tpu.memory_space<vmem_shared>>
        %dma_start3A_481 = arith.constant 0 : i32
        %dma_start3A_482 = tpu.memref_slice %arg8[%mul3A_478, %dma_start3A_481] : memref<10000x128xf32, #tpu.memory_space<vmem_shared>> -> memref<80x128xf32, #tpu.memory_space<vmem_shared>>
        tpu.enqueue_dma source(%arg11 : memref<80x128xf32, #tpu.memory_space<vmem>>) target(%dma_start3A_482 : memref<80x128xf32, #tpu.memory_space<vmem_shared>>) target_semaphore(%run_scoped3A : memref<!tpu.dma_semaphore, #tpu.memory_space<semaphore_mem>>)
        %dma_wait3A_483 = arith.constant 0 : i32
        %dma_wait3A_484 = tpu.memref_slice %arg8[%mul3A_478, %dma_wait3A_483] : memref<10000x128xf32, #tpu.memory_space<vmem_shared>> -> memref<80x128xf32, #tpu.memory_space<vmem_shared>>
        %dma_wait3A_485 = arith.constant 0 : i32
        %dma_wait3A_486 = tpu.memref_slice %arg8[%mul3A_478, %dma_wait3A_485] : memref<10000x128xf32, #tpu.memory_space<vmem_shared>> -> memref<80x128xf32, #tpu.memory_space<vmem_shared>>
        tpu.wait_dma2 semaphore(%run_scoped3A : memref<!tpu.dma_semaphore, #tpu.memory_space<semaphore_mem>>) src(%arg11 : memref<80x128xf32, #tpu.memory_space<vmem>>) dst(%dma_wait3A_486 : memref<80x128xf32, #tpu.memory_space<vmem_shared>>)
        tpu.yield
      }) : () -> ()
    } else {
    }
    %add3A_23 = arith.constant 32 : i32
    %add3A_24 = arith.addi %add3A_23, %arg1 : i32
    %lt3A_25 = arith.constant 125 : i32
    %lt3A_26 = arith.cmpi slt, %add3A_24, %lt3A_25 : i32
    %convert_element_type3A_27 = arith.extui %lt3A_26 : i1 to i32
    %cond3A_28 = arith.constant 0 : i32
    %cond3A_29 = arith.cmpi ne, %convert_element_type3A_27, %cond3A_28 : i32
    scf.if %cond3A_29 {
      %mul3A_477 = arith.constant 80 : i32
      %mul3A_478 = arith.muli %add3A_24, %mul3A_477 : i32
      "tpu.region"() ({
        %run_scoped3A = tpu.sem_alloc : memref<!tpu.dma_semaphore, #tpu.memory_space<semaphore_mem>>
        %dma_start3A_479 = arith.constant 0 : i32
        %dma_start3A_480 = tpu.memref_slice %arg8[%mul3A_478, %dma_start3A_479] : memref<10000x128xf32, #tpu.memory_space<vmem_shared>> -> memref<80x128xf32, #tpu.memory_space<vmem_shared>>
        %dma_start3A_481 = arith.constant 0 : i32
        %dma_start3A_482 = tpu.memref_slice %arg8[%mul3A_478, %dma_start3A_481] : memref<10000x128xf32, #tpu.memory_space<vmem_shared>> -> memref<80x128xf32, #tpu.memory_space<vmem_shared>>
        tpu.enqueue_dma source(%arg11 : memref<80x128xf32, #tpu.memory_space<vmem>>) target(%dma_start3A_482 : memref<80x128xf32, #tpu.memory_space<vmem_shared>>) target_semaphore(%run_scoped3A : memref<!tpu.dma_semaphore, #tpu.memory_space<semaphore_mem>>)
        %dma_wait3A_483 = arith.constant 0 : i32
        %dma_wait3A_484 = tpu.memref_slice %arg8[%mul3A_478, %dma_wait3A_483] : memref<10000x128xf32, #tpu.memory_space<vmem_shared>> -> memref<80x128xf32, #tpu.memory_space<vmem_shared>>
        %dma_wait3A_485 = arith.constant 0 : i32
        %dma_wait3A_486 = tpu.memref_slice %arg8[%mul3A_478, %dma_wait3A_485] : memref<10000x128xf32, #tpu.memory_space<vmem_shared>> -> memref<80x128xf32, #tpu.memory_space<vmem_shared>>
        tpu.wait_dma2 semaphore(%run_scoped3A : memref<!tpu.dma_semaphore, #tpu.memory_space<semaphore_mem>>) src(%arg11 : memref<80x128xf32, #tpu.memory_space<vmem>>) dst(%dma_wait3A_486 : memref<80x128xf32, #tpu.memory_space<vmem_shared>>)
        tpu.yield
      }) : () -> ()
    } else {
    }
    %add3A_30 = arith.constant 48 : i32
    %add3A_31 = arith.addi %add3A_30, %arg1 : i32
    %lt3A_32 = arith.constant 125 : i32
    %lt3A_33 = arith.cmpi slt, %add3A_31, %lt3A_32 : i32
    %convert_element_type3A_34 = arith.extui %lt3A_33 : i1 to i32
    %cond3A_35 = arith.constant 0 : i32
    %cond3A_36 = arith.cmpi ne, %convert_element_type3A_34, %cond3A_35 : i32
    scf.if %cond3A_36 {
      %mul3A_477 = arith.constant 80 : i32
      %mul3A_478 = arith.muli %add3A_31, %mul3A_477 : i32
      "tpu.region"() ({
        %run_scoped3A = tpu.sem_alloc : memref<!tpu.dma_semaphore, #tpu.memory_space<semaphore_mem>>
        %dma_start3A_479 = arith.constant 0 : i32
        %dma_start3A_480 = tpu.memref_slice %arg8[%mul3A_478, %dma_start3A_479] : memref<10000x128xf32, #tpu.memory_space<vmem_shared>> -> memref<80x128xf32, #tpu.memory_space<vmem_shared>>
        %dma_start3A_481 = arith.constant 0 : i32
        %dma_start3A_482 = tpu.memref_slice %arg8[%mul3A_478, %dma_start3A_481] : memref<10000x128xf32, #tpu.memory_space<vmem_shared>> -> memref<80x128xf32, #tpu.memory_space<vmem_shared>>
        tpu.enqueue_dma source(%arg11 : memref<80x128xf32, #tpu.memory_space<vmem>>) target(%dma_start3A_482 : memref<80x128xf32, #tpu.memory_space<vmem_shared>>) target_semaphore(%run_scoped3A : memref<!tpu.dma_semaphore, #tpu.memory_space<semaphore_mem>>)
        %dma_wait3A_483 = arith.constant 0 : i32
        %dma_wait3A_484 = tpu.memref_slice %arg8[%mul3A_478, %dma_wait3A_483] : memref<10000x128xf32, #tpu.memory_space<vmem_shared>> -> memref<80x128xf32, #tpu.memory_space<vmem_shared>>
        %dma_wait3A_485 = arith.constant 0 : i32
        %dma_wait3A_486 = tpu.memref_slice %arg8[%mul3A_478, %dma_wait3A_485] : memref<10000x128xf32, #tpu.memory_space<vmem_shared>> -> memref<80x128xf32, #tpu.memory_space<vmem_shared>>
        tpu.wait_dma2 semaphore(%run_scoped3A : memref<!tpu.dma_semaphore, #tpu.memory_space<semaphore_mem>>) src(%arg11 : memref<80x128xf32, #tpu.memory_space<vmem>>) dst(%dma_wait3A_486 : memref<80x128xf32, #tpu.memory_space<vmem_shared>>)
        tpu.yield
      }) : () -> ()
    } else {
    }
    %add3A_37 = arith.constant 64 : i32
    %add3A_38 = arith.addi %add3A_37, %arg1 : i32
    %lt3A_39 = arith.constant 125 : i32
    %lt3A_40 = arith.cmpi slt, %add3A_38, %lt3A_39 : i32
    %convert_element_type3A_41 = arith.extui %lt3A_40 : i1 to i32
    %cond3A_42 = arith.constant 0 : i32
    %cond3A_43 = arith.cmpi ne, %convert_element_type3A_41, %cond3A_42 : i32
    scf.if %cond3A_43 {
      %mul3A_477 = arith.constant 80 : i32
      %mul3A_478 = arith.muli %add3A_38, %mul3A_477 : i32
      "tpu.region"() ({
        %run_scoped3A = tpu.sem_alloc : memref<!tpu.dma_semaphore, #tpu.memory_space<semaphore_mem>>
        %dma_start3A_479 = arith.constant 0 : i32
        %dma_start3A_480 = tpu.memref_slice %arg8[%mul3A_478, %dma_start3A_479] : memref<10000x128xf32, #tpu.memory_space<vmem_shared>> -> memref<80x128xf32, #tpu.memory_space<vmem_shared>>
        %dma_start3A_481 = arith.constant 0 : i32
        %dma_start3A_482 = tpu.memref_slice %arg8[%mul3A_478, %dma_start3A_481] : memref<10000x128xf32, #tpu.memory_space<vmem_shared>> -> memref<80x128xf32, #tpu.memory_space<vmem_shared>>
        tpu.enqueue_dma source(%arg11 : memref<80x128xf32, #tpu.memory_space<vmem>>) target(%dma_start3A_482 : memref<80x128xf32, #tpu.memory_space<vmem_shared>>) target_semaphore(%run_scoped3A : memref<!tpu.dma_semaphore, #tpu.memory_space<semaphore_mem>>)
        %dma_wait3A_483 = arith.constant 0 : i32
        %dma_wait3A_484 = tpu.memref_slice %arg8[%mul3A_478, %dma_wait3A_483] : memref<10000x128xf32, #tpu.memory_space<vmem_shared>> -> memref<80x128xf32, #tpu.memory_space<vmem_shared>>
        %dma_wait3A_485 = arith.constant 0 : i32
        %dma_wait3A_486 = tpu.memref_slice %arg8[%mul3A_478, %dma_wait3A_485] : memref<10000x128xf32, #tpu.memory_space<vmem_shared>> -> memref<80x128xf32, #tpu.memory_space<vmem_shared>>
        tpu.wait_dma2 semaphore(%run_scoped3A : memref<!tpu.dma_semaphore, #tpu.memory_space<semaphore_mem>>) src(%arg11 : memref<80x128xf32, #tpu.memory_space<vmem>>) dst(%dma_wait3A_486 : memref<80x128xf32, #tpu.memory_space<vmem_shared>>)
        tpu.yield
      }) : () -> ()
    } else {
    }
    %add3A_44 = arith.constant 80 : i32
    %add3A_45 = arith.addi %add3A_44, %arg1 : i32
    %lt3A_46 = arith.constant 125 : i32
    %lt3A_47 = arith.cmpi slt, %add3A_45, %lt3A_46 : i32
    %convert_element_type3A_48 = arith.extui %lt3A_47 : i1 to i32
    %cond3A_49 = arith.constant 0 : i32
    %cond3A_50 = arith.cmpi ne, %convert_element_type3A_48, %cond3A_49 : i32
    scf.if %cond3A_50 {
      %mul3A_477 = arith.constant 80 : i32
      %mul3A_478 = arith.muli %add3A_45, %mul3A_477 : i32
      "tpu.region"() ({
        %run_scoped3A = tpu.sem_alloc : memref<!tpu.dma_semaphore, #tpu.memory_space<semaphore_mem>>
        %dma_start3A_479 = arith.constant 0 : i32
        %dma_start3A_480 = tpu.memref_slice %arg8[%mul3A_478, %dma_start3A_479] : memref<10000x128xf32, #tpu.memory_space<vmem_shared>> -> memref<80x128xf32, #tpu.memory_space<vmem_shared>>
        %dma_start3A_481 = arith.constant 0 : i32
        %dma_start3A_482 = tpu.memref_slice %arg8[%mul3A_478, %dma_start3A_481] : memref<10000x128xf32, #tpu.memory_space<vmem_shared>> -> memref<80x128xf32, #tpu.memory_space<vmem_shared>>
        tpu.enqueue_dma source(%arg11 : memref<80x128xf32, #tpu.memory_space<vmem>>) target(%dma_start3A_482 : memref<80x128xf32, #tpu.memory_space<vmem_shared>>) target_semaphore(%run_scoped3A : memref<!tpu.dma_semaphore, #tpu.memory_space<semaphore_mem>>)
        %dma_wait3A_483 = arith.constant 0 : i32
        %dma_wait3A_484 = tpu.memref_slice %arg8[%mul3A_478, %dma_wait3A_483] : memref<10000x128xf32, #tpu.memory_space<vmem_shared>> -> memref<80x128xf32, #tpu.memory_space<vmem_shared>>
        %dma_wait3A_485 = arith.constant 0 : i32
        %dma_wait3A_486 = tpu.memref_slice %arg8[%mul3A_478, %dma_wait3A_485] : memref<10000x128xf32, #tpu.memory_space<vmem_shared>> -> memref<80x128xf32, #tpu.memory_space<vmem_shared>>
        tpu.wait_dma2 semaphore(%run_scoped3A : memref<!tpu.dma_semaphore, #tpu.memory_space<semaphore_mem>>) src(%arg11 : memref<80x128xf32, #tpu.memory_space<vmem>>) dst(%dma_wait3A_486 : memref<80x128xf32, #tpu.memory_space<vmem_shared>>)
        tpu.yield
      }) : () -> ()
    } else {
    }
    %add3A_51 = arith.constant 96 : i32
    %add3A_52 = arith.addi %add3A_51, %arg1 : i32
    %lt3A_53 = arith.constant 125 : i32
    %lt3A_54 = arith.cmpi slt, %add3A_52, %lt3A_53 : i32
    %convert_element_type3A_55 = arith.extui %lt3A_54 : i1 to i32
    %cond3A_56 = arith.constant 0 : i32
    %cond3A_57 = arith.cmpi ne, %convert_element_type3A_55, %cond3A_56 : i32
    scf.if %cond3A_57 {
      %mul3A_477 = arith.constant 80 : i32
      %mul3A_478 = arith.muli %add3A_52, %mul3A_477 : i32
      "tpu.region"() ({
        %run_scoped3A = tpu.sem_alloc : memref<!tpu.dma_semaphore, #tpu.memory_space<semaphore_mem>>
        %dma_start3A_479 = arith.constant 0 : i32
        %dma_start3A_480 = tpu.memref_slice %arg8[%mul3A_478, %dma_start3A_479] : memref<10000x128xf32, #tpu.memory_space<vmem_shared>> -> memref<80x128xf32, #tpu.memory_space<vmem_shared>>
        %dma_start3A_481 = arith.constant 0 : i32
        %dma_start3A_482 = tpu.memref_slice %arg8[%mul3A_478, %dma_start3A_481] : memref<10000x128xf32, #tpu.memory_space<vmem_shared>> -> memref<80x128xf32, #tpu.memory_space<vmem_shared>>
        tpu.enqueue_dma source(%arg11 : memref<80x128xf32, #tpu.memory_space<vmem>>) target(%dma_start3A_482 : memref<80x128xf32, #tpu.memory_space<vmem_shared>>) target_semaphore(%run_scoped3A : memref<!tpu.dma_semaphore, #tpu.memory_space<semaphore_mem>>)
        %dma_wait3A_483 = arith.constant 0 : i32
        %dma_wait3A_484 = tpu.memref_slice %arg8[%mul3A_478, %dma_wait3A_483] : memref<10000x128xf32, #tpu.memory_space<vmem_shared>> -> memref<80x128xf32, #tpu.memory_space<vmem_shared>>
        %dma_wait3A_485 = arith.constant 0 : i32
        %dma_wait3A_486 = tpu.memref_slice %arg8[%mul3A_478, %dma_wait3A_485] : memref<10000x128xf32, #tpu.memory_space<vmem_shared>> -> memref<80x128xf32, #tpu.memory_space<vmem_shared>>
        tpu.wait_dma2 semaphore(%run_scoped3A : memref<!tpu.dma_semaphore, #tpu.memory_space<semaphore_mem>>) src(%arg11 : memref<80x128xf32, #tpu.memory_space<vmem>>) dst(%dma_wait3A_486 : memref<80x128xf32, #tpu.memory_space<vmem_shared>>)
        tpu.yield
      }) : () -> ()
    } else {
    }
    %add3A_58 = arith.constant 112 : i32
    %add3A_59 = arith.addi %add3A_58, %arg1 : i32
    %lt3A_60 = arith.constant 125 : i32
    %lt3A_61 = arith.cmpi slt, %add3A_59, %lt3A_60 : i32
    %convert_element_type3A_62 = arith.extui %lt3A_61 : i1 to i32
    %cond3A_63 = arith.constant 0 : i32
    %cond3A_64 = arith.cmpi ne, %convert_element_type3A_62, %cond3A_63 : i32
    scf.if %cond3A_64 {
      %mul3A_477 = arith.constant 80 : i32
      %mul3A_478 = arith.muli %add3A_59, %mul3A_477 : i32
      "tpu.region"() ({
        %run_scoped3A = tpu.sem_alloc : memref<!tpu.dma_semaphore, #tpu.memory_space<semaphore_mem>>
        %dma_start3A_479 = arith.constant 0 : i32
        %dma_start3A_480 = tpu.memref_slice %arg8[%mul3A_478, %dma_start3A_479] : memref<10000x128xf32, #tpu.memory_space<vmem_shared>> -> memref<80x128xf32, #tpu.memory_space<vmem_shared>>
        %dma_start3A_481 = arith.constant 0 : i32
        %dma_start3A_482 = tpu.memref_slice %arg8[%mul3A_478, %dma_start3A_481] : memref<10000x128xf32, #tpu.memory_space<vmem_shared>> -> memref<80x128xf32, #tpu.memory_space<vmem_shared>>
        tpu.enqueue_dma source(%arg11 : memref<80x128xf32, #tpu.memory_space<vmem>>) target(%dma_start3A_482 : memref<80x128xf32, #tpu.memory_space<vmem_shared>>) target_semaphore(%run_scoped3A : memref<!tpu.dma_semaphore, #tpu.memory_space<semaphore_mem>>)
        %dma_wait3A_483 = arith.constant 0 : i32
        %dma_wait3A_484 = tpu.memref_slice %arg8[%mul3A_478, %dma_wait3A_483] : memref<10000x128xf32, #tpu.memory_space<vmem_shared>> -> memref<80x128xf32, #tpu.memory_space<vmem_shared>>
        %dma_wait3A_485 = arith.constant 0 : i32
        %dma_wait3A_486 = tpu.memref_slice %arg8[%mul3A_478, %dma_wait3A_485] : memref<10000x128xf32, #tpu.memory_space<vmem_shared>> -> memref<80x128xf32, #tpu.memory_space<vmem_shared>>
        tpu.wait_dma2 semaphore(%run_scoped3A : memref<!tpu.dma_semaphore, #tpu.memory_space<semaphore_mem>>) src(%arg11 : memref<80x128xf32, #tpu.memory_space<vmem>>) dst(%dma_wait3A_486 : memref<80x128xf32, #tpu.memory_space<vmem_shared>>)
        tpu.yield
      }) : () -> ()
    } else {
    }
    %scan3A_65 = arith.constant 0 : i32
    %scan3A_66 = arith.constant 0 : i32
    %scan3A_67 = arith.constant 41 : i32
    %scan3A_68 = arith.addi %scan3A_66, %scan3A_67 : i32
    %scan3A_69 = arith.constant 1 : i32
    %scan3A_70 = scf.for %scan3A_477 = %scan3A_66 to %scan3A_68 step %scan3A_69 iter_args(%scan3A_478 = %scan3A_65) -> (i32)  : i32 {
      %broadcast_in_dim3A_479 = arith.constant 0.000000e+00 : f32
      %broadcast_in_dim3A_480 = vector.broadcast %broadcast_in_dim3A_479 : f32 to vector<16xf32>
      %mul3A_481 = arith.constant 16 : i32
      %mul3A_482 = arith.muli %scan3A_477, %mul3A_481 : i32
      %swap3A = arith.index_cast %mul3A_482 : i32 to index
      %swap3A_483 = tpu.vector_load %arg13[%swap3A] {strides = array<i32>} : memref<656xf32, #tpu.memory_space<vmem>>, vector<16xf32>,
      tpu.vector_store %arg13[%swap3A], %broadcast_in_dim3A_480 {strides = array<i32>} : memref<656xf32, #tpu.memory_space<vmem>>, vector<16xf32>,
      %scan3A_484 = arith.constant 0 : i32
      scf.yield %scan3A_484 : i32
    }
    %scan3A_71 = arith.constant 41 : i32
    %barrier3A = arith.constant 0 : index
    tpu.barrier barrier_id(%barrier3A)
    %mul3A_72 = arith.constant 320000 : i32
    %mul3A_73 = arith.muli %arg0, %mul3A_72 : i32
    %add3A_74 = arith.addi %mul3A_73, %mul3A_0 : i32
    %add3A_75 = arith.constant 0 : i32
    %add3A_76 = arith.addi %add3A_74, %add3A_75 : i32
    %min3A = arith.constant 639920 : i32
    %min3A_77 = arith.minsi %add3A_76, %min3A : i32
    %dma_start3A = arith.constant 0 : i32
    %dma_start3A_78 = arith.constant 0 : i32
    %dma_start3A_79 = tpu.memref_slice %arg9[%dma_start3A, %dma_start3A_78] : memref<4x80xi32, #tpu.memory_space<vmem>> -> memref<1x80xi32, #tpu.memory_space<vmem>>
    %dma_start3A_80 = tpu.memref_squeeze %dma_start3A_79 : memref<1x80xi32, #tpu.memory_space<vmem>> -> memref<80xi32, #tpu.memory_space<vmem>>
    %dma_start3A_81 = tpu.memref_slice %arg3[%min3A_77] : memref<640000xi32, #tpu.memory_space<hbm>> -> memref<80xi32, #tpu.memory_space<hbm>>
    %dma_start3A_82 = arith.constant 0 : i32
    %dma_start3A_83 = tpu.memref_slice %arg9[%dma_start3A, %dma_start3A_82] : memref<4x80xi32, #tpu.memory_space<vmem>> -> memref<1x80xi32, #tpu.memory_space<vmem>>
    %dma_start3A_84 = tpu.memref_squeeze %dma_start3A_83 : memref<1x80xi32, #tpu.memory_space<vmem>> -> memref<80xi32, #tpu.memory_space<vmem>>
    %dma_start3A_85 = tpu.memref_slice %arg3[%min3A_77] : memref<640000xi32, #tpu.memory_space<hbm>> -> memref<80xi32, #tpu.memory_space<hbm>>
    tpu.enqueue_dma source(%dma_start3A_85 : memref<80xi32, #tpu.memory_space<hbm>>) target(%dma_start3A_84 : memref<80xi32, #tpu.memory_space<vmem>>) target_semaphore(%arg22 : memref<!tpu.dma_semaphore, #tpu.memory_space<semaphore_mem>>)
    %dma_wait3A = arith.constant 0 : i32
    %dma_wait3A_86 = arith.constant 0 : i32
    %dma_wait3A_87 = tpu.memref_slice %arg9[%dma_wait3A, %dma_wait3A_86] : memref<4x80xi32, #tpu.memory_space<vmem>> -> memref<1x80xi32, #tpu.memory_space<vmem>>
    %dma_wait3A_88 = tpu.memref_squeeze %dma_wait3A_87 : memref<1x80xi32, #tpu.memory_space<vmem>> -> memref<80xi32, #tpu.memory_space<vmem>>
    %dma_wait3A_89 = tpu.memref_slice %arg3[%min3A_77] : memref<640000xi32, #tpu.memory_space<hbm>> -> memref<80xi32, #tpu.memory_space<hbm>>
    %dma_wait3A_90 = arith.constant 0 : i32
    %dma_wait3A_91 = tpu.memref_slice %arg9[%dma_wait3A, %dma_wait3A_90] : memref<4x80xi32, #tpu.memory_space<vmem>> -> memref<1x80xi32, #tpu.memory_space<vmem>>
    %dma_wait3A_92 = tpu.memref_squeeze %dma_wait3A_91 : memref<1x80xi32, #tpu.memory_space<vmem>> -> memref<80xi32, #tpu.memory_space<vmem>>
    %dma_wait3A_93 = tpu.memref_slice %arg3[%min3A_77] : memref<640000xi32, #tpu.memory_space<hbm>> -> memref<80xi32, #tpu.memory_space<hbm>>
    tpu.wait_dma2 semaphore(%arg22 : memref<!tpu.dma_semaphore, #tpu.memory_space<semaphore_mem>>) src(%dma_wait3A_93 : memref<80xi32, #tpu.memory_space<hbm>>) dst(%dma_wait3A_92 : memref<80xi32, #tpu.memory_space<vmem>>)
    %dma_start3A_94 = arith.constant 0 : i32
    %dma_start3A_95 = arith.constant 0 : i32
    %dma_start3A_96 = tpu.memref_slice %arg10[%dma_start3A_94, %dma_start3A_95] : memref<4x80xi32, #tpu.memory_space<vmem>> -> memref<1x80xi32, #tpu.memory_space<vmem>>
    %dma_start3A_97 = tpu.memref_squeeze %dma_start3A_96 : memref<1x80xi32, #tpu.memory_space<vmem>> -> memref<80xi32, #tpu.memory_space<vmem>>
    %dma_start3A_98 = tpu.memref_slice %arg4[%min3A_77] : memref<640000xi32, #tpu.memory_space<hbm>> -> memref<80xi32, #tpu.memory_space<hbm>>
    %dma_start3A_99 = arith.constant 0 : i32
    %dma_start3A_100 = tpu.memref_slice %arg10[%dma_start3A_94, %dma_start3A_99] : memref<4x80xi32, #tpu.memory_space<vmem>> -> memref<1x80xi32, #tpu.memory_space<vmem>>
    %dma_start3A_101 = tpu.memref_squeeze %dma_start3A_100 : memref<1x80xi32, #tpu.memory_space<vmem>> -> memref<80xi32, #tpu.memory_space<vmem>>
    %dma_start3A_102 = tpu.memref_slice %arg4[%min3A_77] : memref<640000xi32, #tpu.memory_space<hbm>> -> memref<80xi32, #tpu.memory_space<hbm>>
    tpu.enqueue_dma source(%dma_start3A_102 : memref<80xi32, #tpu.memory_space<hbm>>) target(%dma_start3A_101 : memref<80xi32, #tpu.memory_space<vmem>>) target_semaphore(%arg22 : memref<!tpu.dma_semaphore, #tpu.memory_space<semaphore_mem>>)
    %dma_wait3A_103 = arith.constant 0 : i32
    %dma_wait3A_104 = arith.constant 0 : i32
    %dma_wait3A_105 = tpu.memref_slice %arg10[%dma_wait3A_103, %dma_wait3A_104] : memref<4x80xi32, #tpu.memory_space<vmem>> -> memref<1x80xi32, #tpu.memory_space<vmem>>
    %dma_wait3A_106 = tpu.memref_squeeze %dma_wait3A_105 : memref<1x80xi32, #tpu.memory_space<vmem>> -> memref<80xi32, #tpu.memory_space<vmem>>
    %dma_wait3A_107 = tpu.memref_slice %arg4[%min3A_77] : memref<640000xi32, #tpu.memory_space<hbm>> -> memref<80xi32, #tpu.memory_space<hbm>>
    %dma_wait3A_108 = arith.constant 0 : i32
    %dma_wait3A_109 = tpu.memref_slice %arg10[%dma_wait3A_103, %dma_wait3A_108] : memref<4x80xi32, #tpu.memory_space<vmem>> -> memref<1x80xi32, #tpu.memory_space<vmem>>
    %dma_wait3A_110 = tpu.memref_squeeze %dma_wait3A_109 : memref<1x80xi32, #tpu.memory_space<vmem>> -> memref<80xi32, #tpu.memory_space<vmem>>
    %dma_wait3A_111 = tpu.memref_slice %arg4[%min3A_77] : memref<640000xi32, #tpu.memory_space<hbm>> -> memref<80xi32, #tpu.memory_space<hbm>>
    tpu.wait_dma2 semaphore(%arg22 : memref<!tpu.dma_semaphore, #tpu.memory_space<semaphore_mem>>) src(%dma_wait3A_111 : memref<80xi32, #tpu.memory_space<hbm>>) dst(%dma_wait3A_110 : memref<80xi32, #tpu.memory_space<vmem>>)
    %scan3A_112 = arith.constant 0 : i32
    %scan3A_113 = arith.constant 0 : i32
    %scan3A_114 = arith.constant 5 : i32
    %scan3A_115 = arith.addi %scan3A_113, %scan3A_114 : i32
    %scan3A_116 = arith.constant 1 : i32
    %scan3A_117 = scf.for %scan3A_477 = %scan3A_113 to %scan3A_115 step %scan3A_116 iter_args(%scan3A_478 = %scan3A_112) -> (i32)  : i32 {
      %mul3A_479 = arith.constant 16 : i32
      %mul3A_480 = arith.muli %scan3A_477, %mul3A_479 : i32
      %get3A = arith.constant 0 : i32
      %get3A_481 = arith.index_cast %get3A : i32 to index
      %get3A_482 = arith.index_cast %mul3A_480 : i32 to index
      %get3A_483 = tpu.vector_load %arg9[%get3A_481, %get3A_482] {strides = array<i32>} : memref<4x80xi32, #tpu.memory_space<vmem>>, vector<16xi32>,
      %add3A_484 = vector.broadcast %mul3A_2 : i32 to vector<16xi32>
      %add3A_485 = arith.addi %get3A_483, %add3A_484 : vector<16xi32>
      %swap3A = arith.constant 0 : i32
      %swap3A_486 = arith.index_cast %swap3A : i32 to index
      %swap3A_487 = arith.index_cast %mul3A_480 : i32 to index
      %swap3A_488 = tpu.vector_load %arg9[%swap3A_486, %swap3A_487] {strides = array<i32>} : memref<4x80xi32, #tpu.memory_space<vmem>>, vector<16xi32>,
      tpu.vector_store %arg9[%swap3A_486, %swap3A_487], %add3A_485 {strides = array<i32>} : memref<4x80xi32, #tpu.memory_space<vmem>>, vector<16xi32>,
      %scan3A_489 = arith.constant 0 : i32
      scf.yield %scan3A_489 : i32
    }
    %scan3A_118 = arith.constant 5 : i32
    %add3A_119 = arith.constant 80 : i32
    %add3A_120 = arith.addi %add3A_74, %add3A_119 : i32
    %min3A_121 = arith.constant 639920 : i32
    %min3A_122 = arith.minsi %add3A_120, %min3A_121 : i32
    %dma_start3A_123 = arith.constant 1 : i32
    %dma_start3A_124 = arith.constant 0 : i32
    %dma_start3A_125 = tpu.memref_slice %arg9[%dma_start3A_123, %dma_start3A_124] : memref<4x80xi32, #tpu.memory_space<vmem>> -> memref<1x80xi32, #tpu.memory_space<vmem>>
    %dma_start3A_126 = tpu.memref_squeeze %dma_start3A_125 : memref<1x80xi32, #tpu.memory_space<vmem>> -> memref<80xi32, #tpu.memory_space<vmem>>
    %dma_start3A_127 = tpu.memref_slice %arg3[%min3A_122] : memref<640000xi32, #tpu.memory_space<hbm>> -> memref<80xi32, #tpu.memory_space<hbm>>
    %dma_start3A_128 = arith.constant 0 : i32
    %dma_start3A_129 = tpu.memref_slice %arg9[%dma_start3A_123, %dma_start3A_128] : memref<4x80xi32, #tpu.memory_space<vmem>> -> memref<1x80xi32, #tpu.memory_space<vmem>>
    %dma_start3A_130 = tpu.memref_squeeze %dma_start3A_129 : memref<1x80xi32, #tpu.memory_space<vmem>> -> memref<80xi32, #tpu.memory_space<vmem>>
    %dma_start3A_131 = tpu.memref_slice %arg3[%min3A_122] : memref<640000xi32, #tpu.memory_space<hbm>> -> memref<80xi32, #tpu.memory_space<hbm>>
    tpu.enqueue_dma source(%dma_start3A_131 : memref<80xi32, #tpu.memory_space<hbm>>) target(%dma_start3A_130 : memref<80xi32, #tpu.memory_space<vmem>>) target_semaphore(%arg22 : memref<!tpu.dma_semaphore, #tpu.memory_space<semaphore_mem>>)
    %dma_wait3A_132 = arith.constant 1 : i32
    %dma_wait3A_133 = arith.constant 0 : i32
    %dma_wait3A_134 = tpu.memref_slice %arg9[%dma_wait3A_132, %dma_wait3A_133] : memref<4x80xi32, #tpu.memory_space<vmem>> -> memref<1x80xi32, #tpu.memory_space<vmem>>
    %dma_wait3A_135 = tpu.memref_squeeze %dma_wait3A_134 : memref<1x80xi32, #tpu.memory_space<vmem>> -> memref<80xi32, #tpu.memory_space<vmem>>
    %dma_wait3A_136 = tpu.memref_slice %arg3[%min3A_122] : memref<640000xi32, #tpu.memory_space<hbm>> -> memref<80xi32, #tpu.memory_space<hbm>>
    %dma_wait3A_137 = arith.constant 0 : i32
    %dma_wait3A_138 = tpu.memref_slice %arg9[%dma_wait3A_132, %dma_wait3A_137] : memref<4x80xi32, #tpu.memory_space<vmem>> -> memref<1x80xi32, #tpu.memory_space<vmem>>
    %dma_wait3A_139 = tpu.memref_squeeze %dma_wait3A_138 : memref<1x80xi32, #tpu.memory_space<vmem>> -> memref<80xi32, #tpu.memory_space<vmem>>
    %dma_wait3A_140 = tpu.memref_slice %arg3[%min3A_122] : memref<640000xi32, #tpu.memory_space<hbm>> -> memref<80xi32, #tpu.memory_space<hbm>>
    tpu.wait_dma2 semaphore(%arg22 : memref<!tpu.dma_semaphore, #tpu.memory_space<semaphore_mem>>) src(%dma_wait3A_140 : memref<80xi32, #tpu.memory_space<hbm>>) dst(%dma_wait3A_139 : memref<80xi32, #tpu.memory_space<vmem>>)
    %dma_start3A_141 = arith.constant 1 : i32
    %dma_start3A_142 = arith.constant 0 : i32
    %dma_start3A_143 = tpu.memref_slice %arg10[%dma_start3A_141, %dma_start3A_142] : memref<4x80xi32, #tpu.memory_space<vmem>> -> memref<1x80xi32, #tpu.memory_space<vmem>>
    %dma_start3A_144 = tpu.memref_squeeze %dma_start3A_143 : memref<1x80xi32, #tpu.memory_space<vmem>> -> memref<80xi32, #tpu.memory_space<vmem>>
    %dma_start3A_145 = tpu.memref_slice %arg4[%min3A_122] : memref<640000xi32, #tpu.memory_space<hbm>> -> memref<80xi32, #tpu.memory_space<hbm>>
    %dma_start3A_146 = arith.constant 0 : i32
    %dma_start3A_147 = tpu.memref_slice %arg10[%dma_start3A_141, %dma_start3A_146] : memref<4x80xi32, #tpu.memory_space<vmem>> -> memref<1x80xi32, #tpu.memory_space<vmem>>
    %dma_start3A_148 = tpu.memref_squeeze %dma_start3A_147 : memref<1x80xi32, #tpu.memory_space<vmem>> -> memref<80xi32, #tpu.memory_space<vmem>>
    %dma_start3A_149 = tpu.memref_slice %arg4[%min3A_122] : memref<640000xi32, #tpu.memory_space<hbm>> -> memref<80xi32, #tpu.memory_space<hbm>>
    tpu.enqueue_dma source(%dma_start3A_149 : memref<80xi32, #tpu.memory_space<hbm>>) target(%dma_start3A_148 : memref<80xi32, #tpu.memory_space<vmem>>) target_semaphore(%arg22 : memref<!tpu.dma_semaphore, #tpu.memory_space<semaphore_mem>>)
    %dma_wait3A_150 = arith.constant 1 : i32
    %dma_wait3A_151 = arith.constant 0 : i32
    %dma_wait3A_152 = tpu.memref_slice %arg10[%dma_wait3A_150, %dma_wait3A_151] : memref<4x80xi32, #tpu.memory_space<vmem>> -> memref<1x80xi32, #tpu.memory_space<vmem>>
    %dma_wait3A_153 = tpu.memref_squeeze %dma_wait3A_152 : memref<1x80xi32, #tpu.memory_space<vmem>> -> memref<80xi32, #tpu.memory_space<vmem>>
    %dma_wait3A_154 = tpu.memref_slice %arg4[%min3A_122] : memref<640000xi32, #tpu.memory_space<hbm>> -> memref<80xi32, #tpu.memory_space<hbm>>
    %dma_wait3A_155 = arith.constant 0 : i32
    %dma_wait3A_156 = tpu.memref_slice %arg10[%dma_wait3A_150, %dma_wait3A_155] : memref<4x80xi32, #tpu.memory_space<vmem>> -> memref<1x80xi32, #tpu.memory_space<vmem>>
    %dma_wait3A_157 = tpu.memref_squeeze %dma_wait3A_156 : memref<1x80xi32, #tpu.memory_space<vmem>> -> memref<80xi32, #tpu.memory_space<vmem>>
    %dma_wait3A_158 = tpu.memref_slice %arg4[%min3A_122] : memref<640000xi32, #tpu.memory_space<hbm>> -> memref<80xi32, #tpu.memory_space<hbm>>
    tpu.wait_dma2 semaphore(%arg22 : memref<!tpu.dma_semaphore, #tpu.memory_space<semaphore_mem>>) src(%dma_wait3A_158 : memref<80xi32, #tpu.memory_space<hbm>>) dst(%dma_wait3A_157 : memref<80xi32, #tpu.memory_space<vmem>>)
    %scan3A_159 = arith.constant 0 : i32
    %scan3A_160 = arith.constant 0 : i32
    %scan3A_161 = arith.constant 5 : i32
    %scan3A_162 = arith.addi %scan3A_160, %scan3A_161 : i32
    %scan3A_163 = arith.constant 1 : i32
    %scan3A_164 = scf.for %scan3A_477 = %scan3A_160 to %scan3A_162 step %scan3A_163 iter_args(%scan3A_478 = %scan3A_159) -> (i32)  : i32 {
      %mul3A_479 = arith.constant 16 : i32
      %mul3A_480 = arith.muli %scan3A_477, %mul3A_479 : i32
      %get3A = arith.constant 1 : i32
      %get3A_481 = arith.index_cast %get3A : i32 to index
      %get3A_482 = arith.index_cast %mul3A_480 : i32 to index
      %get3A_483 = tpu.vector_load %arg9[%get3A_481, %get3A_482] {strides = array<i32>} : memref<4x80xi32, #tpu.memory_space<vmem>>, vector<16xi32>,
      %add3A_484 = vector.broadcast %mul3A_2 : i32 to vector<16xi32>
      %add3A_485 = arith.addi %get3A_483, %add3A_484 : vector<16xi32>
      %swap3A = arith.constant 1 : i32
      %swap3A_486 = arith.index_cast %swap3A : i32 to index
      %swap3A_487 = arith.index_cast %mul3A_480 : i32 to index
      %swap3A_488 = tpu.vector_load %arg9[%swap3A_486, %swap3A_487] {strides = array<i32>} : memref<4x80xi32, #tpu.memory_space<vmem>>, vector<16xi32>,
      tpu.vector_store %arg9[%swap3A_486, %swap3A_487], %add3A_485 {strides = array<i32>} : memref<4x80xi32, #tpu.memory_space<vmem>>, vector<16xi32>,
      %scan3A_489 = arith.constant 0 : i32
      scf.yield %scan3A_489 : i32
    }
    %scan3A_165 = arith.constant 5 : i32
    %dma_start3A_166 = arith.constant 0 : i32
    %dma_start3A_167 = arith.constant 0 : i32
    %dma_start3A_168 = tpu.memref_slice %arg9[%dma_start3A_166, %dma_start3A_167] : memref<4x80xi32, #tpu.memory_space<vmem>> -> memref<1x80xi32, #tpu.memory_space<vmem>>
    %dma_start3A_169 = tpu.memref_squeeze %dma_start3A_168 : memref<1x80xi32, #tpu.memory_space<vmem>> -> memref<80xi32, #tpu.memory_space<vmem>>
    %dma_start3A_170 = arith.constant 0 : i32
    %dma_start3A_171 = arith.constant 0 : i32
    %dma_start3A_172 = tpu.memref_slice %arg2[%dma_start3A_170, %dma_start3A_171] : memref<20000x128xf32, #tpu.memory_space<hbm>> -> memref<20000x128xf32, #tpu.memory_space<hbm>>
    tpu.enqueue_indirect_dma source(%dma_start3A_172 : memref<20000x128xf32, #tpu.memory_space<hbm>>) target(%arg11 : memref<80x128xf32, #tpu.memory_space<vmem>>) offsets(%dma_start3A_169 : memref<80xi32, #tpu.memory_space<vmem>>) semaphore(%arg17 : memref<!tpu.dma_semaphore, #tpu.memory_space<semaphore_mem>>)
    %dma_start3A_173 = arith.constant 1 : i32
    %dma_start3A_174 = arith.constant 0 : i32
    %dma_start3A_175 = tpu.memref_slice %arg9[%dma_start3A_173, %dma_start3A_174] : memref<4x80xi32, #tpu.memory_space<vmem>> -> memref<1x80xi32, #tpu.memory_space<vmem>>
    %dma_start3A_176 = tpu.memref_squeeze %dma_start3A_175 : memref<1x80xi32, #tpu.memory_space<vmem>> -> memref<80xi32, #tpu.memory_space<vmem>>
    %dma_start3A_177 = arith.constant 0 : i32
    %dma_start3A_178 = arith.constant 0 : i32
    %dma_start3A_179 = tpu.memref_slice %arg2[%dma_start3A_177, %dma_start3A_178] : memref<20000x128xf32, #tpu.memory_space<hbm>> -> memref<20000x128xf32, #tpu.memory_space<hbm>>
    tpu.enqueue_indirect_dma source(%dma_start3A_179 : memref<20000x128xf32, #tpu.memory_space<hbm>>) target(%arg12 : memref<80x128xf32, #tpu.memory_space<vmem>>) offsets(%dma_start3A_176 : memref<80xi32, #tpu.memory_space<vmem>>) semaphore(%arg18 : memref<!tpu.dma_semaphore, #tpu.memory_space<semaphore_mem>>)
    %mul3A_180 = arith.constant 320000 : i32
    %mul3A_181 = arith.muli %arg0, %mul3A_180 : i32
    %min3A_182 = arith.constant 0 : i32
    %min3A_183 = arith.constant 79 : i32
    %min3A_184 = arith.minsi %min3A_182, %min3A_183 : i32
    %mul3A_185 = arith.constant 4000 : i32
    %mul3A_186 = arith.muli %min3A_184, %mul3A_185 : i32
    %add3A_187 = arith.addi %mul3A_181, %mul3A_186 : i32
    %dma_start3A_188 = arith.constant 0 : i32
    %dma_start3A_189 = tpu.memref_slice %arg14[%dma_start3A_188] : memref<8000xi32, #tpu.memory_space<vmem>> -> memref<4000xi32, #tpu.memory_space<vmem>>
    %dma_start3A_190 = tpu.memref_slice %arg4[%add3A_187] : memref<640000xi32, #tpu.memory_space<hbm>> -> memref<4000xi32, #tpu.memory_space<hbm>>
    %dma_start3A_191 = arith.constant 0 : i32
    %dma_start3A_192 = tpu.memref_slice %arg14[%dma_start3A_191] : memref<8000xi32, #tpu.memory_space<vmem>> -> memref<4000xi32, #tpu.memory_space<vmem>>
    %dma_start3A_193 = tpu.memref_slice %arg4[%add3A_187] : memref<640000xi32, #tpu.memory_space<hbm>> -> memref<4000xi32, #tpu.memory_space<hbm>>
    tpu.enqueue_dma source(%dma_start3A_193 : memref<4000xi32, #tpu.memory_space<hbm>>) target(%dma_start3A_192 : memref<4000xi32, #tpu.memory_space<vmem>>) target_semaphore(%arg21 : memref<!tpu.dma_semaphore, #tpu.memory_space<semaphore_mem>>)
    %scan3A_194 = arith.constant 0 : i32
    %scan3A_195 = arith.constant 0 : i32
    %scan3A_196 = arith.constant 125 : i32
    %scan3A_197 = arith.addi %scan3A_195, %scan3A_196 : i32
    %scan3A_198 = arith.constant 1 : i32
    %scan3A_199 = scf.for %scan3A_477 = %scan3A_195 to %scan3A_197 step %scan3A_198 iter_args(%scan3A_478 = %scan3A_194) -> (i32)  : i32 {
      %mul3A_479 = arith.constant 2 : i32
      %mul3A_480 = arith.muli %mul3A_479, %scan3A_477 : i32
      %add3A_481 = arith.constant 0 : i32
      %add3A_482 = arith.addi %mul3A_480, %add3A_481 : i32
      %jit3A = arith.constant 4 : i32
      %eq3A = arith.constant 0 : i32
      %eq3A_483 = arith.cmpi eq, %jit3A, %eq3A : i32
      %jit3A_484 = arith.constant 1 : i32
      %select_n3A = arith.select %eq3A_483, %jit3A_484, %jit3A : i32
      %rem3A = arith.remsi %add3A_482, %select_n3A : i32
      %ne3A = arith.constant 0 : i32
      %ne3A_485 = arith.cmpi ne, %rem3A, %ne3A : i32
      %lt3A_486 = arith.constant 0 : i32
      %lt3A_487 = arith.cmpi slt, %rem3A, %lt3A_486 : i32
      %lt3A_488 = arith.constant 0 : i32
      %lt3A_489 = arith.cmpi slt, %select_n3A, %lt3A_488 : i32
      %ne3A_490 = arith.xori %lt3A_487, %lt3A_489 : i1
      %and3A = arith.andi %ne3A_490, %ne3A_485 : i1
      %add3A_491 = arith.addi %rem3A, %select_n3A : i32
      %select_n3A_492 = arith.select %and3A, %add3A_491, %rem3A : i32
      %dma_wait3A_493 = arith.constant 0 : i32
      %dma_wait3A_494 = tpu.memref_slice %arg9[%select_n3A_492, %dma_wait3A_493] : memref<4x80xi32, #tpu.memory_space<vmem>> -> memref<1x80xi32, #tpu.memory_space<vmem>>
      %dma_wait3A_495 = tpu.memref_squeeze %dma_wait3A_494 : memref<1x80xi32, #tpu.memory_space<vmem>> -> memref<80xi32, #tpu.memory_space<vmem>>
      %dma_wait3A_496 = arith.constant 0 : i32
      %dma_wait3A_497 = arith.constant 0 : i32
      %dma_wait3A_498 = tpu.memref_slice %arg2[%dma_wait3A_496, %dma_wait3A_497] : memref<20000x128xf32, #tpu.memory_space<hbm>> -> memref<20000x128xf32, #tpu.memory_space<hbm>>
      tpu.wait_indirect_dma semaphore(%arg17 : memref<!tpu.dma_semaphore, #tpu.memory_space<semaphore_mem>>) src(%dma_wait3A_498 : memref<20000x128xf32, #tpu.memory_space<hbm>>) dst(%arg11 : memref<80x128xf32, #tpu.memory_space<vmem>>)
      %jit3A_499 = arith.constant 4 : i32
      %eq3A_500 = arith.constant 0 : i32
      %eq3A_501 = arith.cmpi eq, %jit3A_499, %eq3A_500 : i32
      %jit3A_502 = arith.constant 1 : i32
      %select_n3A_503 = arith.select %eq3A_501, %jit3A_502, %jit3A_499 : i32
      %rem3A_504 = arith.remsi %add3A_482, %select_n3A_503 : i32
      %ne3A_505 = arith.constant 0 : i32
      %ne3A_506 = arith.cmpi ne, %rem3A_504, %ne3A_505 : i32
      %lt3A_507 = arith.constant 0 : i32
      %lt3A_508 = arith.cmpi slt, %rem3A_504, %lt3A_507 : i32
      %lt3A_509 = arith.constant 0 : i32
      %lt3A_510 = arith.cmpi slt, %select_n3A_503, %lt3A_509 : i32
      %ne3A_511 = arith.xori %lt3A_508, %lt3A_510 : i1
      %and3A_512 = arith.andi %ne3A_511, %ne3A_506 : i1
      %add3A_513 = arith.addi %rem3A_504, %select_n3A_503 : i32
      %select_n3A_514 = arith.select %and3A_512, %add3A_513, %rem3A_504 : i32
      %dma_start3A_515 = arith.constant 0 : i32
      %dma_start3A_516 = tpu.memref_slice %arg10[%select_n3A_514, %dma_start3A_515] : memref<4x80xi32, #tpu.memory_space<vmem>> -> memref<1x80xi32, #tpu.memory_space<vmem>>
      %dma_start3A_517 = tpu.memref_squeeze %dma_start3A_516 : memref<1x80xi32, #tpu.memory_space<vmem>> -> memref<80xi32, #tpu.memory_space<vmem>>
      %dma_start3A_518 = arith.constant 0 : i32
      %dma_start3A_519 = arith.constant 0 : i32
      %dma_start3A_520 = tpu.memref_slice %arg8[%dma_start3A_518, %dma_start3A_519] : memref<10000x128xf32, #tpu.memory_space<vmem_shared>> -> memref<10000x128xf32, #tpu.memory_space<vmem_shared>>
      tpu.enqueue_indirect_dma source(%arg11 : memref<80x128xf32, #tpu.memory_space<vmem>>) target(%dma_start3A_520 : memref<10000x128xf32, #tpu.memory_space<vmem_shared>>) offsets(%dma_start3A_517 : memref<80xi32, #tpu.memory_space<vmem>>) semaphore(%arg19 : memref<!tpu.dma_semaphore, #tpu.memory_space<semaphore_mem>>) {add = true}
      %add3A_521 = arith.constant 2 : i32
      %add3A_522 = arith.addi %add3A_482, %add3A_521 : i32
      %add3A_523 = arith.constant 2 : i32
      %add3A_524 = arith.addi %add3A_482, %add3A_523 : i32
      %jit3A_525 = arith.constant 4 : i32
      %eq3A_526 = arith.constant 0 : i32
      %eq3A_527 = arith.cmpi eq, %jit3A_525, %eq3A_526 : i32
      %jit3A_528 = arith.constant 1 : i32
      %select_n3A_529 = arith.select %eq3A_527, %jit3A_528, %jit3A_525 : i32
      %rem3A_530 = arith.remsi %add3A_524, %select_n3A_529 : i32
      %ne3A_531 = arith.constant 0 : i32
      %ne3A_532 = arith.cmpi ne, %rem3A_530, %ne3A_531 : i32
      %lt3A_533 = arith.constant 0 : i32
      %lt3A_534 = arith.cmpi slt, %rem3A_530, %lt3A_533 : i32
      %lt3A_535 = arith.constant 0 : i32
      %lt3A_536 = arith.cmpi slt, %select_n3A_529, %lt3A_535 : i32
      %ne3A_537 = arith.xori %lt3A_534, %lt3A_536 : i1
      %and3A_538 = arith.andi %ne3A_537, %ne3A_532 : i1
      %add3A_539 = arith.addi %rem3A_530, %select_n3A_529 : i32
      %select_n3A_540 = arith.select %and3A_538, %add3A_539, %rem3A_530 : i32
      %mul3A_541 = arith.constant 80 : i32
      %mul3A_542 = arith.muli %add3A_522, %mul3A_541 : i32
      %add3A_543 = arith.addi %add3A_74, %mul3A_542 : i32
      %min3A_544 = arith.constant 639920 : i32
      %min3A_545 = arith.minsi %add3A_543, %min3A_544 : i32
      %dma_start3A_546 = arith.constant 0 : i32
      %dma_start3A_547 = tpu.memref_slice %arg9[%select_n3A_540, %dma_start3A_546] : memref<4x80xi32, #tpu.memory_space<vmem>> -> memref<1x80xi32, #tpu.memory_space<vmem>>
      %dma_start3A_548 = tpu.memref_squeeze %dma_start3A_547 : memref<1x80xi32, #tpu.memory_space<vmem>> -> memref<80xi32, #tpu.memory_space<vmem>>
      %dma_start3A_549 = tpu.memref_slice %arg3[%min3A_545] : memref<640000xi32, #tpu.memory_space<hbm>> -> memref<80xi32, #tpu.memory_space<hbm>>
      %dma_start3A_550 = arith.constant 0 : i32
      %dma_start3A_551 = tpu.memref_slice %arg9[%select_n3A_540, %dma_start3A_550] : memref<4x80xi32, #tpu.memory_space<vmem>> -> memref<1x80xi32, #tpu.memory_space<vmem>>
      %dma_start3A_552 = tpu.memref_squeeze %dma_start3A_551 : memref<1x80xi32, #tpu.memory_space<vmem>> -> memref<80xi32, #tpu.memory_space<vmem>>
      %dma_start3A_553 = tpu.memref_slice %arg3[%min3A_545] : memref<640000xi32, #tpu.memory_space<hbm>> -> memref<80xi32, #tpu.memory_space<hbm>>
      tpu.enqueue_dma source(%dma_start3A_553 : memref<80xi32, #tpu.memory_space<hbm>>) target(%dma_start3A_552 : memref<80xi32, #tpu.memory_space<vmem>>) target_semaphore(%arg22 : memref<!tpu.dma_semaphore, #tpu.memory_space<semaphore_mem>>)
      %dma_start3A_554 = arith.constant 0 : i32
      %dma_start3A_555 = tpu.memref_slice %arg10[%select_n3A_540, %dma_start3A_554] : memref<4x80xi32, #tpu.memory_space<vmem>> -> memref<1x80xi32, #tpu.memory_space<vmem>>
      %dma_start3A_556 = tpu.memref_squeeze %dma_start3A_555 : memref<1x80xi32, #tpu.memory_space<vmem>> -> memref<80xi32, #tpu.memory_space<vmem>>
      %dma_start3A_557 = tpu.memref_slice %arg4[%min3A_545] : memref<640000xi32, #tpu.memory_space<hbm>> -> memref<80xi32, #tpu.memory_space<hbm>>
      %dma_start3A_558 = arith.constant 0 : i32
      %dma_start3A_559 = tpu.memref_slice %arg10[%select_n3A_540, %dma_start3A_558] : memref<4x80xi32, #tpu.memory_space<vmem>> -> memref<1x80xi32, #tpu.memory_space<vmem>>
      %dma_start3A_560 = tpu.memref_squeeze %dma_start3A_559 : memref<1x80xi32, #tpu.memory_space<vmem>> -> memref<80xi32, #tpu.memory_space<vmem>>
      %dma_start3A_561 = tpu.memref_slice %arg4[%min3A_545] : memref<640000xi32, #tpu.memory_space<hbm>> -> memref<80xi32, #tpu.memory_space<hbm>>
      tpu.enqueue_dma source(%dma_start3A_561 : memref<80xi32, #tpu.memory_space<hbm>>) target(%dma_start3A_560 : memref<80xi32, #tpu.memory_space<vmem>>) target_semaphore(%arg22 : memref<!tpu.dma_semaphore, #tpu.memory_space<semaphore_mem>>)
      %dma_wait3A_562 = arith.constant 0 : i32
      %dma_wait3A_563 = tpu.memref_slice %arg10[%select_n3A_514, %dma_wait3A_562] : memref<4x80xi32, #tpu.memory_space<vmem>> -> memref<1x80xi32, #tpu.memory_space<vmem>>
      %dma_wait3A_564 = tpu.memref_squeeze %dma_wait3A_563 : memref<1x80xi32, #tpu.memory_space<vmem>> -> memref<80xi32, #tpu.memory_space<vmem>>
      %dma_wait3A_565 = arith.constant 0 : i32
      %dma_wait3A_566 = arith.constant 0 : i32
      %dma_wait3A_567 = tpu.memref_slice %arg8[%dma_wait3A_565, %dma_wait3A_566] : memref<10000x128xf32, #tpu.memory_space<vmem_shared>> -> memref<10000x128xf32, #tpu.memory_space<vmem_shared>>
      tpu.wait_indirect_dma semaphore(%arg19 : memref<!tpu.dma_semaphore, #tpu.memory_space<semaphore_mem>>) src(%arg11 : memref<80x128xf32, #tpu.memory_space<vmem>>) dst(%dma_wait3A_567 : memref<10000x128xf32, #tpu.memory_space<vmem_shared>>)
      %dma_wait3A_568 = arith.constant 0 : i32
      %dma_wait3A_569 = tpu.memref_slice %arg9[%select_n3A_540, %dma_wait3A_568] : memref<4x80xi32, #tpu.memory_space<vmem>> -> memref<1x80xi32, #tpu.memory_space<vmem>>
      %dma_wait3A_570 = tpu.memref_squeeze %dma_wait3A_569 : memref<1x80xi32, #tpu.memory_space<vmem>> -> memref<80xi32, #tpu.memory_space<vmem>>
      %dma_wait3A_571 = tpu.memref_slice %arg3[%min3A_545] : memref<640000xi32, #tpu.memory_space<hbm>> -> memref<80xi32, #tpu.memory_space<hbm>>
      %dma_wait3A_572 = arith.constant 0 : i32
      %dma_wait3A_573 = tpu.memref_slice %arg9[%select_n3A_540, %dma_wait3A_572] : memref<4x80xi32, #tpu.memory_space<vmem>> -> memref<1x80xi32, #tpu.memory_space<vmem>>
      %dma_wait3A_574 = tpu.memref_squeeze %dma_wait3A_573 : memref<1x80xi32, #tpu.memory_space<vmem>> -> memref<80xi32, #tpu.memory_space<vmem>>
      %dma_wait3A_575 = tpu.memref_slice %arg3[%min3A_545] : memref<640000xi32, #tpu.memory_space<hbm>> -> memref<80xi32, #tpu.memory_space<hbm>>
      tpu.wait_dma2 semaphore(%arg22 : memref<!tpu.dma_semaphore, #tpu.memory_space<semaphore_mem>>) src(%dma_wait3A_575 : memref<80xi32, #tpu.memory_space<hbm>>) dst(%dma_wait3A_574 : memref<80xi32, #tpu.memory_space<vmem>>)
      %dma_wait3A_576 = arith.constant 0 : i32
      %dma_wait3A_577 = tpu.memref_slice %arg10[%select_n3A_540, %dma_wait3A_576] : memref<4x80xi32, #tpu.memory_space<vmem>> -> memref<1x80xi32, #tpu.memory_space<vmem>>
      %dma_wait3A_578 = tpu.memref_squeeze %dma_wait3A_577 : memref<1x80xi32, #tpu.memory_space<vmem>> -> memref<80xi32, #tpu.memory_space<vmem>>
      %dma_wait3A_579 = tpu.memref_slice %arg4[%min3A_545] : memref<640000xi32, #tpu.memory_space<hbm>> -> memref<80xi32, #tpu.memory_space<hbm>>
      %dma_wait3A_580 = arith.constant 0 : i32
      %dma_wait3A_581 = tpu.memref_slice %arg10[%select_n3A_540, %dma_wait3A_580] : memref<4x80xi32, #tpu.memory_space<vmem>> -> memref<1x80xi32, #tpu.memory_space<vmem>>
      %dma_wait3A_582 = tpu.memref_squeeze %dma_wait3A_581 : memref<1x80xi32, #tpu.memory_space<vmem>> -> memref<80xi32, #tpu.memory_space<vmem>>
      %dma_wait3A_583 = tpu.memref_slice %arg4[%min3A_545] : memref<640000xi32, #tpu.memory_space<hbm>> -> memref<80xi32, #tpu.memory_space<hbm>>
      tpu.wait_dma2 semaphore(%arg22 : memref<!tpu.dma_semaphore, #tpu.memory_space<semaphore_mem>>) src(%dma_wait3A_583 : memref<80xi32, #tpu.memory_space<hbm>>) dst(%dma_wait3A_582 : memref<80xi32, #tpu.memory_space<vmem>>)
      %add3A_584 = arith.constant 2 : i32
      %add3A_585 = arith.addi %add3A_482, %add3A_584 : i32
      %jit3A_586 = arith.constant 4 : i32
      %eq3A_587 = arith.constant 0 : i32
      %eq3A_588 = arith.cmpi eq, %jit3A_586, %eq3A_587 : i32
      %jit3A_589 = arith.constant 1 : i32
      %select_n3A_590 = arith.select %eq3A_588, %jit3A_589, %jit3A_586 : i32
      %rem3A_591 = arith.remsi %add3A_585, %select_n3A_590 : i32
      %ne3A_592 = arith.constant 0 : i32
      %ne3A_593 = arith.cmpi ne, %rem3A_591, %ne3A_592 : i32
      %lt3A_594 = arith.constant 0 : i32
      %lt3A_595 = arith.cmpi slt, %rem3A_591, %lt3A_594 : i32
      %lt3A_596 = arith.constant 0 : i32
      %lt3A_597 = arith.cmpi slt, %select_n3A_590, %lt3A_596 : i32
      %ne3A_598 = arith.xori %lt3A_595, %lt3A_597 : i1
      %and3A_599 = arith.andi %ne3A_598, %ne3A_593 : i1
      %add3A_600 = arith.addi %rem3A_591, %select_n3A_590 : i32
      %select_n3A_601 = arith.select %and3A_599, %add3A_600, %rem3A_591 : i32
      %scan3A_602 = arith.constant 0 : i32
      %scan3A_603 = arith.constant 0 : i32
      %scan3A_604 = arith.constant 5 : i32
      %scan3A_605 = arith.addi %scan3A_603, %scan3A_604 : i32
      %scan3A_606 = arith.constant 1 : i32
      %scan3A_607 = scf.for %scan3A_799 = %scan3A_603 to %scan3A_605 step %scan3A_606 iter_args(%scan3A_800 = %scan3A_602) -> (i32)  : i32 {
        %mul3A_801 = arith.constant 16 : i32
        %mul3A_802 = arith.muli %scan3A_799, %mul3A_801 : i32
        %get3A = arith.index_cast %select_n3A_601 : i32 to index
        %get3A_803 = arith.index_cast %mul3A_802 : i32 to index
        %get3A_804 = tpu.vector_load %arg9[%get3A, %get3A_803] {strides = array<i32>} : memref<4x80xi32, #tpu.memory_space<vmem>>, vector<16xi32>,
        %add3A_805 = vector.broadcast %mul3A_2 : i32 to vector<16xi32>
        %add3A_806 = arith.addi %get3A_804, %add3A_805 : vector<16xi32>
        %swap3A = arith.index_cast %select_n3A_601 : i32 to index
        %swap3A_807 = arith.index_cast %mul3A_802 : i32 to index
        %swap3A_808 = tpu.vector_load %arg9[%swap3A, %swap3A_807] {strides = array<i32>} : memref<4x80xi32, #tpu.memory_space<vmem>>, vector<16xi32>,
        tpu.vector_store %arg9[%swap3A, %swap3A_807], %add3A_806 {strides = array<i32>} : memref<4x80xi32, #tpu.memory_space<vmem>>, vector<16xi32>,
        %scan3A_809 = arith.constant 0 : i32
        scf.yield %scan3A_809 : i32
      }
      %scan3A_608 = arith.constant 5 : i32
      %add3A_609 = arith.constant 2 : i32
      %add3A_610 = arith.addi %add3A_482, %add3A_609 : i32
      %jit3A_611 = arith.constant 4 : i32
      %eq3A_612 = arith.constant 0 : i32
      %eq3A_613 = arith.cmpi eq, %jit3A_611, %eq3A_612 : i32
      %jit3A_614 = arith.constant 1 : i32
      %select_n3A_615 = arith.select %eq3A_613, %jit3A_614, %jit3A_611 : i32
      %rem3A_616 = arith.remsi %add3A_610, %select_n3A_615 : i32
      %ne3A_617 = arith.constant 0 : i32
      %ne3A_618 = arith.cmpi ne, %rem3A_616, %ne3A_617 : i32
      %lt3A_619 = arith.constant 0 : i32
      %lt3A_620 = arith.cmpi slt, %rem3A_616, %lt3A_619 : i32
      %lt3A_621 = arith.constant 0 : i32
      %lt3A_622 = arith.cmpi slt, %select_n3A_615, %lt3A_621 : i32
      %ne3A_623 = arith.xori %lt3A_620, %lt3A_622 : i1
      %and3A_624 = arith.andi %ne3A_623, %ne3A_618 : i1
      %add3A_625 = arith.addi %rem3A_616, %select_n3A_615 : i32
      %select_n3A_626 = arith.select %and3A_624, %add3A_625, %rem3A_616 : i32
      %dma_start3A_627 = arith.constant 0 : i32
      %dma_start3A_628 = tpu.memref_slice %arg9[%select_n3A_626, %dma_start3A_627] : memref<4x80xi32, #tpu.memory_space<vmem>> -> memref<1x80xi32, #tpu.memory_space<vmem>>
      %dma_start3A_629 = tpu.memref_squeeze %dma_start3A_628 : memref<1x80xi32, #tpu.memory_space<vmem>> -> memref<80xi32, #tpu.memory_space<vmem>>
      %dma_start3A_630 = arith.constant 0 : i32
      %dma_start3A_631 = arith.constant 0 : i32
      %dma_start3A_632 = tpu.memref_slice %arg2[%dma_start3A_630, %dma_start3A_631] : memref<20000x128xf32, #tpu.memory_space<hbm>> -> memref<20000x128xf32, #tpu.memory_space<hbm>>
      tpu.enqueue_indirect_dma source(%dma_start3A_632 : memref<20000x128xf32, #tpu.memory_space<hbm>>) target(%arg11 : memref<80x128xf32, #tpu.memory_space<vmem>>) offsets(%dma_start3A_629 : memref<80xi32, #tpu.memory_space<vmem>>) semaphore(%arg17 : memref<!tpu.dma_semaphore, #tpu.memory_space<semaphore_mem>>)
      %mul3A_633 = arith.constant 2 : i32
      %mul3A_634 = arith.muli %mul3A_633, %scan3A_477 : i32
      %add3A_635 = arith.constant 1 : i32
      %add3A_636 = arith.addi %mul3A_634, %add3A_635 : i32
      %jit3A_637 = arith.constant 4 : i32
      %eq3A_638 = arith.constant 0 : i32
      %eq3A_639 = arith.cmpi eq, %jit3A_637, %eq3A_638 : i32
      %jit3A_640 = arith.constant 1 : i32
      %select_n3A_641 = arith.select %eq3A_639, %jit3A_640, %jit3A_637 : i32
      %rem3A_642 = arith.remsi %add3A_636, %select_n3A_641 : i32
      %ne3A_643 = arith.constant 0 : i32
      %ne3A_644 = arith.cmpi ne, %rem3A_642, %ne3A_643 : i32
      %lt3A_645 = arith.constant 0 : i32
      %lt3A_646 = arith.cmpi slt, %rem3A_642, %lt3A_645 : i32
      %lt3A_647 = arith.constant 0 : i32
      %lt3A_648 = arith.cmpi slt, %select_n3A_641, %lt3A_647 : i32
      %ne3A_649 = arith.xori %lt3A_646, %lt3A_648 : i1
      %and3A_650 = arith.andi %ne3A_649, %ne3A_644 : i1
      %add3A_651 = arith.addi %rem3A_642, %select_n3A_641 : i32
      %select_n3A_652 = arith.select %and3A_650, %add3A_651, %rem3A_642 : i32
      %dma_wait3A_653 = arith.constant 0 : i32
      %dma_wait3A_654 = tpu.memref_slice %arg9[%select_n3A_652, %dma_wait3A_653] : memref<4x80xi32, #tpu.memory_space<vmem>> -> memref<1x80xi32, #tpu.memory_space<vmem>>
      %dma_wait3A_655 = tpu.memref_squeeze %dma_wait3A_654 : memref<1x80xi32, #tpu.memory_space<vmem>> -> memref<80xi32, #tpu.memory_space<vmem>>
      %dma_wait3A_656 = arith.constant 0 : i32
      %dma_wait3A_657 = arith.constant 0 : i32
      %dma_wait3A_658 = tpu.memref_slice %arg2[%dma_wait3A_656, %dma_wait3A_657] : memref<20000x128xf32, #tpu.memory_space<hbm>> -> memref<20000x128xf32, #tpu.memory_space<hbm>>
      tpu.wait_indirect_dma semaphore(%arg18 : memref<!tpu.dma_semaphore, #tpu.memory_space<semaphore_mem>>) src(%dma_wait3A_658 : memref<20000x128xf32, #tpu.memory_space<hbm>>) dst(%arg12 : memref<80x128xf32, #tpu.memory_space<vmem>>)
      %jit3A_659 = arith.constant 4 : i32
      %eq3A_660 = arith.constant 0 : i32
      %eq3A_661 = arith.cmpi eq, %jit3A_659, %eq3A_660 : i32
      %jit3A_662 = arith.constant 1 : i32
      %select_n3A_663 = arith.select %eq3A_661, %jit3A_662, %jit3A_659 : i32
      %rem3A_664 = arith.remsi %add3A_636, %select_n3A_663 : i32
      %ne3A_665 = arith.constant 0 : i32
      %ne3A_666 = arith.cmpi ne, %rem3A_664, %ne3A_665 : i32
      %lt3A_667 = arith.constant 0 : i32
      %lt3A_668 = arith.cmpi slt, %rem3A_664, %lt3A_667 : i32
      %lt3A_669 = arith.constant 0 : i32
      %lt3A_670 = arith.cmpi slt, %select_n3A_663, %lt3A_669 : i32
      %ne3A_671 = arith.xori %lt3A_668, %lt3A_670 : i1
      %and3A_672 = arith.andi %ne3A_671, %ne3A_666 : i1
      %add3A_673 = arith.addi %rem3A_664, %select_n3A_663 : i32
      %select_n3A_674 = arith.select %and3A_672, %add3A_673, %rem3A_664 : i32
      %dma_start3A_675 = arith.constant 0 : i32
      %dma_start3A_676 = tpu.memref_slice %arg10[%select_n3A_674, %dma_start3A_675] : memref<4x80xi32, #tpu.memory_space<vmem>> -> memref<1x80xi32, #tpu.memory_space<vmem>>
      %dma_start3A_677 = tpu.memref_squeeze %dma_start3A_676 : memref<1x80xi32, #tpu.memory_space<vmem>> -> memref<80xi32, #tpu.memory_space<vmem>>
      %dma_start3A_678 = arith.constant 0 : i32
      %dma_start3A_679 = arith.constant 0 : i32
      %dma_start3A_680 = tpu.memref_slice %arg8[%dma_start3A_678, %dma_start3A_679] : memref<10000x128xf32, #tpu.memory_space<vmem_shared>> -> memref<10000x128xf32, #tpu.memory_space<vmem_shared>>
      tpu.enqueue_indirect_dma source(%arg12 : memref<80x128xf32, #tpu.memory_space<vmem>>) target(%dma_start3A_680 : memref<10000x128xf32, #tpu.memory_space<vmem_shared>>) offsets(%dma_start3A_677 : memref<80xi32, #tpu.memory_space<vmem>>) semaphore(%arg20 : memref<!tpu.dma_semaphore, #tpu.memory_space<semaphore_mem>>) {add = true}
      %add3A_681 = arith.constant 2 : i32
      %add3A_682 = arith.addi %add3A_636, %add3A_681 : i32
      %add3A_683 = arith.constant 2 : i32
      %add3A_684 = arith.addi %add3A_636, %add3A_683 : i32
      %jit3A_685 = arith.constant 4 : i32
      %eq3A_686 = arith.constant 0 : i32
      %eq3A_687 = arith.cmpi eq, %jit3A_685, %eq3A_686 : i32
      %jit3A_688 = arith.constant 1 : i32
      %select_n3A_689 = arith.select %eq3A_687, %jit3A_688, %jit3A_685 : i32
      %rem3A_690 = arith.remsi %add3A_684, %select_n3A_689 : i32
      %ne3A_691 = arith.constant 0 : i32
      %ne3A_692 = arith.cmpi ne, %rem3A_690, %ne3A_691 : i32
      %lt3A_693 = arith.constant 0 : i32
      %lt3A_694 = arith.cmpi slt, %rem3A_690, %lt3A_693 : i32
      %lt3A_695 = arith.constant 0 : i32
      %lt3A_696 = arith.cmpi slt, %select_n3A_689, %lt3A_695 : i32
      %ne3A_697 = arith.xori %lt3A_694, %lt3A_696 : i1
      %and3A_698 = arith.andi %ne3A_697, %ne3A_692 : i1
      %add3A_699 = arith.addi %rem3A_690, %select_n3A_689 : i32
      %select_n3A_700 = arith.select %and3A_698, %add3A_699, %rem3A_690 : i32
      %mul3A_701 = arith.constant 80 : i32
      %mul3A_702 = arith.muli %add3A_682, %mul3A_701 : i32
      %add3A_703 = arith.addi %add3A_74, %mul3A_702 : i32
      %min3A_704 = arith.constant 639920 : i32
      %min3A_705 = arith.minsi %add3A_703, %min3A_704 : i32
      %dma_start3A_706 = arith.constant 0 : i32
      %dma_start3A_707 = tpu.memref_slice %arg9[%select_n3A_700, %dma_start3A_706] : memref<4x80xi32, #tpu.memory_space<vmem>> -> memref<1x80xi32, #tpu.memory_space<vmem>>
      %dma_start3A_708 = tpu.memref_squeeze %dma_start3A_707 : memref<1x80xi32, #tpu.memory_space<vmem>> -> memref<80xi32, #tpu.memory_space<vmem>>
      %dma_start3A_709 = tpu.memref_slice %arg3[%min3A_705] : memref<640000xi32, #tpu.memory_space<hbm>> -> memref<80xi32, #tpu.memory_space<hbm>>
      %dma_start3A_710 = arith.constant 0 : i32
      %dma_start3A_711 = tpu.memref_slice %arg9[%select_n3A_700, %dma_start3A_710] : memref<4x80xi32, #tpu.memory_space<vmem>> -> memref<1x80xi32, #tpu.memory_space<vmem>>
      %dma_start3A_712 = tpu.memref_squeeze %dma_start3A_711 : memref<1x80xi32, #tpu.memory_space<vmem>> -> memref<80xi32, #tpu.memory_space<vmem>>
      %dma_start3A_713 = tpu.memref_slice %arg3[%min3A_705] : memref<640000xi32, #tpu.memory_space<hbm>> -> memref<80xi32, #tpu.memory_space<hbm>>
      tpu.enqueue_dma source(%dma_start3A_713 : memref<80xi32, #tpu.memory_space<hbm>>) target(%dma_start3A_712 : memref<80xi32, #tpu.memory_space<vmem>>) target_semaphore(%arg22 : memref<!tpu.dma_semaphore, #tpu.memory_space<semaphore_mem>>)
      %dma_start3A_714 = arith.constant 0 : i32
      %dma_start3A_715 = tpu.memref_slice %arg10[%select_n3A_700, %dma_start3A_714] : memref<4x80xi32, #tpu.memory_space<vmem>> -> memref<1x80xi32, #tpu.memory_space<vmem>>
      %dma_start3A_716 = tpu.memref_squeeze %dma_start3A_715 : memref<1x80xi32, #tpu.memory_space<vmem>> -> memref<80xi32, #tpu.memory_space<vmem>>
      %dma_start3A_717 = tpu.memref_slice %arg4[%min3A_705] : memref<640000xi32, #tpu.memory_space<hbm>> -> memref<80xi32, #tpu.memory_space<hbm>>
      %dma_start3A_718 = arith.constant 0 : i32
      %dma_start3A_719 = tpu.memref_slice %arg10[%select_n3A_700, %dma_start3A_718] : memref<4x80xi32, #tpu.memory_space<vmem>> -> memref<1x80xi32, #tpu.memory_space<vmem>>
      %dma_start3A_720 = tpu.memref_squeeze %dma_start3A_719 : memref<1x80xi32, #tpu.memory_space<vmem>> -> memref<80xi32, #tpu.memory_space<vmem>>
      %dma_start3A_721 = tpu.memref_slice %arg4[%min3A_705] : memref<640000xi32, #tpu.memory_space<hbm>> -> memref<80xi32, #tpu.memory_space<hbm>>
      tpu.enqueue_dma source(%dma_start3A_721 : memref<80xi32, #tpu.memory_space<hbm>>) target(%dma_start3A_720 : memref<80xi32, #tpu.memory_space<vmem>>) target_semaphore(%arg22 : memref<!tpu.dma_semaphore, #tpu.memory_space<semaphore_mem>>)
      %lt3A_722 = arith.constant 80 : i32
      %lt3A_723 = arith.cmpi slt, %scan3A_477, %lt3A_722 : i32
      %convert_element_type3A_724 = arith.extui %lt3A_723 : i1 to i32
      %cond3A_725 = arith.constant 0 : i32
      %cond3A_726 = arith.cmpi ne, %convert_element_type3A_724, %cond3A_725 : i32
      scf.if %cond3A_726 {
        %mul3A_799 = arith.constant 320000 : i32
        %mul3A_800 = arith.muli %arg0, %mul3A_799 : i32
        %min3A_801 = arith.constant 79 : i32
        %min3A_802 = arith.minsi %scan3A_477, %min3A_801 : i32
        %mul3A_803 = arith.constant 4000 : i32
        %mul3A_804 = arith.muli %min3A_802, %mul3A_803 : i32
        %add3A_805 = arith.addi %mul3A_800, %mul3A_804 : i32
        %jit3A_806 = arith.constant 2 : i32
        %eq3A_807 = arith.constant 0 : i32
        %eq3A_808 = arith.cmpi eq, %jit3A_806, %eq3A_807 : i32
        %jit3A_809 = arith.constant 1 : i32
        %select_n3A_810 = arith.select %eq3A_808, %jit3A_809, %jit3A_806 : i32
        %rem3A_811 = arith.remsi %scan3A_477, %select_n3A_810 : i32
        %ne3A_812 = arith.constant 0 : i32
        %ne3A_813 = arith.cmpi ne, %rem3A_811, %ne3A_812 : i32
        %lt3A_814 = arith.constant 0 : i32
        %lt3A_815 = arith.cmpi slt, %rem3A_811, %lt3A_814 : i32
        %lt3A_816 = arith.constant 0 : i32
        %lt3A_817 = arith.cmpi slt, %select_n3A_810, %lt3A_816 : i32
        %ne3A_818 = arith.xori %lt3A_815, %lt3A_817 : i1
        %and3A_819 = arith.andi %ne3A_818, %ne3A_813 : i1
        %add3A_820 = arith.addi %rem3A_811, %select_n3A_810 : i32
        %select_n3A_821 = arith.select %and3A_819, %add3A_820, %rem3A_811 : i32
        %mul3A_822 = arith.constant 4000 : i32
        %mul3A_823 = arith.muli %select_n3A_821, %mul3A_822 : i32
        %dma_wait3A_824 = tpu.memref_slice %arg14[%mul3A_823] : memref<8000xi32, #tpu.memory_space<vmem>> -> memref<4000xi32, #tpu.memory_space<vmem>>
        %dma_wait3A_825 = tpu.memref_slice %arg4[%add3A_805] : memref<640000xi32, #tpu.memory_space<hbm>> -> memref<4000xi32, #tpu.memory_space<hbm>>
        %dma_wait3A_826 = tpu.memref_slice %arg14[%mul3A_823] : memref<8000xi32, #tpu.memory_space<vmem>> -> memref<4000xi32, #tpu.memory_space<vmem>>
        %dma_wait3A_827 = tpu.memref_slice %arg4[%add3A_805] : memref<640000xi32, #tpu.memory_space<hbm>> -> memref<4000xi32, #tpu.memory_space<hbm>>
        tpu.wait_dma2 semaphore(%arg21 : memref<!tpu.dma_semaphore, #tpu.memory_space<semaphore_mem>>) src(%dma_wait3A_827 : memref<4000xi32, #tpu.memory_space<hbm>>) dst(%dma_wait3A_826 : memref<4000xi32, #tpu.memory_space<vmem>>)
        %add3A_828 = arith.constant 1 : i32
        %add3A_829 = arith.addi %scan3A_477, %add3A_828 : i32
        %mul3A_830 = arith.constant 320000 : i32
        %mul3A_831 = arith.muli %arg0, %mul3A_830 : i32
        %min3A_832 = arith.constant 79 : i32
        %min3A_833 = arith.minsi %add3A_829, %min3A_832 : i32
        %mul3A_834 = arith.constant 4000 : i32
        %mul3A_835 = arith.muli %min3A_833, %mul3A_834 : i32
        %add3A_836 = arith.addi %mul3A_831, %mul3A_835 : i32
        %jit3A_837 = arith.constant 2 : i32
        %eq3A_838 = arith.constant 0 : i32
        %eq3A_839 = arith.cmpi eq, %jit3A_837, %eq3A_838 : i32
        %jit3A_840 = arith.constant 1 : i32
        %select_n3A_841 = arith.select %eq3A_839, %jit3A_840, %jit3A_837 : i32
        %rem3A_842 = arith.remsi %add3A_829, %select_n3A_841 : i32
        %ne3A_843 = arith.constant 0 : i32
        %ne3A_844 = arith.cmpi ne, %rem3A_842, %ne3A_843 : i32
        %lt3A_845 = arith.constant 0 : i32
        %lt3A_846 = arith.cmpi slt, %rem3A_842, %lt3A_845 : i32
        %lt3A_847 = arith.constant 0 : i32
        %lt3A_848 = arith.cmpi slt, %select_n3A_841, %lt3A_847 : i32
        %ne3A_849 = arith.xori %lt3A_846, %lt3A_848 : i1
        %and3A_850 = arith.andi %ne3A_849, %ne3A_844 : i1
        %add3A_851 = arith.addi %rem3A_842, %select_n3A_841 : i32
        %select_n3A_852 = arith.select %and3A_850, %add3A_851, %rem3A_842 : i32
        %mul3A_853 = arith.constant 4000 : i32
        %mul3A_854 = arith.muli %select_n3A_852, %mul3A_853 : i32
        %dma_start3A_855 = tpu.memref_slice %arg14[%mul3A_854] : memref<8000xi32, #tpu.memory_space<vmem>> -> memref<4000xi32, #tpu.memory_space<vmem>>
        %dma_start3A_856 = tpu.memref_slice %arg4[%add3A_836] : memref<640000xi32, #tpu.memory_space<hbm>> -> memref<4000xi32, #tpu.memory_space<hbm>>
        %dma_start3A_857 = tpu.memref_slice %arg14[%mul3A_854] : memref<8000xi32, #tpu.memory_space<vmem>> -> memref<4000xi32, #tpu.memory_space<vmem>>
        %dma_start3A_858 = tpu.memref_slice %arg4[%add3A_836] : memref<640000xi32, #tpu.memory_space<hbm>> -> memref<4000xi32, #tpu.memory_space<hbm>>
        tpu.enqueue_dma source(%dma_start3A_858 : memref<4000xi32, #tpu.memory_space<hbm>>) target(%dma_start3A_857 : memref<4000xi32, #tpu.memory_space<vmem>>) target_semaphore(%arg21 : memref<!tpu.dma_semaphore, #tpu.memory_space<semaphore_mem>>)
        %jit3A_859 = arith.constant 2 : i32
        %eq3A_860 = arith.constant 0 : i32
        %eq3A_861 = arith.cmpi eq, %jit3A_859, %eq3A_860 : i32
        %jit3A_862 = arith.constant 1 : i32
        %select_n3A_863 = arith.select %eq3A_861, %jit3A_862, %jit3A_859 : i32
        %rem3A_864 = arith.remsi %scan3A_477, %select_n3A_863 : i32
        %ne3A_865 = arith.constant 0 : i32
        %ne3A_866 = arith.cmpi ne, %rem3A_864, %ne3A_865 : i32
        %lt3A_867 = arith.constant 0 : i32
        %lt3A_868 = arith.cmpi slt, %rem3A_864, %lt3A_867 : i32
        %lt3A_869 = arith.constant 0 : i32
        %lt3A_870 = arith.cmpi slt, %select_n3A_863, %lt3A_869 : i32
        %ne3A_871 = arith.xori %lt3A_868, %lt3A_870 : i1
        %and3A_872 = arith.andi %ne3A_871, %ne3A_866 : i1
        %add3A_873 = arith.addi %rem3A_864, %select_n3A_863 : i32
        %select_n3A_874 = arith.select %and3A_872, %add3A_873, %rem3A_864 : i32
        %mul3A_875 = arith.constant 4000 : i32
        %mul3A_876 = arith.muli %select_n3A_874, %mul3A_875 : i32
        %scan3A_877 = arith.constant 0 : i32
        %scan3A_878 = arith.constant 0 : i32
        %scan3A_879 = arith.constant 50 : i32
        %scan3A_880 = arith.addi %scan3A_878, %scan3A_879 : i32
        %scan3A_881 = arith.constant 1 : i32
        %scan3A_882 = scf.for %scan3A_884 = %scan3A_878 to %scan3A_880 step %scan3A_881 iter_args(%scan3A_885 = %scan3A_877) -> (i32)  : i32 {
          %mul3A_886 = arith.constant 5 : i32
          %mul3A_887 = arith.muli %scan3A_884, %mul3A_886 : i32
          %add3A_888 = arith.constant 0 : i32
          %add3A_889 = arith.addi %mul3A_887, %add3A_888 : i32
          %mul3A_890 = arith.constant 16 : i32
          %mul3A_891 = arith.muli %add3A_889, %mul3A_890 : i32
          %add3A_892 = arith.addi %mul3A_876, %mul3A_891 : i32
          %get3A = arith.index_cast %add3A_892 : i32 to index
          %get3A_893 = tpu.vector_load %arg14[%get3A] {strides = array<i32>} : memref<8000xi32, #tpu.memory_space<vmem>>, vector<16xi32>,
          %shift_right_logical3A = arith.constant 4 : i32
          %shift_right_logical3A_894 = vector.broadcast %shift_right_logical3A : i32 to vector<16xi32>
          %shift_right_logical3A_895 = arith.shrui %get3A_893, %shift_right_logical3A_894 : vector<16xi32>
          %and3A_896 = arith.constant 15 : i32
          %and3A_897 = vector.broadcast %and3A_896 : i32 to vector<16xi32>
          %and3A_898 = arith.andi %shift_right_logical3A_895, %and3A_897 : vector<16xi32>
          %eq3A_899 = vector.broadcast %arg1 : i32 to vector<16xi32>
          %eq3A_900 = arith.cmpi eq, %and3A_898, %eq3A_899 : vector<16xi32>
          %shift_right_logical3A_901 = arith.constant 8 : i32
          %shift_right_logical3A_902 = vector.broadcast %shift_right_logical3A_901 : i32 to vector<16xi32>
          %shift_right_logical3A_903 = arith.shrui %get3A_893, %shift_right_logical3A_902 : vector<16xi32>
          %shift_left3A = arith.constant 4 : i32
          %shift_left3A_904 = vector.broadcast %shift_left3A : i32 to vector<16xi32>
          %shift_left3A_905 = arith.shli %shift_right_logical3A_903, %shift_left3A_904 : vector<16xi32>
          %and3A_906 = arith.constant 15 : i32
          %and3A_907 = vector.broadcast %and3A_906 : i32 to vector<16xi32>
          %and3A_908 = arith.andi %get3A_893, %and3A_907 : vector<16xi32>
          %add3A_909 = arith.addi %shift_left3A_905, %and3A_908 : vector<16xi32>
          %select_n3A_910 = arith.select %eq3A_900, %add3A_909, %add3A_5 : vector<16xi1>, vector<16xi32>
          tpu.vector_store_idx %arg13[%select_n3A_910], %broadcast_in_dim3A_3 {add = true} : memref<656xf32, #tpu.memory_space<vmem>>[vector<16xi32>], vector<16xf32>,
          %mul3A_911 = arith.constant 5 : i32
          %mul3A_912 = arith.muli %scan3A_884, %mul3A_911 : i32
          %add3A_913 = arith.constant 1 : i32
          %add3A_914 = arith.addi %mul3A_912, %add3A_913 : i32
          %mul3A_915 = arith.constant 16 : i32
          %mul3A_916 = arith.muli %add3A_914, %mul3A_915 : i32
          %add3A_917 = arith.addi %mul3A_876, %mul3A_916 : i32
          %get3A_918 = arith.index_cast %add3A_917 : i32 to index
          %get3A_919 = tpu.vector_load %arg14[%get3A_918] {strides = array<i32>} : memref<8000xi32, #tpu.memory_space<vmem>>, vector<16xi32>,
          %shift_right_logical3A_920 = arith.constant 4 : i32
          %shift_right_logical3A_921 = vector.broadcast %shift_right_logical3A_920 : i32 to vector<16xi32>
          %shift_right_logical3A_922 = arith.shrui %get3A_919, %shift_right_logical3A_921 : vector<16xi32>
          %and3A_923 = arith.constant 15 : i32
          %and3A_924 = vector.broadcast %and3A_923 : i32 to vector<16xi32>
          %and3A_925 = arith.andi %shift_right_logical3A_922, %and3A_924 : vector<16xi32>
          %eq3A_926 = vector.broadcast %arg1 : i32 to vector<16xi32>
          %eq3A_927 = arith.cmpi eq, %and3A_925, %eq3A_926 : vector<16xi32>
          %shift_right_logical3A_928 = arith.constant 8 : i32
          %shift_right_logical3A_929 = vector.broadcast %shift_right_logical3A_928 : i32 to vector<16xi32>
          %shift_right_logical3A_930 = arith.shrui %get3A_919, %shift_right_logical3A_929 : vector<16xi32>
          %shift_left3A_931 = arith.constant 4 : i32
          %shift_left3A_932 = vector.broadcast %shift_left3A_931 : i32 to vector<16xi32>
          %shift_left3A_933 = arith.shli %shift_right_logical3A_930, %shift_left3A_932 : vector<16xi32>
          %and3A_934 = arith.constant 15 : i32
          %and3A_935 = vector.broadcast %and3A_934 : i32 to vector<16xi32>
          %and3A_936 = arith.andi %get3A_919, %and3A_935 : vector<16xi32>
          %add3A_937 = arith.addi %shift_left3A_933, %and3A_936 : vector<16xi32>
          %select_n3A_938 = arith.select %eq3A_927, %add3A_937, %add3A_5 : vector<16xi1>, vector<16xi32>
          tpu.vector_store_idx %arg13[%select_n3A_938], %broadcast_in_dim3A_3 {add = true} : memref<656xf32, #tpu.memory_space<vmem>>[vector<16xi32>], vector<16xf32>,
          %mul3A_939 = arith.constant 5 : i32
          %mul3A_940 = arith.muli %scan3A_884, %mul3A_939 : i32
          %add3A_941 = arith.constant 2 : i32
          %add3A_942 = arith.addi %mul3A_940, %add3A_941 : i32
          %mul3A_943 = arith.constant 16 : i32
          %mul3A_944 = arith.muli %add3A_942, %mul3A_943 : i32
          %add3A_945 = arith.addi %mul3A_876, %mul3A_944 : i32
          %get3A_946 = arith.index_cast %add3A_945 : i32 to index
          %get3A_947 = tpu.vector_load %arg14[%get3A_946] {strides = array<i32>} : memref<8000xi32, #tpu.memory_space<vmem>>, vector<16xi32>,
          %shift_right_logical3A_948 = arith.constant 4 : i32
          %shift_right_logical3A_949 = vector.broadcast %shift_right_logical3A_948 : i32 to vector<16xi32>
          %shift_right_logical3A_950 = arith.shrui %get3A_947, %shift_right_logical3A_949 : vector<16xi32>
          %and3A_951 = arith.constant 15 : i32
          %and3A_952 = vector.broadcast %and3A_951 : i32 to vector<16xi32>
          %and3A_953 = arith.andi %shift_right_logical3A_950, %and3A_952 : vector<16xi32>
          %eq3A_954 = vector.broadcast %arg1 : i32 to vector<16xi32>
          %eq3A_955 = arith.cmpi eq, %and3A_953, %eq3A_954 : vector<16xi32>
          %shift_right_logical3A_956 = arith.constant 8 : i32
          %shift_right_logical3A_957 = vector.broadcast %shift_right_logical3A_956 : i32 to vector<16xi32>
          %shift_right_logical3A_958 = arith.shrui %get3A_947, %shift_right_logical3A_957 : vector<16xi32>
          %shift_left3A_959 = arith.constant 4 : i32
          %shift_left3A_960 = vector.broadcast %shift_left3A_959 : i32 to vector<16xi32>
          %shift_left3A_961 = arith.shli %shift_right_logical3A_958, %shift_left3A_960 : vector<16xi32>
          %and3A_962 = arith.constant 15 : i32
          %and3A_963 = vector.broadcast %and3A_962 : i32 to vector<16xi32>
          %and3A_964 = arith.andi %get3A_947, %and3A_963 : vector<16xi32>
          %add3A_965 = arith.addi %shift_left3A_961, %and3A_964 : vector<16xi32>
          %select_n3A_966 = arith.select %eq3A_955, %add3A_965, %add3A_5 : vector<16xi1>, vector<16xi32>
          tpu.vector_store_idx %arg13[%select_n3A_966], %broadcast_in_dim3A_3 {add = true} : memref<656xf32, #tpu.memory_space<vmem>>[vector<16xi32>], vector<16xf32>,
          %mul3A_967 = arith.constant 5 : i32
          %mul3A_968 = arith.muli %scan3A_884, %mul3A_967 : i32
          %add3A_969 = arith.constant 3 : i32
          %add3A_970 = arith.addi %mul3A_968, %add3A_969 : i32
          %mul3A_971 = arith.constant 16 : i32
          %mul3A_972 = arith.muli %add3A_970, %mul3A_971 : i32
          %add3A_973 = arith.addi %mul3A_876, %mul3A_972 : i32
          %get3A_974 = arith.index_cast %add3A_973 : i32 to index
          %get3A_975 = tpu.vector_load %arg14[%get3A_974] {strides = array<i32>} : memref<8000xi32, #tpu.memory_space<vmem>>, vector<16xi32>,
          %shift_right_logical3A_976 = arith.constant 4 : i32
          %shift_right_logical3A_977 = vector.broadcast %shift_right_logical3A_976 : i32 to vector<16xi32>
          %shift_right_logical3A_978 = arith.shrui %get3A_975, %shift_right_logical3A_977 : vector<16xi32>
          %and3A_979 = arith.constant 15 : i32
          %and3A_980 = vector.broadcast %and3A_979 : i32 to vector<16xi32>
          %and3A_981 = arith.andi %shift_right_logical3A_978, %and3A_980 : vector<16xi32>
          %eq3A_982 = vector.broadcast %arg1 : i32 to vector<16xi32>
          %eq3A_983 = arith.cmpi eq, %and3A_981, %eq3A_982 : vector<16xi32>
          %shift_right_logical3A_984 = arith.constant 8 : i32
          %shift_right_logical3A_985 = vector.broadcast %shift_right_logical3A_984 : i32 to vector<16xi32>
          %shift_right_logical3A_986 = arith.shrui %get3A_975, %shift_right_logical3A_985 : vector<16xi32>
          %shift_left3A_987 = arith.constant 4 : i32
          %shift_left3A_988 = vector.broadcast %shift_left3A_987 : i32 to vector<16xi32>
          %shift_left3A_989 = arith.shli %shift_right_logical3A_986, %shift_left3A_988 : vector<16xi32>
          %and3A_990 = arith.constant 15 : i32
          %and3A_991 = vector.broadcast %and3A_990 : i32 to vector<16xi32>
          %and3A_992 = arith.andi %get3A_975, %and3A_991 : vector<16xi32>
          %add3A_993 = arith.addi %shift_left3A_989, %and3A_992 : vector<16xi32>
          %select_n3A_994 = arith.select %eq3A_983, %add3A_993, %add3A_5 : vector<16xi1>, vector<16xi32>
          tpu.vector_store_idx %arg13[%select_n3A_994], %broadcast_in_dim3A_3 {add = true} : memref<656xf32, #tpu.memory_space<vmem>>[vector<16xi32>], vector<16xf32>,
          %mul3A_995 = arith.constant 5 : i32
          %mul3A_996 = arith.muli %scan3A_884, %mul3A_995 : i32
          %add3A_997 = arith.constant 4 : i32
          %add3A_998 = arith.addi %mul3A_996, %add3A_997 : i32
          %mul3A_999 = arith.constant 16 : i32
          %mul3A_1000 = arith.muli %add3A_998, %mul3A_999 : i32
          %add3A_1001 = arith.addi %mul3A_876, %mul3A_1000 : i32
          %get3A_1002 = arith.index_cast %add3A_1001 : i32 to index
          %get3A_1003 = tpu.vector_load %arg14[%get3A_1002] {strides = array<i32>} : memref<8000xi32, #tpu.memory_space<vmem>>, vector<16xi32>,
          %shift_right_logical3A_1004 = arith.constant 4 : i32
          %shift_right_logical3A_1005 = vector.broadcast %shift_right_logical3A_1004 : i32 to vector<16xi32>
          %shift_right_logical3A_1006 = arith.shrui %get3A_1003, %shift_right_logical3A_1005 : vector<16xi32>
          %and3A_1007 = arith.constant 15 : i32
          %and3A_1008 = vector.broadcast %and3A_1007 : i32 to vector<16xi32>
          %and3A_1009 = arith.andi %shift_right_logical3A_1006, %and3A_1008 : vector<16xi32>
          %eq3A_1010 = vector.broadcast %arg1 : i32 to vector<16xi32>
          %eq3A_1011 = arith.cmpi eq, %and3A_1009, %eq3A_1010 : vector<16xi32>
          %shift_right_logical3A_1012 = arith.constant 8 : i32
          %shift_right_logical3A_1013 = vector.broadcast %shift_right_logical3A_1012 : i32 to vector<16xi32>
          %shift_right_logical3A_1014 = arith.shrui %get3A_1003, %shift_right_logical3A_1013 : vector<16xi32>
          %shift_left3A_1015 = arith.constant 4 : i32
          %shift_left3A_1016 = vector.broadcast %shift_left3A_1015 : i32 to vector<16xi32>
          %shift_left3A_1017 = arith.shli %shift_right_logical3A_1014, %shift_left3A_1016 : vector<16xi32>
          %and3A_1018 = arith.constant 15 : i32
          %and3A_1019 = vector.broadcast %and3A_1018 : i32 to vector<16xi32>
          %and3A_1020 = arith.andi %get3A_1003, %and3A_1019 : vector<16xi32>
          %add3A_1021 = arith.addi %shift_left3A_1017, %and3A_1020 : vector<16xi32>
          %select_n3A_1022 = arith.select %eq3A_1011, %add3A_1021, %add3A_5 : vector<16xi1>, vector<16xi32>
          tpu.vector_store_idx %arg13[%select_n3A_1022], %broadcast_in_dim3A_3 {add = true} : memref<656xf32, #tpu.memory_space<vmem>>[vector<16xi32>], vector<16xf32>,
          %scan3A_1023 = arith.constant 0 : i32
          scf.yield %scan3A_1023 : i32
        }
        %scan3A_883 = arith.constant 50 : i32
      } else {
      }
      %dma_wait3A_727 = arith.constant 0 : i32
      %dma_wait3A_728 = tpu.memref_slice %arg10[%select_n3A_674, %dma_wait3A_727] : memref<4x80xi32, #tpu.memory_space<vmem>> -> memref<1x80xi32, #tpu.memory_space<vmem>>
      %dma_wait3A_729 = tpu.memref_squeeze %dma_wait3A_728 : memref<1x80xi32, #tpu.memory_space<vmem>> -> memref<80xi32, #tpu.memory_space<vmem>>
      %dma_wait3A_730 = arith.constant 0 : i32
      %dma_wait3A_731 = arith.constant 0 : i32
      %dma_wait3A_732 = tpu.memref_slice %arg8[%dma_wait3A_730, %dma_wait3A_731] : memref<10000x128xf32, #tpu.memory_space<vmem_shared>> -> memref<10000x128xf32, #tpu.memory_space<vmem_shared>>
      tpu.wait_indirect_dma semaphore(%arg20 : memref<!tpu.dma_semaphore, #tpu.memory_space<semaphore_mem>>) src(%arg12 : memref<80x128xf32, #tpu.memory_space<vmem>>) dst(%dma_wait3A_732 : memref<10000x128xf32, #tpu.memory_space<vmem_shared>>)
      %dma_wait3A_733 = arith.constant 0 : i32
      %dma_wait3A_734 = tpu.memref_slice %arg9[%select_n3A_700, %dma_wait3A_733] : memref<4x80xi32, #tpu.memory_space<vmem>> -> memref<1x80xi32, #tpu.memory_space<vmem>>
      %dma_wait3A_735 = tpu.memref_squeeze %dma_wait3A_734 : memref<1x80xi32, #tpu.memory_space<vmem>> -> memref<80xi32, #tpu.memory_space<vmem>>
      %dma_wait3A_736 = tpu.memref_slice %arg3[%min3A_705] : memref<640000xi32, #tpu.memory_space<hbm>> -> memref<80xi32, #tpu.memory_space<hbm>>
      %dma_wait3A_737 = arith.constant 0 : i32
      %dma_wait3A_738 = tpu.memref_slice %arg9[%select_n3A_700, %dma_wait3A_737] : memref<4x80xi32, #tpu.memory_space<vmem>> -> memref<1x80xi32, #tpu.memory_space<vmem>>
      %dma_wait3A_739 = tpu.memref_squeeze %dma_wait3A_738 : memref<1x80xi32, #tpu.memory_space<vmem>> -> memref<80xi32, #tpu.memory_space<vmem>>
      %dma_wait3A_740 = tpu.memref_slice %arg3[%min3A_705] : memref<640000xi32, #tpu.memory_space<hbm>> -> memref<80xi32, #tpu.memory_space<hbm>>
      tpu.wait_dma2 semaphore(%arg22 : memref<!tpu.dma_semaphore, #tpu.memory_space<semaphore_mem>>) src(%dma_wait3A_740 : memref<80xi32, #tpu.memory_space<hbm>>) dst(%dma_wait3A_739 : memref<80xi32, #tpu.memory_space<vmem>>)
      %dma_wait3A_741 = arith.constant 0 : i32
      %dma_wait3A_742 = tpu.memref_slice %arg10[%select_n3A_700, %dma_wait3A_741] : memref<4x80xi32, #tpu.memory_space<vmem>> -> memref<1x80xi32, #tpu.memory_space<vmem>>
      %dma_wait3A_743 = tpu.memref_squeeze %dma_wait3A_742 : memref<1x80xi32, #tpu.memory_space<vmem>> -> memref<80xi32, #tpu.memory_space<vmem>>
      %dma_wait3A_744 = tpu.memref_slice %arg4[%min3A_705] : memref<640000xi32, #tpu.memory_space<hbm>> -> memref<80xi32, #tpu.memory_space<hbm>>
      %dma_wait3A_745 = arith.constant 0 : i32
      %dma_wait3A_746 = tpu.memref_slice %arg10[%select_n3A_700, %dma_wait3A_745] : memref<4x80xi32, #tpu.memory_space<vmem>> -> memref<1x80xi32, #tpu.memory_space<vmem>>
      %dma_wait3A_747 = tpu.memref_squeeze %dma_wait3A_746 : memref<1x80xi32, #tpu.memory_space<vmem>> -> memref<80xi32, #tpu.memory_space<vmem>>
      %dma_wait3A_748 = tpu.memref_slice %arg4[%min3A_705] : memref<640000xi32, #tpu.memory_space<hbm>> -> memref<80xi32, #tpu.memory_space<hbm>>
      tpu.wait_dma2 semaphore(%arg22 : memref<!tpu.dma_semaphore, #tpu.memory_space<semaphore_mem>>) src(%dma_wait3A_748 : memref<80xi32, #tpu.memory_space<hbm>>) dst(%dma_wait3A_747 : memref<80xi32, #tpu.memory_space<vmem>>)
      %add3A_749 = arith.constant 2 : i32
      %add3A_750 = arith.addi %add3A_636, %add3A_749 : i32
      %jit3A_751 = arith.constant 4 : i32
      %eq3A_752 = arith.constant 0 : i32
      %eq3A_753 = arith.cmpi eq, %jit3A_751, %eq3A_752 : i32
      %jit3A_754 = arith.constant 1 : i32
      %select_n3A_755 = arith.select %eq3A_753, %jit3A_754, %jit3A_751 : i32
      %rem3A_756 = arith.remsi %add3A_750, %select_n3A_755 : i32
      %ne3A_757 = arith.constant 0 : i32
      %ne3A_758 = arith.cmpi ne, %rem3A_756, %ne3A_757 : i32
      %lt3A_759 = arith.constant 0 : i32
      %lt3A_760 = arith.cmpi slt, %rem3A_756, %lt3A_759 : i32
      %lt3A_761 = arith.constant 0 : i32
      %lt3A_762 = arith.cmpi slt, %select_n3A_755, %lt3A_761 : i32
      %ne3A_763 = arith.xori %lt3A_760, %lt3A_762 : i1
      %and3A_764 = arith.andi %ne3A_763, %ne3A_758 : i1
      %add3A_765 = arith.addi %rem3A_756, %select_n3A_755 : i32
      %select_n3A_766 = arith.select %and3A_764, %add3A_765, %rem3A_756 : i32
      %scan3A_767 = arith.constant 0 : i32
      %scan3A_768 = arith.constant 0 : i32
      %scan3A_769 = arith.constant 5 : i32
      %scan3A_770 = arith.addi %scan3A_768, %scan3A_769 : i32
      %scan3A_771 = arith.constant 1 : i32
      %scan3A_772 = scf.for %scan3A_799 = %scan3A_768 to %scan3A_770 step %scan3A_771 iter_args(%scan3A_800 = %scan3A_767) -> (i32)  : i32 {
        %mul3A_801 = arith.constant 16 : i32
        %mul3A_802 = arith.muli %scan3A_799, %mul3A_801 : i32
        %get3A = arith.index_cast %select_n3A_766 : i32 to index
        %get3A_803 = arith.index_cast %mul3A_802 : i32 to index
        %get3A_804 = tpu.vector_load %arg9[%get3A, %get3A_803] {strides = array<i32>} : memref<4x80xi32, #tpu.memory_space<vmem>>, vector<16xi32>,
        %add3A_805 = vector.broadcast %mul3A_2 : i32 to vector<16xi32>
        %add3A_806 = arith.addi %get3A_804, %add3A_805 : vector<16xi32>
        %swap3A = arith.index_cast %select_n3A_766 : i32 to index
        %swap3A_807 = arith.index_cast %mul3A_802 : i32 to index
        %swap3A_808 = tpu.vector_load %arg9[%swap3A, %swap3A_807] {strides = array<i32>} : memref<4x80xi32, #tpu.memory_space<vmem>>, vector<16xi32>,
        tpu.vector_store %arg9[%swap3A, %swap3A_807], %add3A_806 {strides = array<i32>} : memref<4x80xi32, #tpu.memory_space<vmem>>, vector<16xi32>,
        %scan3A_809 = arith.constant 0 : i32
        scf.yield %scan3A_809 : i32
      }
      %scan3A_773 = arith.constant 5 : i32
      %add3A_774 = arith.constant 2 : i32
      %add3A_775 = arith.addi %add3A_636, %add3A_774 : i32
      %jit3A_776 = arith.constant 4 : i32
      %eq3A_777 = arith.constant 0 : i32
      %eq3A_778 = arith.cmpi eq, %jit3A_776, %eq3A_777 : i32
      %jit3A_779 = arith.constant 1 : i32
      %select_n3A_780 = arith.select %eq3A_778, %jit3A_779, %jit3A_776 : i32
      %rem3A_781 = arith.remsi %add3A_775, %select_n3A_780 : i32
      %ne3A_782 = arith.constant 0 : i32
      %ne3A_783 = arith.cmpi ne, %rem3A_781, %ne3A_782 : i32
      %lt3A_784 = arith.constant 0 : i32
      %lt3A_785 = arith.cmpi slt, %rem3A_781, %lt3A_784 : i32
      %lt3A_786 = arith.constant 0 : i32
      %lt3A_787 = arith.cmpi slt, %select_n3A_780, %lt3A_786 : i32
      %ne3A_788 = arith.xori %lt3A_785, %lt3A_787 : i1
      %and3A_789 = arith.andi %ne3A_788, %ne3A_783 : i1
      %add3A_790 = arith.addi %rem3A_781, %select_n3A_780 : i32
      %select_n3A_791 = arith.select %and3A_789, %add3A_790, %rem3A_781 : i32
      %dma_start3A_792 = arith.constant 0 : i32
      %dma_start3A_793 = tpu.memref_slice %arg9[%select_n3A_791, %dma_start3A_792] : memref<4x80xi32, #tpu.memory_space<vmem>> -> memref<1x80xi32, #tpu.memory_space<vmem>>
      %dma_start3A_794 = tpu.memref_squeeze %dma_start3A_793 : memref<1x80xi32, #tpu.memory_space<vmem>> -> memref<80xi32, #tpu.memory_space<vmem>>
      %dma_start3A_795 = arith.constant 0 : i32
      %dma_start3A_796 = arith.constant 0 : i32
      %dma_start3A_797 = tpu.memref_slice %arg2[%dma_start3A_795, %dma_start3A_796] : memref<20000x128xf32, #tpu.memory_space<hbm>> -> memref<20000x128xf32, #tpu.memory_space<hbm>>
      tpu.enqueue_indirect_dma source(%dma_start3A_797 : memref<20000x128xf32, #tpu.memory_space<hbm>>) target(%arg12 : memref<80x128xf32, #tpu.memory_space<vmem>>) offsets(%dma_start3A_794 : memref<80xi32, #tpu.memory_space<vmem>>) semaphore(%arg18 : memref<!tpu.dma_semaphore, #tpu.memory_space<semaphore_mem>>)
      %scan3A_798 = arith.constant 0 : i32
      scf.yield %scan3A_798 : i32
    }
    %scan3A_200 = arith.constant 125 : i32
    %dma_wait3A_201 = arith.constant 2 : i32
    %dma_wait3A_202 = arith.constant 0 : i32
    %dma_wait3A_203 = tpu.memref_slice %arg9[%dma_wait3A_201, %dma_wait3A_202] : memref<4x80xi32, #tpu.memory_space<vmem>> -> memref<1x80xi32, #tpu.memory_space<vmem>>
    %dma_wait3A_204 = tpu.memref_squeeze %dma_wait3A_203 : memref<1x80xi32, #tpu.memory_space<vmem>> -> memref<80xi32, #tpu.memory_space<vmem>>
    %dma_wait3A_205 = arith.constant 0 : i32
    %dma_wait3A_206 = arith.constant 0 : i32
    %dma_wait3A_207 = tpu.memref_slice %arg2[%dma_wait3A_205, %dma_wait3A_206] : memref<20000x128xf32, #tpu.memory_space<hbm>> -> memref<20000x128xf32, #tpu.memory_space<hbm>>
    tpu.wait_indirect_dma semaphore(%arg17 : memref<!tpu.dma_semaphore, #tpu.memory_space<semaphore_mem>>) src(%dma_wait3A_207 : memref<20000x128xf32, #tpu.memory_space<hbm>>) dst(%arg11 : memref<80x128xf32, #tpu.memory_space<vmem>>)
    %dma_wait3A_208 = arith.constant 3 : i32
    %dma_wait3A_209 = arith.constant 0 : i32
    %dma_wait3A_210 = tpu.memref_slice %arg9[%dma_wait3A_208, %dma_wait3A_209] : memref<4x80xi32, #tpu.memory_space<vmem>> -> memref<1x80xi32, #tpu.memory_space<vmem>>
    %dma_wait3A_211 = tpu.memref_squeeze %dma_wait3A_210 : memref<1x80xi32, #tpu.memory_space<vmem>> -> memref<80xi32, #tpu.memory_space<vmem>>
    %dma_wait3A_212 = arith.constant 0 : i32
    %dma_wait3A_213 = arith.constant 0 : i32
    %dma_wait3A_214 = tpu.memref_slice %arg2[%dma_wait3A_212, %dma_wait3A_213] : memref<20000x128xf32, #tpu.memory_space<hbm>> -> memref<20000x128xf32, #tpu.memory_space<hbm>>
    tpu.wait_indirect_dma semaphore(%arg18 : memref<!tpu.dma_semaphore, #tpu.memory_space<semaphore_mem>>) src(%dma_wait3A_214 : memref<20000x128xf32, #tpu.memory_space<hbm>>) dst(%arg12 : memref<80x128xf32, #tpu.memory_space<vmem>>)
    %mul3A_215 = arith.constant 320000 : i32
    %mul3A_216 = arith.muli %arg0, %mul3A_215 : i32
    %min3A_217 = arith.constant 80 : i32
    %min3A_218 = arith.constant 79 : i32
    %min3A_219 = arith.minsi %min3A_217, %min3A_218 : i32
    %mul3A_220 = arith.constant 4000 : i32
    %mul3A_221 = arith.muli %min3A_219, %mul3A_220 : i32
    %add3A_222 = arith.addi %mul3A_216, %mul3A_221 : i32
    %dma_wait3A_223 = arith.constant 0 : i32
    %dma_wait3A_224 = tpu.memref_slice %arg14[%dma_wait3A_223] : memref<8000xi32, #tpu.memory_space<vmem>> -> memref<4000xi32, #tpu.memory_space<vmem>>
    %dma_wait3A_225 = tpu.memref_slice %arg4[%add3A_222] : memref<640000xi32, #tpu.memory_space<hbm>> -> memref<4000xi32, #tpu.memory_space<hbm>>
    %dma_wait3A_226 = arith.constant 0 : i32
    %dma_wait3A_227 = tpu.memref_slice %arg14[%dma_wait3A_226] : memref<8000xi32, #tpu.memory_space<vmem>> -> memref<4000xi32, #tpu.memory_space<vmem>>
    %dma_wait3A_228 = tpu.memref_slice %arg4[%add3A_222] : memref<640000xi32, #tpu.memory_space<hbm>> -> memref<4000xi32, #tpu.memory_space<hbm>>
    tpu.wait_dma2 semaphore(%arg21 : memref<!tpu.dma_semaphore, #tpu.memory_space<semaphore_mem>>) src(%dma_wait3A_228 : memref<4000xi32, #tpu.memory_space<hbm>>) dst(%dma_wait3A_227 : memref<4000xi32, #tpu.memory_space<vmem>>)
    %barrier3A_229 = arith.constant 0 : index
    tpu.barrier barrier_id(%barrier3A_229)
    %scan3A_230 = arith.constant 0 : i32
    %scan3A_231 = arith.constant 0 : i32
    %scan3A_232 = arith.constant 40 : i32
    %scan3A_233 = arith.addi %scan3A_231, %scan3A_232 : i32
    %scan3A_234 = arith.constant 1 : i32
    %scan3A_235 = scf.for %scan3A_477 = %scan3A_231 to %scan3A_233 step %scan3A_234 iter_args(%scan3A_478 = %scan3A_230) -> (i32)  : i32 {
      %mul3A_479 = arith.constant 16 : i32
      %mul3A_480 = arith.muli %scan3A_477, %mul3A_479 : i32
      %add3A_481 = arith.addi %mul3A_480, %arg1 : i32
      %lt3A_482 = arith.constant 625 : i32
      %lt3A_483 = arith.cmpi slt, %add3A_481, %lt3A_482 : i32
      %convert_element_type3A_484 = arith.extui %lt3A_483 : i1 to i32
      %cond3A_485 = arith.constant 0 : i32
      %cond3A_486 = arith.cmpi ne, %convert_element_type3A_484, %cond3A_485 : i32
      scf.if %cond3A_486 {
        %mul3A_488 = arith.constant 16 : i32
        %mul3A_489 = arith.muli %add3A_481, %mul3A_488 : i32
        "tpu.region"() ({
          %run_scoped3A = tpu.sem_alloc : memref<!tpu.dma_semaphore, #tpu.memory_space<semaphore_mem>>
          %dma_start3A_498 = arith.constant 0 : i32
          %dma_start3A_499 = tpu.memref_slice %arg8[%mul3A_489, %dma_start3A_498] : memref<10000x128xf32, #tpu.memory_space<vmem_shared>> -> memref<16x128xf32, #tpu.memory_space<vmem_shared>>
          %dma_start3A_500 = arith.constant 0 : i32
          %dma_start3A_501 = tpu.memref_slice %arg8[%mul3A_489, %dma_start3A_500] : memref<10000x128xf32, #tpu.memory_space<vmem_shared>> -> memref<16x128xf32, #tpu.memory_space<vmem_shared>>
          tpu.enqueue_dma source(%dma_start3A_501 : memref<16x128xf32, #tpu.memory_space<vmem_shared>>) target(%arg15 : memref<16x128xf32, #tpu.memory_space<vmem>>) target_semaphore(%run_scoped3A : memref<!tpu.dma_semaphore, #tpu.memory_space<semaphore_mem>>)
          %dma_wait3A_502 = arith.constant 0 : i32
          %dma_wait3A_503 = tpu.memref_slice %arg8[%mul3A_489, %dma_wait3A_502] : memref<10000x128xf32, #tpu.memory_space<vmem_shared>> -> memref<16x128xf32, #tpu.memory_space<vmem_shared>>
          %dma_wait3A_504 = arith.constant 0 : i32
          %dma_wait3A_505 = tpu.memref_slice %arg8[%mul3A_489, %dma_wait3A_504] : memref<10000x128xf32, #tpu.memory_space<vmem_shared>> -> memref<16x128xf32, #tpu.memory_space<vmem_shared>>
          tpu.wait_dma2 semaphore(%run_scoped3A : memref<!tpu.dma_semaphore, #tpu.memory_space<semaphore_mem>>) src(%dma_wait3A_505 : memref<16x128xf32, #tpu.memory_space<vmem_shared>>) dst(%arg15 : memref<16x128xf32, #tpu.memory_space<vmem>>)
          tpu.yield
        }) : () -> ()
        %scan3A_490 = arith.constant 0 : i32
        %scan3A_491 = arith.constant 0 : i32
        %scan3A_492 = arith.constant 16 : i32
        %scan3A_493 = arith.addi %scan3A_491, %scan3A_492 : i32
        %scan3A_494 = arith.constant 1 : i32
        %scan3A_495 = scf.for %scan3A_498 = %scan3A_491 to %scan3A_493 step %scan3A_494 iter_args(%scan3A_499 = %scan3A_490) -> (i32)  : i32 {
          %broadcast_in_dim3A_500 = arith.constant 0 : i32
          %broadcast_in_dim3A_501 = vector.broadcast %broadcast_in_dim3A_500 : i32 to vector<16xi32>
          %mul3A_502 = arith.constant 16 : i32
          %mul3A_503 = arith.muli %scan3A_477, %mul3A_502 : i32
          %add3A_504 = arith.addi %mul3A_503, %scan3A_498 : i32
          %add3A_505 = vector.broadcast %add3A_504 : i32 to vector<16xi32>
          %add3A_506 = arith.addi %broadcast_in_dim3A_501, %add3A_505 : vector<16xi32>
          %gather3A = tpu.vector_load_idx %arg13[%add3A_506] : memref<656xf32, #tpu.memory_space<vmem>>[vector<16xi32>], vector<16xf32>,
          %gt3A = arith.constant 0.000000e+00 : f32
          %gt3A_507 = vector.broadcast %gt3A : f32 to vector<16xf32>
          %gt3A_508 = arith.cmpf ogt, %gather3A, %gt3A_507 : vector<16xf32>
          %div3A = arith.constant 1.000000e+00 : f32
          %div3A_509 = vector.broadcast %div3A : f32 to vector<16xf32>
          %div3A_510 = arith.divf %div3A_509, %gather3A : vector<16xf32>
          %jit3A = arith.constant 0.000000e+00 : f32
          %broadcast_in_dim3A_511 = vector.broadcast %jit3A : f32 to vector<16xf32>
          %select_n3A = arith.select %gt3A_508, %div3A_510, %broadcast_in_dim3A_511 : vector<16xi1>, vector<16xf32>
          %get3A = arith.index_cast %scan3A_498 : i32 to index
          %get3A_512 = arith.constant 0 : index
          %get3A_513 = tpu.vector_load %arg15[%get3A, %get3A_512] {strides = array<i32>} : memref<16x128xf32, #tpu.memory_space<vmem>>, vector<16xf32>,
          %mul3A_514 = arith.mulf %get3A_513, %select_n3A : vector<16xf32>
          %swap3A = arith.index_cast %scan3A_498 : i32 to index
          %swap3A_515 = arith.constant 0 : index
          %swap3A_516 = tpu.vector_load %arg15[%swap3A, %swap3A_515] {strides = array<i32>} : memref<16x128xf32, #tpu.memory_space<vmem>>, vector<16xf32>,
          tpu.vector_store %arg15[%swap3A, %swap3A_515], %mul3A_514 {strides = array<i32>} : memref<16x128xf32, #tpu.memory_space<vmem>>, vector<16xf32>,
          %get3A_517 = arith.index_cast %scan3A_498 : i32 to index
          %get3A_518 = arith.constant 16 : index
          %get3A_519 = tpu.vector_load %arg15[%get3A_517, %get3A_518] {strides = array<i32>} : memref<16x128xf32, #tpu.memory_space<vmem>>, vector<16xf32>,
          %mul3A_520 = arith.mulf %get3A_519, %select_n3A : vector<16xf32>
          %swap3A_521 = arith.index_cast %scan3A_498 : i32 to index
          %swap3A_522 = arith.constant 16 : index
          %swap3A_523 = tpu.vector_load %arg15[%swap3A_521, %swap3A_522] {strides = array<i32>} : memref<16x128xf32, #tpu.memory_space<vmem>>, vector<16xf32>,
          tpu.vector_store %arg15[%swap3A_521, %swap3A_522], %mul3A_520 {strides = array<i32>} : memref<16x128xf32, #tpu.memory_space<vmem>>, vector<16xf32>,
          %get3A_524 = arith.index_cast %scan3A_498 : i32 to index
          %get3A_525 = arith.constant 32 : index
          %get3A_526 = tpu.vector_load %arg15[%get3A_524, %get3A_525] {strides = array<i32>} : memref<16x128xf32, #tpu.memory_space<vmem>>, vector<16xf32>,
          %mul3A_527 = arith.mulf %get3A_526, %select_n3A : vector<16xf32>
          %swap3A_528 = arith.index_cast %scan3A_498 : i32 to index
          %swap3A_529 = arith.constant 32 : index
          %swap3A_530 = tpu.vector_load %arg15[%swap3A_528, %swap3A_529] {strides = array<i32>} : memref<16x128xf32, #tpu.memory_space<vmem>>, vector<16xf32>,
          tpu.vector_store %arg15[%swap3A_528, %swap3A_529], %mul3A_527 {strides = array<i32>} : memref<16x128xf32, #tpu.memory_space<vmem>>, vector<16xf32>,
          %get3A_531 = arith.index_cast %scan3A_498 : i32 to index
          %get3A_532 = arith.constant 48 : index
          %get3A_533 = tpu.vector_load %arg15[%get3A_531, %get3A_532] {strides = array<i32>} : memref<16x128xf32, #tpu.memory_space<vmem>>, vector<16xf32>,
          %mul3A_534 = arith.mulf %get3A_533, %select_n3A : vector<16xf32>
          %swap3A_535 = arith.index_cast %scan3A_498 : i32 to index
          %swap3A_536 = arith.constant 48 : index
          %swap3A_537 = tpu.vector_load %arg15[%swap3A_535, %swap3A_536] {strides = array<i32>} : memref<16x128xf32, #tpu.memory_space<vmem>>, vector<16xf32>,
          tpu.vector_store %arg15[%swap3A_535, %swap3A_536], %mul3A_534 {strides = array<i32>} : memref<16x128xf32, #tpu.memory_space<vmem>>, vector<16xf32>,
          %get3A_538 = arith.index_cast %scan3A_498 : i32 to index
          %get3A_539 = arith.constant 64 : index
          %get3A_540 = tpu.vector_load %arg15[%get3A_538, %get3A_539] {strides = array<i32>} : memref<16x128xf32, #tpu.memory_space<vmem>>, vector<16xf32>,
          %mul3A_541 = arith.mulf %get3A_540, %select_n3A : vector<16xf32>
          %swap3A_542 = arith.index_cast %scan3A_498 : i32 to index
          %swap3A_543 = arith.constant 64 : index
          %swap3A_544 = tpu.vector_load %arg15[%swap3A_542, %swap3A_543] {strides = array<i32>} : memref<16x128xf32, #tpu.memory_space<vmem>>, vector<16xf32>,
          tpu.vector_store %arg15[%swap3A_542, %swap3A_543], %mul3A_541 {strides = array<i32>} : memref<16x128xf32, #tpu.memory_space<vmem>>, vector<16xf32>,
          %get3A_545 = arith.index_cast %scan3A_498 : i32 to index
          %get3A_546 = arith.constant 80 : index
          %get3A_547 = tpu.vector_load %arg15[%get3A_545, %get3A_546] {strides = array<i32>} : memref<16x128xf32, #tpu.memory_space<vmem>>, vector<16xf32>,
          %mul3A_548 = arith.mulf %get3A_547, %select_n3A : vector<16xf32>
          %swap3A_549 = arith.index_cast %scan3A_498 : i32 to index
          %swap3A_550 = arith.constant 80 : index
          %swap3A_551 = tpu.vector_load %arg15[%swap3A_549, %swap3A_550] {strides = array<i32>} : memref<16x128xf32, #tpu.memory_space<vmem>>, vector<16xf32>,
          tpu.vector_store %arg15[%swap3A_549, %swap3A_550], %mul3A_548 {strides = array<i32>} : memref<16x128xf32, #tpu.memory_space<vmem>>, vector<16xf32>,
          %get3A_552 = arith.index_cast %scan3A_498 : i32 to index
          %get3A_553 = arith.constant 96 : index
          %get3A_554 = tpu.vector_load %arg15[%get3A_552, %get3A_553] {strides = array<i32>} : memref<16x128xf32, #tpu.memory_space<vmem>>, vector<16xf32>,
          %mul3A_555 = arith.mulf %get3A_554, %select_n3A : vector<16xf32>
          %swap3A_556 = arith.index_cast %scan3A_498 : i32 to index
          %swap3A_557 = arith.constant 96 : index
          %swap3A_558 = tpu.vector_load %arg15[%swap3A_556, %swap3A_557] {strides = array<i32>} : memref<16x128xf32, #tpu.memory_space<vmem>>, vector<16xf32>,
          tpu.vector_store %arg15[%swap3A_556, %swap3A_557], %mul3A_555 {strides = array<i32>} : memref<16x128xf32, #tpu.memory_space<vmem>>, vector<16xf32>,
          %get3A_559 = arith.index_cast %scan3A_498 : i32 to index
          %get3A_560 = arith.constant 112 : index
          %get3A_561 = tpu.vector_load %arg15[%get3A_559, %get3A_560] {strides = array<i32>} : memref<16x128xf32, #tpu.memory_space<vmem>>, vector<16xf32>,
          %mul3A_562 = arith.mulf %get3A_561, %select_n3A : vector<16xf32>
          %swap3A_563 = arith.index_cast %scan3A_498 : i32 to index
          %swap3A_564 = arith.constant 112 : index
          %swap3A_565 = tpu.vector_load %arg15[%swap3A_563, %swap3A_564] {strides = array<i32>} : memref<16x128xf32, #tpu.memory_space<vmem>>, vector<16xf32>,
          tpu.vector_store %arg15[%swap3A_563, %swap3A_564], %mul3A_562 {strides = array<i32>} : memref<16x128xf32, #tpu.memory_space<vmem>>, vector<16xf32>,
          %scan3A_566 = arith.constant 0 : i32
          scf.yield %scan3A_566 : i32
        }
        %scan3A_496 = arith.constant 16 : i32
        %add3A_497 = arith.addi %mul3A_2, %mul3A_489 : i32
        "tpu.region"() ({
          %run_scoped3A = tpu.sem_alloc : memref<!tpu.dma_semaphore, #tpu.memory_space<semaphore_mem>>
          %dma_start3A_498 = arith.constant 0 : i32
          %dma_start3A_499 = tpu.memref_slice %arg7[%add3A_497, %dma_start3A_498] : memref<20000x128xf32, #tpu.memory_space<hbm>> -> memref<16x128xf32, #tpu.memory_space<hbm>>
          %dma_start3A_500 = arith.constant 0 : i32
          %dma_start3A_501 = tpu.memref_slice %arg7[%add3A_497, %dma_start3A_500] : memref<20000x128xf32, #tpu.memory_space<hbm>> -> memref<16x128xf32, #tpu.memory_space<hbm>>
          tpu.enqueue_dma source(%arg15 : memref<16x128xf32, #tpu.memory_space<vmem>>) target(%dma_start3A_501 : memref<16x128xf32, #tpu.memory_space<hbm>>) target_semaphore(%run_scoped3A : memref<!tpu.dma_semaphore, #tpu.memory_space<semaphore_mem>>)
          %dma_wait3A_502 = arith.constant 0 : i32
          %dma_wait3A_503 = tpu.memref_slice %arg7[%add3A_497, %dma_wait3A_502] : memref<20000x128xf32, #tpu.memory_space<hbm>> -> memref<16x128xf32, #tpu.memory_space<hbm>>
          %dma_wait3A_504 = arith.constant 0 : i32
          %dma_wait3A_505 = tpu.memref_slice %arg7[%add3A_497, %dma_wait3A_504] : memref<20000x128xf32, #tpu.memory_space<hbm>> -> memref<16x128xf32, #tpu.memory_space<hbm>>
          tpu.wait_dma2 semaphore(%run_scoped3A : memref<!tpu.dma_semaphore, #tpu.memory_space<semaphore_mem>>) src(%arg15 : memref<16x128xf32, #tpu.memory_space<vmem>>) dst(%dma_wait3A_505 : memref<16x128xf32, #tpu.memory_space<hbm>>)
          tpu.yield
        }) : () -> ()
      } else {
      }
      %scan3A_487 = arith.constant 0 : i32
      scf.yield %scan3A_487 : i32
    }
    %scan3A_236 = arith.constant 40 : i32
    %barrier3A_237 = arith.constant 0 : index
    tpu.barrier barrier_id(%barrier3A_237)
    %scan3A_238 = arith.constant 0 : i32
    %scan3A_239 = arith.constant 0 : i32
    %scan3A_240 = arith.constant 80 : i32
    %scan3A_241 = arith.addi %scan3A_239, %scan3A_240 : i32
    %scan3A_242 = arith.constant 1 : i32
    %scan3A_243 = scf.for %scan3A_477 = %scan3A_239 to %scan3A_241 step %scan3A_242 iter_args(%scan3A_478 = %scan3A_238) -> (i32)  : i32 {
      %broadcast_in_dim3A_479 = arith.constant 0.000000e+00 : f32
      %broadcast_in_dim3A_480 = vector.broadcast %broadcast_in_dim3A_479 : f32 to vector<16xf32>
      %swap3A = arith.index_cast %scan3A_477 : i32 to index
      %swap3A_481 = arith.constant 0 : index
      %swap3A_482 = tpu.vector_load %arg11[%swap3A, %swap3A_481] {strides = array<i32>} : memref<80x128xf32, #tpu.memory_space<vmem>>, vector<16xf32>,
      tpu.vector_store %arg11[%swap3A, %swap3A_481], %broadcast_in_dim3A_480 {strides = array<i32>} : memref<80x128xf32, #tpu.memory_space<vmem>>, vector<16xf32>,
      %broadcast_in_dim3A_483 = arith.constant 0.000000e+00 : f32
      %broadcast_in_dim3A_484 = vector.broadcast %broadcast_in_dim3A_483 : f32 to vector<16xf32>
      %swap3A_485 = arith.index_cast %scan3A_477 : i32 to index
      %swap3A_486 = arith.constant 16 : index
      %swap3A_487 = tpu.vector_load %arg11[%swap3A_485, %swap3A_486] {strides = array<i32>} : memref<80x128xf32, #tpu.memory_space<vmem>>, vector<16xf32>,
      tpu.vector_store %arg11[%swap3A_485, %swap3A_486], %broadcast_in_dim3A_484 {strides = array<i32>} : memref<80x128xf32, #tpu.memory_space<vmem>>, vector<16xf32>,
      %broadcast_in_dim3A_488 = arith.constant 0.000000e+00 : f32
      %broadcast_in_dim3A_489 = vector.broadcast %broadcast_in_dim3A_488 : f32 to vector<16xf32>
      %swap3A_490 = arith.index_cast %scan3A_477 : i32 to index
      %swap3A_491 = arith.constant 32 : index
      %swap3A_492 = tpu.vector_load %arg11[%swap3A_490, %swap3A_491] {strides = array<i32>} : memref<80x128xf32, #tpu.memory_space<vmem>>, vector<16xf32>,
      tpu.vector_store %arg11[%swap3A_490, %swap3A_491], %broadcast_in_dim3A_489 {strides = array<i32>} : memref<80x128xf32, #tpu.memory_space<vmem>>, vector<16xf32>,
      %broadcast_in_dim3A_493 = arith.constant 0.000000e+00 : f32
      %broadcast_in_dim3A_494 = vector.broadcast %broadcast_in_dim3A_493 : f32 to vector<16xf32>
      %swap3A_495 = arith.index_cast %scan3A_477 : i32 to index
      %swap3A_496 = arith.constant 48 : index
      %swap3A_497 = tpu.vector_load %arg11[%swap3A_495, %swap3A_496] {strides = array<i32>} : memref<80x128xf32, #tpu.memory_space<vmem>>, vector<16xf32>,
      tpu.vector_store %arg11[%swap3A_495, %swap3A_496], %broadcast_in_dim3A_494 {strides = array<i32>} : memref<80x128xf32, #tpu.memory_space<vmem>>, vector<16xf32>,
      %broadcast_in_dim3A_498 = arith.constant 0.000000e+00 : f32
      %broadcast_in_dim3A_499 = vector.broadcast %broadcast_in_dim3A_498 : f32 to vector<16xf32>
      %swap3A_500 = arith.index_cast %scan3A_477 : i32 to index
      %swap3A_501 = arith.constant 64 : index
      %swap3A_502 = tpu.vector_load %arg11[%swap3A_500, %swap3A_501] {strides = array<i32>} : memref<80x128xf32, #tpu.memory_space<vmem>>, vector<16xf32>,
      tpu.vector_store %arg11[%swap3A_500, %swap3A_501], %broadcast_in_dim3A_499 {strides = array<i32>} : memref<80x128xf32, #tpu.memory_space<vmem>>, vector<16xf32>,
      %broadcast_in_dim3A_503 = arith.constant 0.000000e+00 : f32
      %broadcast_in_dim3A_504 = vector.broadcast %broadcast_in_dim3A_503 : f32 to vector<16xf32>
      %swap3A_505 = arith.index_cast %scan3A_477 : i32 to index
      %swap3A_506 = arith.constant 80 : index
      %swap3A_507 = tpu.vector_load %arg11[%swap3A_505, %swap3A_506] {strides = array<i32>} : memref<80x128xf32, #tpu.memory_space<vmem>>, vector<16xf32>,
      tpu.vector_store %arg11[%swap3A_505, %swap3A_506], %broadcast_in_dim3A_504 {strides = array<i32>} : memref<80x128xf32, #tpu.memory_space<vmem>>, vector<16xf32>,
      %broadcast_in_dim3A_508 = arith.constant 0.000000e+00 : f32
      %broadcast_in_dim3A_509 = vector.broadcast %broadcast_in_dim3A_508 : f32 to vector<16xf32>
      %swap3A_510 = arith.index_cast %scan3A_477 : i32 to index
      %swap3A_511 = arith.constant 96 : index
      %swap3A_512 = tpu.vector_load %arg11[%swap3A_510, %swap3A_511] {strides = array<i32>} : memref<80x128xf32, #tpu.memory_space<vmem>>, vector<16xf32>,
      tpu.vector_store %arg11[%swap3A_510, %swap3A_511], %broadcast_in_dim3A_509 {strides = array<i32>} : memref<80x128xf32, #tpu.memory_space<vmem>>, vector<16xf32>,
      %broadcast_in_dim3A_513 = arith.constant 0.000000e+00 : f32
      %broadcast_in_dim3A_514 = vector.broadcast %broadcast_in_dim3A_513 : f32 to vector<16xf32>
      %swap3A_515 = arith.index_cast %scan3A_477 : i32 to index
      %swap3A_516 = arith.constant 112 : index
      %swap3A_517 = tpu.vector_load %arg11[%swap3A_515, %swap3A_516] {strides = array<i32>} : memref<80x128xf32, #tpu.memory_space<vmem>>, vector<16xf32>,
      tpu.vector_store %arg11[%swap3A_515, %swap3A_516], %broadcast_in_dim3A_514 {strides = array<i32>} : memref<80x128xf32, #tpu.memory_space<vmem>>, vector<16xf32>,
      %scan3A_518 = arith.constant 0 : i32
      scf.yield %scan3A_518 : i32
    }
    %scan3A_244 = arith.constant 80 : i32
    %add3A_245 = arith.constant 0 : i32
    %add3A_246 = arith.addi %add3A_245, %arg1 : i32
    %lt3A_247 = arith.constant 125 : i32
    %lt3A_248 = arith.cmpi slt, %add3A_246, %lt3A_247 : i32
    %convert_element_type3A_249 = arith.extui %lt3A_248 : i1 to i32
    %cond3A_250 = arith.constant 0 : i32
    %cond3A_251 = arith.cmpi ne, %convert_element_type3A_249, %cond3A_250 : i32
    scf.if %cond3A_251 {
      %mul3A_477 = arith.constant 80 : i32
      %mul3A_478 = arith.muli %add3A_246, %mul3A_477 : i32
      "tpu.region"() ({
        %run_scoped3A = tpu.sem_alloc : memref<!tpu.dma_semaphore, #tpu.memory_space<semaphore_mem>>
        %dma_start3A_479 = arith.constant 0 : i32
        %dma_start3A_480 = tpu.memref_slice %arg8[%mul3A_478, %dma_start3A_479] : memref<10000x128xf32, #tpu.memory_space<vmem_shared>> -> memref<80x128xf32, #tpu.memory_space<vmem_shared>>
        %dma_start3A_481 = arith.constant 0 : i32
        %dma_start3A_482 = tpu.memref_slice %arg8[%mul3A_478, %dma_start3A_481] : memref<10000x128xf32, #tpu.memory_space<vmem_shared>> -> memref<80x128xf32, #tpu.memory_space<vmem_shared>>
        tpu.enqueue_dma source(%arg11 : memref<80x128xf32, #tpu.memory_space<vmem>>) target(%dma_start3A_482 : memref<80x128xf32, #tpu.memory_space<vmem_shared>>) target_semaphore(%run_scoped3A : memref<!tpu.dma_semaphore, #tpu.memory_space<semaphore_mem>>)
        %dma_wait3A_483 = arith.constant 0 : i32
        %dma_wait3A_484 = tpu.memref_slice %arg8[%mul3A_478, %dma_wait3A_483] : memref<10000x128xf32, #tpu.memory_space<vmem_shared>> -> memref<80x128xf32, #tpu.memory_space<vmem_shared>>
        %dma_wait3A_485 = arith.constant 0 : i32
        %dma_wait3A_486 = tpu.memref_slice %arg8[%mul3A_478, %dma_wait3A_485] : memref<10000x128xf32, #tpu.memory_space<vmem_shared>> -> memref<80x128xf32, #tpu.memory_space<vmem_shared>>
        tpu.wait_dma2 semaphore(%run_scoped3A : memref<!tpu.dma_semaphore, #tpu.memory_space<semaphore_mem>>) src(%arg11 : memref<80x128xf32, #tpu.memory_space<vmem>>) dst(%dma_wait3A_486 : memref<80x128xf32, #tpu.memory_space<vmem_shared>>)
        tpu.yield
      }) : () -> ()
    } else {
    }
    %add3A_252 = arith.constant 16 : i32
    %add3A_253 = arith.addi %add3A_252, %arg1 : i32
    %lt3A_254 = arith.constant 125 : i32
    %lt3A_255 = arith.cmpi slt, %add3A_253, %lt3A_254 : i32
    %convert_element_type3A_256 = arith.extui %lt3A_255 : i1 to i32
    %cond3A_257 = arith.constant 0 : i32
    %cond3A_258 = arith.cmpi ne, %convert_element_type3A_256, %cond3A_257 : i32
    scf.if %cond3A_258 {
      %mul3A_477 = arith.constant 80 : i32
      %mul3A_478 = arith.muli %add3A_253, %mul3A_477 : i32
      "tpu.region"() ({
        %run_scoped3A = tpu.sem_alloc : memref<!tpu.dma_semaphore, #tpu.memory_space<semaphore_mem>>
        %dma_start3A_479 = arith.constant 0 : i32
        %dma_start3A_480 = tpu.memref_slice %arg8[%mul3A_478, %dma_start3A_479] : memref<10000x128xf32, #tpu.memory_space<vmem_shared>> -> memref<80x128xf32, #tpu.memory_space<vmem_shared>>
        %dma_start3A_481 = arith.constant 0 : i32
        %dma_start3A_482 = tpu.memref_slice %arg8[%mul3A_478, %dma_start3A_481] : memref<10000x128xf32, #tpu.memory_space<vmem_shared>> -> memref<80x128xf32, #tpu.memory_space<vmem_shared>>
        tpu.enqueue_dma source(%arg11 : memref<80x128xf32, #tpu.memory_space<vmem>>) target(%dma_start3A_482 : memref<80x128xf32, #tpu.memory_space<vmem_shared>>) target_semaphore(%run_scoped3A : memref<!tpu.dma_semaphore, #tpu.memory_space<semaphore_mem>>)
        %dma_wait3A_483 = arith.constant 0 : i32
        %dma_wait3A_484 = tpu.memref_slice %arg8[%mul3A_478, %dma_wait3A_483] : memref<10000x128xf32, #tpu.memory_space<vmem_shared>> -> memref<80x128xf32, #tpu.memory_space<vmem_shared>>
        %dma_wait3A_485 = arith.constant 0 : i32
        %dma_wait3A_486 = tpu.memref_slice %arg8[%mul3A_478, %dma_wait3A_485] : memref<10000x128xf32, #tpu.memory_space<vmem_shared>> -> memref<80x128xf32, #tpu.memory_space<vmem_shared>>
        tpu.wait_dma2 semaphore(%run_scoped3A : memref<!tpu.dma_semaphore, #tpu.memory_space<semaphore_mem>>) src(%arg11 : memref<80x128xf32, #tpu.memory_space<vmem>>) dst(%dma_wait3A_486 : memref<80x128xf32, #tpu.memory_space<vmem_shared>>)
        tpu.yield
      }) : () -> ()
    } else {
    }
    %add3A_259 = arith.constant 32 : i32
    %add3A_260 = arith.addi %add3A_259, %arg1 : i32
    %lt3A_261 = arith.constant 125 : i32
    %lt3A_262 = arith.cmpi slt, %add3A_260, %lt3A_261 : i32
    %convert_element_type3A_263 = arith.extui %lt3A_262 : i1 to i32
    %cond3A_264 = arith.constant 0 : i32
    %cond3A_265 = arith.cmpi ne, %convert_element_type3A_263, %cond3A_264 : i32
    scf.if %cond3A_265 {
      %mul3A_477 = arith.constant 80 : i32
      %mul3A_478 = arith.muli %add3A_260, %mul3A_477 : i32
      "tpu.region"() ({
        %run_scoped3A = tpu.sem_alloc : memref<!tpu.dma_semaphore, #tpu.memory_space<semaphore_mem>>
        %dma_start3A_479 = arith.constant 0 : i32
        %dma_start3A_480 = tpu.memref_slice %arg8[%mul3A_478, %dma_start3A_479] : memref<10000x128xf32, #tpu.memory_space<vmem_shared>> -> memref<80x128xf32, #tpu.memory_space<vmem_shared>>
        %dma_start3A_481 = arith.constant 0 : i32
        %dma_start3A_482 = tpu.memref_slice %arg8[%mul3A_478, %dma_start3A_481] : memref<10000x128xf32, #tpu.memory_space<vmem_shared>> -> memref<80x128xf32, #tpu.memory_space<vmem_shared>>
        tpu.enqueue_dma source(%arg11 : memref<80x128xf32, #tpu.memory_space<vmem>>) target(%dma_start3A_482 : memref<80x128xf32, #tpu.memory_space<vmem_shared>>) target_semaphore(%run_scoped3A : memref<!tpu.dma_semaphore, #tpu.memory_space<semaphore_mem>>)
        %dma_wait3A_483 = arith.constant 0 : i32
        %dma_wait3A_484 = tpu.memref_slice %arg8[%mul3A_478, %dma_wait3A_483] : memref<10000x128xf32, #tpu.memory_space<vmem_shared>> -> memref<80x128xf32, #tpu.memory_space<vmem_shared>>
        %dma_wait3A_485 = arith.constant 0 : i32
        %dma_wait3A_486 = tpu.memref_slice %arg8[%mul3A_478, %dma_wait3A_485] : memref<10000x128xf32, #tpu.memory_space<vmem_shared>> -> memref<80x128xf32, #tpu.memory_space<vmem_shared>>
        tpu.wait_dma2 semaphore(%run_scoped3A : memref<!tpu.dma_semaphore, #tpu.memory_space<semaphore_mem>>) src(%arg11 : memref<80x128xf32, #tpu.memory_space<vmem>>) dst(%dma_wait3A_486 : memref<80x128xf32, #tpu.memory_space<vmem_shared>>)
        tpu.yield
      }) : () -> ()
    } else {
    }
    %add3A_266 = arith.constant 48 : i32
    %add3A_267 = arith.addi %add3A_266, %arg1 : i32
    %lt3A_268 = arith.constant 125 : i32
    %lt3A_269 = arith.cmpi slt, %add3A_267, %lt3A_268 : i32
    %convert_element_type3A_270 = arith.extui %lt3A_269 : i1 to i32
    %cond3A_271 = arith.constant 0 : i32
    %cond3A_272 = arith.cmpi ne, %convert_element_type3A_270, %cond3A_271 : i32
    scf.if %cond3A_272 {
      %mul3A_477 = arith.constant 80 : i32
      %mul3A_478 = arith.muli %add3A_267, %mul3A_477 : i32
      "tpu.region"() ({
        %run_scoped3A = tpu.sem_alloc : memref<!tpu.dma_semaphore, #tpu.memory_space<semaphore_mem>>
        %dma_start3A_479 = arith.constant 0 : i32
        %dma_start3A_480 = tpu.memref_slice %arg8[%mul3A_478, %dma_start3A_479] : memref<10000x128xf32, #tpu.memory_space<vmem_shared>> -> memref<80x128xf32, #tpu.memory_space<vmem_shared>>
        %dma_start3A_481 = arith.constant 0 : i32
        %dma_start3A_482 = tpu.memref_slice %arg8[%mul3A_478, %dma_start3A_481] : memref<10000x128xf32, #tpu.memory_space<vmem_shared>> -> memref<80x128xf32, #tpu.memory_space<vmem_shared>>
        tpu.enqueue_dma source(%arg11 : memref<80x128xf32, #tpu.memory_space<vmem>>) target(%dma_start3A_482 : memref<80x128xf32, #tpu.memory_space<vmem_shared>>) target_semaphore(%run_scoped3A : memref<!tpu.dma_semaphore, #tpu.memory_space<semaphore_mem>>)
        %dma_wait3A_483 = arith.constant 0 : i32
        %dma_wait3A_484 = tpu.memref_slice %arg8[%mul3A_478, %dma_wait3A_483] : memref<10000x128xf32, #tpu.memory_space<vmem_shared>> -> memref<80x128xf32, #tpu.memory_space<vmem_shared>>
        %dma_wait3A_485 = arith.constant 0 : i32
        %dma_wait3A_486 = tpu.memref_slice %arg8[%mul3A_478, %dma_wait3A_485] : memref<10000x128xf32, #tpu.memory_space<vmem_shared>> -> memref<80x128xf32, #tpu.memory_space<vmem_shared>>
        tpu.wait_dma2 semaphore(%run_scoped3A : memref<!tpu.dma_semaphore, #tpu.memory_space<semaphore_mem>>) src(%arg11 : memref<80x128xf32, #tpu.memory_space<vmem>>) dst(%dma_wait3A_486 : memref<80x128xf32, #tpu.memory_space<vmem_shared>>)
        tpu.yield
      }) : () -> ()
    } else {
    }
    %add3A_273 = arith.constant 64 : i32
    %add3A_274 = arith.addi %add3A_273, %arg1 : i32
    %lt3A_275 = arith.constant 125 : i32
    %lt3A_276 = arith.cmpi slt, %add3A_274, %lt3A_275 : i32
    %convert_element_type3A_277 = arith.extui %lt3A_276 : i1 to i32
    %cond3A_278 = arith.constant 0 : i32
    %cond3A_279 = arith.cmpi ne, %convert_element_type3A_277, %cond3A_278 : i32
    scf.if %cond3A_279 {
      %mul3A_477 = arith.constant 80 : i32
      %mul3A_478 = arith.muli %add3A_274, %mul3A_477 : i32
      "tpu.region"() ({
        %run_scoped3A = tpu.sem_alloc : memref<!tpu.dma_semaphore, #tpu.memory_space<semaphore_mem>>
        %dma_start3A_479 = arith.constant 0 : i32
        %dma_start3A_480 = tpu.memref_slice %arg8[%mul3A_478, %dma_start3A_479] : memref<10000x128xf32, #tpu.memory_space<vmem_shared>> -> memref<80x128xf32, #tpu.memory_space<vmem_shared>>
        %dma_start3A_481 = arith.constant 0 : i32
        %dma_start3A_482 = tpu.memref_slice %arg8[%mul3A_478, %dma_start3A_481] : memref<10000x128xf32, #tpu.memory_space<vmem_shared>> -> memref<80x128xf32, #tpu.memory_space<vmem_shared>>
        tpu.enqueue_dma source(%arg11 : memref<80x128xf32, #tpu.memory_space<vmem>>) target(%dma_start3A_482 : memref<80x128xf32, #tpu.memory_space<vmem_shared>>) target_semaphore(%run_scoped3A : memref<!tpu.dma_semaphore, #tpu.memory_space<semaphore_mem>>)
        %dma_wait3A_483 = arith.constant 0 : i32
        %dma_wait3A_484 = tpu.memref_slice %arg8[%mul3A_478, %dma_wait3A_483] : memref<10000x128xf32, #tpu.memory_space<vmem_shared>> -> memref<80x128xf32, #tpu.memory_space<vmem_shared>>
        %dma_wait3A_485 = arith.constant 0 : i32
        %dma_wait3A_486 = tpu.memref_slice %arg8[%mul3A_478, %dma_wait3A_485] : memref<10000x128xf32, #tpu.memory_space<vmem_shared>> -> memref<80x128xf32, #tpu.memory_space<vmem_shared>>
        tpu.wait_dma2 semaphore(%run_scoped3A : memref<!tpu.dma_semaphore, #tpu.memory_space<semaphore_mem>>) src(%arg11 : memref<80x128xf32, #tpu.memory_space<vmem>>) dst(%dma_wait3A_486 : memref<80x128xf32, #tpu.memory_space<vmem_shared>>)
        tpu.yield
      }) : () -> ()
    } else {
    }
    %add3A_280 = arith.constant 80 : i32
    %add3A_281 = arith.addi %add3A_280, %arg1 : i32
    %lt3A_282 = arith.constant 125 : i32
    %lt3A_283 = arith.cmpi slt, %add3A_281, %lt3A_282 : i32
    %convert_element_type3A_284 = arith.extui %lt3A_283 : i1 to i32
    %cond3A_285 = arith.constant 0 : i32
    %cond3A_286 = arith.cmpi ne, %convert_element_type3A_284, %cond3A_285 : i32
    scf.if %cond3A_286 {
      %mul3A_477 = arith.constant 80 : i32
      %mul3A_478 = arith.muli %add3A_281, %mul3A_477 : i32
      "tpu.region"() ({
        %run_scoped3A = tpu.sem_alloc : memref<!tpu.dma_semaphore, #tpu.memory_space<semaphore_mem>>
        %dma_start3A_479 = arith.constant 0 : i32
        %dma_start3A_480 = tpu.memref_slice %arg8[%mul3A_478, %dma_start3A_479] : memref<10000x128xf32, #tpu.memory_space<vmem_shared>> -> memref<80x128xf32, #tpu.memory_space<vmem_shared>>
        %dma_start3A_481 = arith.constant 0 : i32
        %dma_start3A_482 = tpu.memref_slice %arg8[%mul3A_478, %dma_start3A_481] : memref<10000x128xf32, #tpu.memory_space<vmem_shared>> -> memref<80x128xf32, #tpu.memory_space<vmem_shared>>
        tpu.enqueue_dma source(%arg11 : memref<80x128xf32, #tpu.memory_space<vmem>>) target(%dma_start3A_482 : memref<80x128xf32, #tpu.memory_space<vmem_shared>>) target_semaphore(%run_scoped3A : memref<!tpu.dma_semaphore, #tpu.memory_space<semaphore_mem>>)
        %dma_wait3A_483 = arith.constant 0 : i32
        %dma_wait3A_484 = tpu.memref_slice %arg8[%mul3A_478, %dma_wait3A_483] : memref<10000x128xf32, #tpu.memory_space<vmem_shared>> -> memref<80x128xf32, #tpu.memory_space<vmem_shared>>
        %dma_wait3A_485 = arith.constant 0 : i32
        %dma_wait3A_486 = tpu.memref_slice %arg8[%mul3A_478, %dma_wait3A_485] : memref<10000x128xf32, #tpu.memory_space<vmem_shared>> -> memref<80x128xf32, #tpu.memory_space<vmem_shared>>
        tpu.wait_dma2 semaphore(%run_scoped3A : memref<!tpu.dma_semaphore, #tpu.memory_space<semaphore_mem>>) src(%arg11 : memref<80x128xf32, #tpu.memory_space<vmem>>) dst(%dma_wait3A_486 : memref<80x128xf32, #tpu.memory_space<vmem_shared>>)
        tpu.yield
      }) : () -> ()
    } else {
    }
    %add3A_287 = arith.constant 96 : i32
    %add3A_288 = arith.addi %add3A_287, %arg1 : i32
    %lt3A_289 = arith.constant 125 : i32
    %lt3A_290 = arith.cmpi slt, %add3A_288, %lt3A_289 : i32
    %convert_element_type3A_291 = arith.extui %lt3A_290 : i1 to i32
    %cond3A_292 = arith.constant 0 : i32
    %cond3A_293 = arith.cmpi ne, %convert_element_type3A_291, %cond3A_292 : i32
    scf.if %cond3A_293 {
      %mul3A_477 = arith.constant 80 : i32
      %mul3A_478 = arith.muli %add3A_288, %mul3A_477 : i32
      "tpu.region"() ({
        %run_scoped3A = tpu.sem_alloc : memref<!tpu.dma_semaphore, #tpu.memory_space<semaphore_mem>>
        %dma_start3A_479 = arith.constant 0 : i32
        %dma_start3A_480 = tpu.memref_slice %arg8[%mul3A_478, %dma_start3A_479] : memref<10000x128xf32, #tpu.memory_space<vmem_shared>> -> memref<80x128xf32, #tpu.memory_space<vmem_shared>>
        %dma_start3A_481 = arith.constant 0 : i32
        %dma_start3A_482 = tpu.memref_slice %arg8[%mul3A_478, %dma_start3A_481] : memref<10000x128xf32, #tpu.memory_space<vmem_shared>> -> memref<80x128xf32, #tpu.memory_space<vmem_shared>>
        tpu.enqueue_dma source(%arg11 : memref<80x128xf32, #tpu.memory_space<vmem>>) target(%dma_start3A_482 : memref<80x128xf32, #tpu.memory_space<vmem_shared>>) target_semaphore(%run_scoped3A : memref<!tpu.dma_semaphore, #tpu.memory_space<semaphore_mem>>)
        %dma_wait3A_483 = arith.constant 0 : i32
        %dma_wait3A_484 = tpu.memref_slice %arg8[%mul3A_478, %dma_wait3A_483] : memref<10000x128xf32, #tpu.memory_space<vmem_shared>> -> memref<80x128xf32, #tpu.memory_space<vmem_shared>>
        %dma_wait3A_485 = arith.constant 0 : i32
        %dma_wait3A_486 = tpu.memref_slice %arg8[%mul3A_478, %dma_wait3A_485] : memref<10000x128xf32, #tpu.memory_space<vmem_shared>> -> memref<80x128xf32, #tpu.memory_space<vmem_shared>>
        tpu.wait_dma2 semaphore(%run_scoped3A : memref<!tpu.dma_semaphore, #tpu.memory_space<semaphore_mem>>) src(%arg11 : memref<80x128xf32, #tpu.memory_space<vmem>>) dst(%dma_wait3A_486 : memref<80x128xf32, #tpu.memory_space<vmem_shared>>)
        tpu.yield
      }) : () -> ()
    } else {
    }
    %add3A_294 = arith.constant 112 : i32
    %add3A_295 = arith.addi %add3A_294, %arg1 : i32
    %lt3A_296 = arith.constant 125 : i32
    %lt3A_297 = arith.cmpi slt, %add3A_295, %lt3A_296 : i32
    %convert_element_type3A_298 = arith.extui %lt3A_297 : i1 to i32
    %cond3A_299 = arith.constant 0 : i32
    %cond3A_300 = arith.cmpi ne, %convert_element_type3A_298, %cond3A_299 : i32
    scf.if %cond3A_300 {
      %mul3A_477 = arith.constant 80 : i32
      %mul3A_478 = arith.muli %add3A_295, %mul3A_477 : i32
      "tpu.region"() ({
        %run_scoped3A = tpu.sem_alloc : memref<!tpu.dma_semaphore, #tpu.memory_space<semaphore_mem>>
        %dma_start3A_479 = arith.constant 0 : i32
        %dma_start3A_480 = tpu.memref_slice %arg8[%mul3A_478, %dma_start3A_479] : memref<10000x128xf32, #tpu.memory_space<vmem_shared>> -> memref<80x128xf32, #tpu.memory_space<vmem_shared>>
        %dma_start3A_481 = arith.constant 0 : i32
        %dma_start3A_482 = tpu.memref_slice %arg8[%mul3A_478, %dma_start3A_481] : memref<10000x128xf32, #tpu.memory_space<vmem_shared>> -> memref<80x128xf32, #tpu.memory_space<vmem_shared>>
        tpu.enqueue_dma source(%arg11 : memref<80x128xf32, #tpu.memory_space<vmem>>) target(%dma_start3A_482 : memref<80x128xf32, #tpu.memory_space<vmem_shared>>) target_semaphore(%run_scoped3A : memref<!tpu.dma_semaphore, #tpu.memory_space<semaphore_mem>>)
        %dma_wait3A_483 = arith.constant 0 : i32
        %dma_wait3A_484 = tpu.memref_slice %arg8[%mul3A_478, %dma_wait3A_483] : memref<10000x128xf32, #tpu.memory_space<vmem_shared>> -> memref<80x128xf32, #tpu.memory_space<vmem_shared>>
        %dma_wait3A_485 = arith.constant 0 : i32
        %dma_wait3A_486 = tpu.memref_slice %arg8[%mul3A_478, %dma_wait3A_485] : memref<10000x128xf32, #tpu.memory_space<vmem_shared>> -> memref<80x128xf32, #tpu.memory_space<vmem_shared>>
        tpu.wait_dma2 semaphore(%run_scoped3A : memref<!tpu.dma_semaphore, #tpu.memory_space<semaphore_mem>>) src(%arg11 : memref<80x128xf32, #tpu.memory_space<vmem>>) dst(%dma_wait3A_486 : memref<80x128xf32, #tpu.memory_space<vmem_shared>>)
        tpu.yield
      }) : () -> ()
    } else {
    }
    %scan3A_301 = arith.constant 0 : i32
    %scan3A_302 = arith.constant 0 : i32
    %scan3A_303 = arith.constant 41 : i32
    %scan3A_304 = arith.addi %scan3A_302, %scan3A_303 : i32
    %scan3A_305 = arith.constant 1 : i32
    %scan3A_306 = scf.for %scan3A_477 = %scan3A_302 to %scan3A_304 step %scan3A_305 iter_args(%scan3A_478 = %scan3A_301) -> (i32)  : i32 {
      %broadcast_in_dim3A_479 = arith.constant 0.000000e+00 : f32
      %broadcast_in_dim3A_480 = vector.broadcast %broadcast_in_dim3A_479 : f32 to vector<16xf32>
      %mul3A_481 = arith.constant 16 : i32
      %mul3A_482 = arith.muli %scan3A_477, %mul3A_481 : i32
      %swap3A = arith.index_cast %mul3A_482 : i32 to index
      %swap3A_483 = tpu.vector_load %arg13[%swap3A] {strides = array<i32>} : memref<656xf32, #tpu.memory_space<vmem>>, vector<16xf32>,
      tpu.vector_store %arg13[%swap3A], %broadcast_in_dim3A_480 {strides = array<i32>} : memref<656xf32, #tpu.memory_space<vmem>>, vector<16xf32>,
      %scan3A_484 = arith.constant 0 : i32
      scf.yield %scan3A_484 : i32
    }
    %scan3A_307 = arith.constant 41 : i32
    %barrier3A_308 = arith.constant 0 : index
    tpu.barrier barrier_id(%barrier3A_308)
    %mul3A_309 = arith.constant 320000 : i32
    %mul3A_310 = arith.muli %arg0, %mul3A_309 : i32
    %add3A_311 = arith.addi %mul3A_310, %mul3A_0 : i32
    %add3A_312 = arith.constant 0 : i32
    %add3A_313 = arith.addi %add3A_311, %add3A_312 : i32
    %min3A_314 = arith.constant 639920 : i32
    %min3A_315 = arith.minsi %add3A_313, %min3A_314 : i32
    %dma_start3A_316 = arith.constant 0 : i32
    %dma_start3A_317 = arith.constant 0 : i32
    %dma_start3A_318 = tpu.memref_slice %arg9[%dma_start3A_316, %dma_start3A_317] : memref<4x80xi32, #tpu.memory_space<vmem>> -> memref<1x80xi32, #tpu.memory_space<vmem>>
    %dma_start3A_319 = tpu.memref_squeeze %dma_start3A_318 : memref<1x80xi32, #tpu.memory_space<vmem>> -> memref<80xi32, #tpu.memory_space<vmem>>
    %dma_start3A_320 = tpu.memref_slice %arg4[%min3A_315] : memref<640000xi32, #tpu.memory_space<hbm>> -> memref<80xi32, #tpu.memory_space<hbm>>
    %dma_start3A_321 = arith.constant 0 : i32
    %dma_start3A_322 = tpu.memref_slice %arg9[%dma_start3A_316, %dma_start3A_321] : memref<4x80xi32, #tpu.memory_space<vmem>> -> memref<1x80xi32, #tpu.memory_space<vmem>>
    %dma_start3A_323 = tpu.memref_squeeze %dma_start3A_322 : memref<1x80xi32, #tpu.memory_space<vmem>> -> memref<80xi32, #tpu.memory_space<vmem>>
    %dma_start3A_324 = tpu.memref_slice %arg4[%min3A_315] : memref<640000xi32, #tpu.memory_space<hbm>> -> memref<80xi32, #tpu.memory_space<hbm>>
    tpu.enqueue_dma source(%dma_start3A_324 : memref<80xi32, #tpu.memory_space<hbm>>) target(%dma_start3A_323 : memref<80xi32, #tpu.memory_space<vmem>>) target_semaphore(%arg22 : memref<!tpu.dma_semaphore, #tpu.memory_space<semaphore_mem>>)
    %dma_wait3A_325 = arith.constant 0 : i32
    %dma_wait3A_326 = arith.constant 0 : i32
    %dma_wait3A_327 = tpu.memref_slice %arg9[%dma_wait3A_325, %dma_wait3A_326] : memref<4x80xi32, #tpu.memory_space<vmem>> -> memref<1x80xi32, #tpu.memory_space<vmem>>
    %dma_wait3A_328 = tpu.memref_squeeze %dma_wait3A_327 : memref<1x80xi32, #tpu.memory_space<vmem>> -> memref<80xi32, #tpu.memory_space<vmem>>
    %dma_wait3A_329 = tpu.memref_slice %arg4[%min3A_315] : memref<640000xi32, #tpu.memory_space<hbm>> -> memref<80xi32, #tpu.memory_space<hbm>>
    %dma_wait3A_330 = arith.constant 0 : i32
    %dma_wait3A_331 = tpu.memref_slice %arg9[%dma_wait3A_325, %dma_wait3A_330] : memref<4x80xi32, #tpu.memory_space<vmem>> -> memref<1x80xi32, #tpu.memory_space<vmem>>
    %dma_wait3A_332 = tpu.memref_squeeze %dma_wait3A_331 : memref<1x80xi32, #tpu.memory_space<vmem>> -> memref<80xi32, #tpu.memory_space<vmem>>
    %dma_wait3A_333 = tpu.memref_slice %arg4[%min3A_315] : memref<640000xi32, #tpu.memory_space<hbm>> -> memref<80xi32, #tpu.memory_space<hbm>>
    tpu.wait_dma2 semaphore(%arg22 : memref<!tpu.dma_semaphore, #tpu.memory_space<semaphore_mem>>) src(%dma_wait3A_333 : memref<80xi32, #tpu.memory_space<hbm>>) dst(%dma_wait3A_332 : memref<80xi32, #tpu.memory_space<vmem>>)
    %dma_start3A_334 = arith.constant 0 : i32
    %dma_start3A_335 = arith.constant 0 : i32
    %dma_start3A_336 = tpu.memref_slice %arg10[%dma_start3A_334, %dma_start3A_335] : memref<4x80xi32, #tpu.memory_space<vmem>> -> memref<1x80xi32, #tpu.memory_space<vmem>>
    %dma_start3A_337 = tpu.memref_squeeze %dma_start3A_336 : memref<1x80xi32, #tpu.memory_space<vmem>> -> memref<80xi32, #tpu.memory_space<vmem>>
    %dma_start3A_338 = tpu.memref_slice %arg3[%min3A_315] : memref<640000xi32, #tpu.memory_space<hbm>> -> memref<80xi32, #tpu.memory_space<hbm>>
    %dma_start3A_339 = arith.constant 0 : i32
    %dma_start3A_340 = tpu.memref_slice %arg10[%dma_start3A_334, %dma_start3A_339] : memref<4x80xi32, #tpu.memory_space<vmem>> -> memref<1x80xi32, #tpu.memory_space<vmem>>
    %dma_start3A_341 = tpu.memref_squeeze %dma_start3A_340 : memref<1x80xi32, #tpu.memory_space<vmem>> -> memref<80xi32, #tpu.memory_space<vmem>>
    %dma_start3A_342 = tpu.memref_slice %arg3[%min3A_315] : memref<640000xi32, #tpu.memory_space<hbm>> -> memref<80xi32, #tpu.memory_space<hbm>>
    tpu.enqueue_dma source(%dma_start3A_342 : memref<80xi32, #tpu.memory_space<hbm>>) target(%dma_start3A_341 : memref<80xi32, #tpu.memory_space<vmem>>) target_semaphore(%arg22 : memref<!tpu.dma_semaphore, #tpu.memory_space<semaphore_mem>>)
    %dma_wait3A_343 = arith.constant 0 : i32
    %dma_wait3A_344 = arith.constant 0 : i32
    %dma_wait3A_345 = tpu.memref_slice %arg10[%dma_wait3A_343, %dma_wait3A_344] : memref<4x80xi32, #tpu.memory_space<vmem>> -> memref<1x80xi32, #tpu.memory_space<vmem>>
    %dma_wait3A_346 = tpu.memref_squeeze %dma_wait3A_345 : memref<1x80xi32, #tpu.memory_space<vmem>> -> memref<80xi32, #tpu.memory_space<vmem>>
    %dma_wait3A_347 = tpu.memref_slice %arg3[%min3A_315] : memref<640000xi32, #tpu.memory_space<hbm>> -> memref<80xi32, #tpu.memory_space<hbm>>
    %dma_wait3A_348 = arith.constant 0 : i32
    %dma_wait3A_349 = tpu.memref_slice %arg10[%dma_wait3A_343, %dma_wait3A_348] : memref<4x80xi32, #tpu.memory_space<vmem>> -> memref<1x80xi32, #tpu.memory_space<vmem>>
    %dma_wait3A_350 = tpu.memref_squeeze %dma_wait3A_349 : memref<1x80xi32, #tpu.memory_space<vmem>> -> memref<80xi32, #tpu.memory_space<vmem>>
    %dma_wait3A_351 = tpu.memref_slice %arg3[%min3A_315] : memref<640000xi32, #tpu.memory_space<hbm>> -> memref<80xi32, #tpu.memory_space<hbm>>
    tpu.wait_dma2 semaphore(%arg22 : memref<!tpu.dma_semaphore, #tpu.memory_space<semaphore_mem>>) src(%dma_wait3A_351 : memref<80xi32, #tpu.memory_space<hbm>>) dst(%dma_wait3A_350 : memref<80xi32, #tpu.memory_space<vmem>>)
    %scan3A_352 = arith.constant 0 : i32
    %scan3A_353 = arith.constant 0 : i32
    %scan3A_354 = arith.constant 5 : i32
    %scan3A_355 = arith.addi %scan3A_353, %scan3A_354 : i32
    %scan3A_356 = arith.constant 1 : i32
    %scan3A_357 = scf.for %scan3A_477 = %scan3A_353 to %scan3A_355 step %scan3A_356 iter_args(%scan3A_478 = %scan3A_352) -> (i32)  : i32 {
      %mul3A_479 = arith.constant 16 : i32
      %mul3A_480 = arith.muli %scan3A_477, %mul3A_479 : i32
      %get3A = arith.constant 0 : i32
      %get3A_481 = arith.index_cast %get3A : i32 to index
      %get3A_482 = arith.index_cast %mul3A_480 : i32 to index
      %get3A_483 = tpu.vector_load %arg9[%get3A_481, %get3A_482] {strides = array<i32>} : memref<4x80xi32, #tpu.memory_space<vmem>>, vector<16xi32>,
      %add3A_484 = vector.broadcast %mul3A_2 : i32 to vector<16xi32>
      %add3A_485 = arith.addi %get3A_483, %add3A_484 : vector<16xi32>
      %swap3A = arith.constant 0 : i32
      %swap3A_486 = arith.index_cast %swap3A : i32 to index
      %swap3A_487 = arith.index_cast %mul3A_480 : i32 to index
      %swap3A_488 = tpu.vector_load %arg9[%swap3A_486, %swap3A_487] {strides = array<i32>} : memref<4x80xi32, #tpu.memory_space<vmem>>, vector<16xi32>,
      tpu.vector_store %arg9[%swap3A_486, %swap3A_487], %add3A_485 {strides = array<i32>} : memref<4x80xi32, #tpu.memory_space<vmem>>, vector<16xi32>,
      %scan3A_489 = arith.constant 0 : i32
      scf.yield %scan3A_489 : i32
    }
    %scan3A_358 = arith.constant 5 : i32
    %add3A_359 = arith.constant 80 : i32
    %add3A_360 = arith.addi %add3A_311, %add3A_359 : i32
    %min3A_361 = arith.constant 639920 : i32
    %min3A_362 = arith.minsi %add3A_360, %min3A_361 : i32
    %dma_start3A_363 = arith.constant 1 : i32
    %dma_start3A_364 = arith.constant 0 : i32
    %dma_start3A_365 = tpu.memref_slice %arg9[%dma_start3A_363, %dma_start3A_364] : memref<4x80xi32, #tpu.memory_space<vmem>> -> memref<1x80xi32, #tpu.memory_space<vmem>>
    %dma_start3A_366 = tpu.memref_squeeze %dma_start3A_365 : memref<1x80xi32, #tpu.memory_space<vmem>> -> memref<80xi32, #tpu.memory_space<vmem>>
    %dma_start3A_367 = tpu.memref_slice %arg4[%min3A_362] : memref<640000xi32, #tpu.memory_space<hbm>> -> memref<80xi32, #tpu.memory_space<hbm>>
    %dma_start3A_368 = arith.constant 0 : i32
    %dma_start3A_369 = tpu.memref_slice %arg9[%dma_start3A_363, %dma_start3A_368] : memref<4x80xi32, #tpu.memory_space<vmem>> -> memref<1x80xi32, #tpu.memory_space<vmem>>
    %dma_start3A_370 = tpu.memref_squeeze %dma_start3A_369 : memref<1x80xi32, #tpu.memory_space<vmem>> -> memref<80xi32, #tpu.memory_space<vmem>>
    %dma_start3A_371 = tpu.memref_slice %arg4[%min3A_362] : memref<640000xi32, #tpu.memory_space<hbm>> -> memref<80xi32, #tpu.memory_space<hbm>>
    tpu.enqueue_dma source(%dma_start3A_371 : memref<80xi32, #tpu.memory_space<hbm>>) target(%dma_start3A_370 : memref<80xi32, #tpu.memory_space<vmem>>) target_semaphore(%arg22 : memref<!tpu.dma_semaphore, #tpu.memory_space<semaphore_mem>>)
    %dma_wait3A_372 = arith.constant 1 : i32
    %dma_wait3A_373 = arith.constant 0 : i32
    %dma_wait3A_374 = tpu.memref_slice %arg9[%dma_wait3A_372, %dma_wait3A_373] : memref<4x80xi32, #tpu.memory_space<vmem>> -> memref<1x80xi32, #tpu.memory_space<vmem>>
    %dma_wait3A_375 = tpu.memref_squeeze %dma_wait3A_374 : memref<1x80xi32, #tpu.memory_space<vmem>> -> memref<80xi32, #tpu.memory_space<vmem>>
    %dma_wait3A_376 = tpu.memref_slice %arg4[%min3A_362] : memref<640000xi32, #tpu.memory_space<hbm>> -> memref<80xi32, #tpu.memory_space<hbm>>
    %dma_wait3A_377 = arith.constant 0 : i32
    %dma_wait3A_378 = tpu.memref_slice %arg9[%dma_wait3A_372, %dma_wait3A_377] : memref<4x80xi32, #tpu.memory_space<vmem>> -> memref<1x80xi32, #tpu.memory_space<vmem>>
    %dma_wait3A_379 = tpu.memref_squeeze %dma_wait3A_378 : memref<1x80xi32, #tpu.memory_space<vmem>> -> memref<80xi32, #tpu.memory_space<vmem>>
    %dma_wait3A_380 = tpu.memref_slice %arg4[%min3A_362] : memref<640000xi32, #tpu.memory_space<hbm>> -> memref<80xi32, #tpu.memory_space<hbm>>
    tpu.wait_dma2 semaphore(%arg22 : memref<!tpu.dma_semaphore, #tpu.memory_space<semaphore_mem>>) src(%dma_wait3A_380 : memref<80xi32, #tpu.memory_space<hbm>>) dst(%dma_wait3A_379 : memref<80xi32, #tpu.memory_space<vmem>>)
    %dma_start3A_381 = arith.constant 1 : i32
    %dma_start3A_382 = arith.constant 0 : i32
    %dma_start3A_383 = tpu.memref_slice %arg10[%dma_start3A_381, %dma_start3A_382] : memref<4x80xi32, #tpu.memory_space<vmem>> -> memref<1x80xi32, #tpu.memory_space<vmem>>
    %dma_start3A_384 = tpu.memref_squeeze %dma_start3A_383 : memref<1x80xi32, #tpu.memory_space<vmem>> -> memref<80xi32, #tpu.memory_space<vmem>>
    %dma_start3A_385 = tpu.memref_slice %arg3[%min3A_362] : memref<640000xi32, #tpu.memory_space<hbm>> -> memref<80xi32, #tpu.memory_space<hbm>>
    %dma_start3A_386 = arith.constant 0 : i32
    %dma_start3A_387 = tpu.memref_slice %arg10[%dma_start3A_381, %dma_start3A_386] : memref<4x80xi32, #tpu.memory_space<vmem>> -> memref<1x80xi32, #tpu.memory_space<vmem>>
    %dma_start3A_388 = tpu.memref_squeeze %dma_start3A_387 : memref<1x80xi32, #tpu.memory_space<vmem>> -> memref<80xi32, #tpu.memory_space<vmem>>
    %dma_start3A_389 = tpu.memref_slice %arg3[%min3A_362] : memref<640000xi32, #tpu.memory_space<hbm>> -> memref<80xi32, #tpu.memory_space<hbm>>
    tpu.enqueue_dma source(%dma_start3A_389 : memref<80xi32, #tpu.memory_space<hbm>>) target(%dma_start3A_388 : memref<80xi32, #tpu.memory_space<vmem>>) target_semaphore(%arg22 : memref<!tpu.dma_semaphore, #tpu.memory_space<semaphore_mem>>)
    %dma_wait3A_390 = arith.constant 1 : i32
    %dma_wait3A_391 = arith.constant 0 : i32
    %dma_wait3A_392 = tpu.memref_slice %arg10[%dma_wait3A_390, %dma_wait3A_391] : memref<4x80xi32, #tpu.memory_space<vmem>> -> memref<1x80xi32, #tpu.memory_space<vmem>>
    %dma_wait3A_393 = tpu.memref_squeeze %dma_wait3A_392 : memref<1x80xi32, #tpu.memory_space<vmem>> -> memref<80xi32, #tpu.memory_space<vmem>>
    %dma_wait3A_394 = tpu.memref_slice %arg3[%min3A_362] : memref<640000xi32, #tpu.memory_space<hbm>> -> memref<80xi32, #tpu.memory_space<hbm>>
    %dma_wait3A_395 = arith.constant 0 : i32
    %dma_wait3A_396 = tpu.memref_slice %arg10[%dma_wait3A_390, %dma_wait3A_395] : memref<4x80xi32, #tpu.memory_space<vmem>> -> memref<1x80xi32, #tpu.memory_space<vmem>>
    %dma_wait3A_397 = tpu.memref_squeeze %dma_wait3A_396 : memref<1x80xi32, #tpu.memory_space<vmem>> -> memref<80xi32, #tpu.memory_space<vmem>>
    %dma_wait3A_398 = tpu.memref_slice %arg3[%min3A_362] : memref<640000xi32, #tpu.memory_space<hbm>> -> memref<80xi32, #tpu.memory_space<hbm>>
    tpu.wait_dma2 semaphore(%arg22 : memref<!tpu.dma_semaphore, #tpu.memory_space<semaphore_mem>>) src(%dma_wait3A_398 : memref<80xi32, #tpu.memory_space<hbm>>) dst(%dma_wait3A_397 : memref<80xi32, #tpu.memory_space<vmem>>)
    %scan3A_399 = arith.constant 0 : i32
    %scan3A_400 = arith.constant 0 : i32
    %scan3A_401 = arith.constant 5 : i32
    %scan3A_402 = arith.addi %scan3A_400, %scan3A_401 : i32
    %scan3A_403 = arith.constant 1 : i32
    %scan3A_404 = scf.for %scan3A_477 = %scan3A_400 to %scan3A_402 step %scan3A_403 iter_args(%scan3A_478 = %scan3A_399) -> (i32)  : i32 {
      %mul3A_479 = arith.constant 16 : i32
      %mul3A_480 = arith.muli %scan3A_477, %mul3A_479 : i32
      %get3A = arith.constant 1 : i32
      %get3A_481 = arith.index_cast %get3A : i32 to index
      %get3A_482 = arith.index_cast %mul3A_480 : i32 to index
      %get3A_483 = tpu.vector_load %arg9[%get3A_481, %get3A_482] {strides = array<i32>} : memref<4x80xi32, #tpu.memory_space<vmem>>, vector<16xi32>,
      %add3A_484 = vector.broadcast %mul3A_2 : i32 to vector<16xi32>
      %add3A_485 = arith.addi %get3A_483, %add3A_484 : vector<16xi32>
      %swap3A = arith.constant 1 : i32
      %swap3A_486 = arith.index_cast %swap3A : i32 to index
      %swap3A_487 = arith.index_cast %mul3A_480 : i32 to index
      %swap3A_488 = tpu.vector_load %arg9[%swap3A_486, %swap3A_487] {strides = array<i32>} : memref<4x80xi32, #tpu.memory_space<vmem>>, vector<16xi32>,
      tpu.vector_store %arg9[%swap3A_486, %swap3A_487], %add3A_485 {strides = array<i32>} : memref<4x80xi32, #tpu.memory_space<vmem>>, vector<16xi32>,
      %scan3A_489 = arith.constant 0 : i32
      scf.yield %scan3A_489 : i32
    }
    %scan3A_405 = arith.constant 5 : i32
    %dma_start3A_406 = arith.constant 0 : i32
    %dma_start3A_407 = arith.constant 0 : i32
    %dma_start3A_408 = tpu.memref_slice %arg9[%dma_start3A_406, %dma_start3A_407] : memref<4x80xi32, #tpu.memory_space<vmem>> -> memref<1x80xi32, #tpu.memory_space<vmem>>
    %dma_start3A_409 = tpu.memref_squeeze %dma_start3A_408 : memref<1x80xi32, #tpu.memory_space<vmem>> -> memref<80xi32, #tpu.memory_space<vmem>>
    %dma_start3A_410 = arith.constant 0 : i32
    %dma_start3A_411 = arith.constant 0 : i32
    %dma_start3A_412 = tpu.memref_slice %arg7[%dma_start3A_410, %dma_start3A_411] : memref<20000x128xf32, #tpu.memory_space<hbm>> -> memref<20000x128xf32, #tpu.memory_space<hbm>>
    tpu.enqueue_indirect_dma source(%dma_start3A_412 : memref<20000x128xf32, #tpu.memory_space<hbm>>) target(%arg11 : memref<80x128xf32, #tpu.memory_space<vmem>>) offsets(%dma_start3A_409 : memref<80xi32, #tpu.memory_space<vmem>>) semaphore(%arg17 : memref<!tpu.dma_semaphore, #tpu.memory_space<semaphore_mem>>)
    %dma_start3A_413 = arith.constant 1 : i32
    %dma_start3A_414 = arith.constant 0 : i32
    %dma_start3A_415 = tpu.memref_slice %arg9[%dma_start3A_413, %dma_start3A_414] : memref<4x80xi32, #tpu.memory_space<vmem>> -> memref<1x80xi32, #tpu.memory_space<vmem>>
    %dma_start3A_416 = tpu.memref_squeeze %dma_start3A_415 : memref<1x80xi32, #tpu.memory_space<vmem>> -> memref<80xi32, #tpu.memory_space<vmem>>
    %dma_start3A_417 = arith.constant 0 : i32
    %dma_start3A_418 = arith.constant 0 : i32
    %dma_start3A_419 = tpu.memref_slice %arg7[%dma_start3A_417, %dma_start3A_418] : memref<20000x128xf32, #tpu.memory_space<hbm>> -> memref<20000x128xf32, #tpu.memory_space<hbm>>
    tpu.enqueue_indirect_dma source(%dma_start3A_419 : memref<20000x128xf32, #tpu.memory_space<hbm>>) target(%arg12 : memref<80x128xf32, #tpu.memory_space<vmem>>) offsets(%dma_start3A_416 : memref<80xi32, #tpu.memory_space<vmem>>) semaphore(%arg18 : memref<!tpu.dma_semaphore, #tpu.memory_space<semaphore_mem>>)
    %mul3A_420 = arith.constant 320000 : i32
    %mul3A_421 = arith.muli %arg0, %mul3A_420 : i32
    %min3A_422 = arith.constant 0 : i32
    %min3A_423 = arith.constant 79 : i32
    %min3A_424 = arith.minsi %min3A_422, %min3A_423 : i32
    %mul3A_425 = arith.constant 4000 : i32
    %mul3A_426 = arith.muli %min3A_424, %mul3A_425 : i32
    %add3A_427 = arith.addi %mul3A_421, %mul3A_426 : i32
    %dma_start3A_428 = arith.constant 0 : i32
    %dma_start3A_429 = tpu.memref_slice %arg14[%dma_start3A_428] : memref<8000xi32, #tpu.memory_space<vmem>> -> memref<4000xi32, #tpu.memory_space<vmem>>
    %dma_start3A_430 = tpu.memref_slice %arg3[%add3A_427] : memref<640000xi32, #tpu.memory_space<hbm>> -> memref<4000xi32, #tpu.memory_space<hbm>>
    %dma_start3A_431 = arith.constant 0 : i32
    %dma_start3A_432 = tpu.memref_slice %arg14[%dma_start3A_431] : memref<8000xi32, #tpu.memory_space<vmem>> -> memref<4000xi32, #tpu.memory_space<vmem>>
    %dma_start3A_433 = tpu.memref_slice %arg3[%add3A_427] : memref<640000xi32, #tpu.memory_space<hbm>> -> memref<4000xi32, #tpu.memory_space<hbm>>
    tpu.enqueue_dma source(%dma_start3A_433 : memref<4000xi32, #tpu.memory_space<hbm>>) target(%dma_start3A_432 : memref<4000xi32, #tpu.memory_space<vmem>>) target_semaphore(%arg21 : memref<!tpu.dma_semaphore, #tpu.memory_space<semaphore_mem>>)
    %scan3A_434 = arith.constant 0 : i32
    %scan3A_435 = arith.constant 0 : i32
    %scan3A_436 = arith.constant 125 : i32
    %scan3A_437 = arith.addi %scan3A_435, %scan3A_436 : i32
    %scan3A_438 = arith.constant 1 : i32
    %scan3A_439 = scf.for %scan3A_477 = %scan3A_435 to %scan3A_437 step %scan3A_438 iter_args(%scan3A_478 = %scan3A_434) -> (i32)  : i32 {
      %mul3A_479 = arith.constant 2 : i32
      %mul3A_480 = arith.muli %mul3A_479, %scan3A_477 : i32
      %add3A_481 = arith.constant 0 : i32
      %add3A_482 = arith.addi %mul3A_480, %add3A_481 : i32
      %jit3A = arith.constant 4 : i32
      %eq3A = arith.constant 0 : i32
      %eq3A_483 = arith.cmpi eq, %jit3A, %eq3A : i32
      %jit3A_484 = arith.constant 1 : i32
      %select_n3A = arith.select %eq3A_483, %jit3A_484, %jit3A : i32
      %rem3A = arith.remsi %add3A_482, %select_n3A : i32
      %ne3A = arith.constant 0 : i32
      %ne3A_485 = arith.cmpi ne, %rem3A, %ne3A : i32
      %lt3A_486 = arith.constant 0 : i32
      %lt3A_487 = arith.cmpi slt, %rem3A, %lt3A_486 : i32
      %lt3A_488 = arith.constant 0 : i32
      %lt3A_489 = arith.cmpi slt, %select_n3A, %lt3A_488 : i32
      %ne3A_490 = arith.xori %lt3A_487, %lt3A_489 : i1
      %and3A = arith.andi %ne3A_490, %ne3A_485 : i1
      %add3A_491 = arith.addi %rem3A, %select_n3A : i32
      %select_n3A_492 = arith.select %and3A, %add3A_491, %rem3A : i32
      %dma_wait3A_493 = arith.constant 0 : i32
      %dma_wait3A_494 = tpu.memref_slice %arg9[%select_n3A_492, %dma_wait3A_493] : memref<4x80xi32, #tpu.memory_space<vmem>> -> memref<1x80xi32, #tpu.memory_space<vmem>>
      %dma_wait3A_495 = tpu.memref_squeeze %dma_wait3A_494 : memref<1x80xi32, #tpu.memory_space<vmem>> -> memref<80xi32, #tpu.memory_space<vmem>>
      %dma_wait3A_496 = arith.constant 0 : i32
      %dma_wait3A_497 = arith.constant 0 : i32
      %dma_wait3A_498 = tpu.memref_slice %arg7[%dma_wait3A_496, %dma_wait3A_497] : memref<20000x128xf32, #tpu.memory_space<hbm>> -> memref<20000x128xf32, #tpu.memory_space<hbm>>
      tpu.wait_indirect_dma semaphore(%arg17 : memref<!tpu.dma_semaphore, #tpu.memory_space<semaphore_mem>>) src(%dma_wait3A_498 : memref<20000x128xf32, #tpu.memory_space<hbm>>) dst(%arg11 : memref<80x128xf32, #tpu.memory_space<vmem>>)
      %jit3A_499 = arith.constant 4 : i32
      %eq3A_500 = arith.constant 0 : i32
      %eq3A_501 = arith.cmpi eq, %jit3A_499, %eq3A_500 : i32
      %jit3A_502 = arith.constant 1 : i32
      %select_n3A_503 = arith.select %eq3A_501, %jit3A_502, %jit3A_499 : i32
      %rem3A_504 = arith.remsi %add3A_482, %select_n3A_503 : i32
      %ne3A_505 = arith.constant 0 : i32
      %ne3A_506 = arith.cmpi ne, %rem3A_504, %ne3A_505 : i32
      %lt3A_507 = arith.constant 0 : i32
      %lt3A_508 = arith.cmpi slt, %rem3A_504, %lt3A_507 : i32
      %lt3A_509 = arith.constant 0 : i32
      %lt3A_510 = arith.cmpi slt, %select_n3A_503, %lt3A_509 : i32
      %ne3A_511 = arith.xori %lt3A_508, %lt3A_510 : i1
      %and3A_512 = arith.andi %ne3A_511, %ne3A_506 : i1
      %add3A_513 = arith.addi %rem3A_504, %select_n3A_503 : i32
      %select_n3A_514 = arith.select %and3A_512, %add3A_513, %rem3A_504 : i32
      %dma_start3A_515 = arith.constant 0 : i32
      %dma_start3A_516 = tpu.memref_slice %arg10[%select_n3A_514, %dma_start3A_515] : memref<4x80xi32, #tpu.memory_space<vmem>> -> memref<1x80xi32, #tpu.memory_space<vmem>>
      %dma_start3A_517 = tpu.memref_squeeze %dma_start3A_516 : memref<1x80xi32, #tpu.memory_space<vmem>> -> memref<80xi32, #tpu.memory_space<vmem>>
      %dma_start3A_518 = arith.constant 0 : i32
      %dma_start3A_519 = arith.constant 0 : i32
      %dma_start3A_520 = tpu.memref_slice %arg8[%dma_start3A_518, %dma_start3A_519] : memref<10000x128xf32, #tpu.memory_space<vmem_shared>> -> memref<10000x128xf32, #tpu.memory_space<vmem_shared>>
      tpu.enqueue_indirect_dma source(%arg11 : memref<80x128xf32, #tpu.memory_space<vmem>>) target(%dma_start3A_520 : memref<10000x128xf32, #tpu.memory_space<vmem_shared>>) offsets(%dma_start3A_517 : memref<80xi32, #tpu.memory_space<vmem>>) semaphore(%arg19 : memref<!tpu.dma_semaphore, #tpu.memory_space<semaphore_mem>>) {add = true}
      %add3A_521 = arith.constant 2 : i32
      %add3A_522 = arith.addi %add3A_482, %add3A_521 : i32
      %add3A_523 = arith.constant 2 : i32
      %add3A_524 = arith.addi %add3A_482, %add3A_523 : i32
      %jit3A_525 = arith.constant 4 : i32
      %eq3A_526 = arith.constant 0 : i32
      %eq3A_527 = arith.cmpi eq, %jit3A_525, %eq3A_526 : i32
      %jit3A_528 = arith.constant 1 : i32
      %select_n3A_529 = arith.select %eq3A_527, %jit3A_528, %jit3A_525 : i32
      %rem3A_530 = arith.remsi %add3A_524, %select_n3A_529 : i32
      %ne3A_531 = arith.constant 0 : i32
      %ne3A_532 = arith.cmpi ne, %rem3A_530, %ne3A_531 : i32
      %lt3A_533 = arith.constant 0 : i32
      %lt3A_534 = arith.cmpi slt, %rem3A_530, %lt3A_533 : i32
      %lt3A_535 = arith.constant 0 : i32
      %lt3A_536 = arith.cmpi slt, %select_n3A_529, %lt3A_535 : i32
      %ne3A_537 = arith.xori %lt3A_534, %lt3A_536 : i1
      %and3A_538 = arith.andi %ne3A_537, %ne3A_532 : i1
      %add3A_539 = arith.addi %rem3A_530, %select_n3A_529 : i32
      %select_n3A_540 = arith.select %and3A_538, %add3A_539, %rem3A_530 : i32
      %mul3A_541 = arith.constant 80 : i32
      %mul3A_542 = arith.muli %add3A_522, %mul3A_541 : i32
      %add3A_543 = arith.addi %add3A_311, %mul3A_542 : i32
      %min3A_544 = arith.constant 639920 : i32
      %min3A_545 = arith.minsi %add3A_543, %min3A_544 : i32
      %dma_start3A_546 = arith.constant 0 : i32
      %dma_start3A_547 = tpu.memref_slice %arg9[%select_n3A_540, %dma_start3A_546] : memref<4x80xi32, #tpu.memory_space<vmem>> -> memref<1x80xi32, #tpu.memory_space<vmem>>
      %dma_start3A_548 = tpu.memref_squeeze %dma_start3A_547 : memref<1x80xi32, #tpu.memory_space<vmem>> -> memref<80xi32, #tpu.memory_space<vmem>>
      %dma_start3A_549 = tpu.memref_slice %arg4[%min3A_545] : memref<640000xi32, #tpu.memory_space<hbm>> -> memref<80xi32, #tpu.memory_space<hbm>>
      %dma_start3A_550 = arith.constant 0 : i32
      %dma_start3A_551 = tpu.memref_slice %arg9[%select_n3A_540, %dma_start3A_550] : memref<4x80xi32, #tpu.memory_space<vmem>> -> memref<1x80xi32, #tpu.memory_space<vmem>>
      %dma_start3A_552 = tpu.memref_squeeze %dma_start3A_551 : memref<1x80xi32, #tpu.memory_space<vmem>> -> memref<80xi32, #tpu.memory_space<vmem>>
      %dma_start3A_553 = tpu.memref_slice %arg4[%min3A_545] : memref<640000xi32, #tpu.memory_space<hbm>> -> memref<80xi32, #tpu.memory_space<hbm>>
      tpu.enqueue_dma source(%dma_start3A_553 : memref<80xi32, #tpu.memory_space<hbm>>) target(%dma_start3A_552 : memref<80xi32, #tpu.memory_space<vmem>>) target_semaphore(%arg22 : memref<!tpu.dma_semaphore, #tpu.memory_space<semaphore_mem>>)
      %dma_start3A_554 = arith.constant 0 : i32
      %dma_start3A_555 = tpu.memref_slice %arg10[%select_n3A_540, %dma_start3A_554] : memref<4x80xi32, #tpu.memory_space<vmem>> -> memref<1x80xi32, #tpu.memory_space<vmem>>
      %dma_start3A_556 = tpu.memref_squeeze %dma_start3A_555 : memref<1x80xi32, #tpu.memory_space<vmem>> -> memref<80xi32, #tpu.memory_space<vmem>>
      %dma_start3A_557 = tpu.memref_slice %arg3[%min3A_545] : memref<640000xi32, #tpu.memory_space<hbm>> -> memref<80xi32, #tpu.memory_space<hbm>>
      %dma_start3A_558 = arith.constant 0 : i32
      %dma_start3A_559 = tpu.memref_slice %arg10[%select_n3A_540, %dma_start3A_558] : memref<4x80xi32, #tpu.memory_space<vmem>> -> memref<1x80xi32, #tpu.memory_space<vmem>>
      %dma_start3A_560 = tpu.memref_squeeze %dma_start3A_559 : memref<1x80xi32, #tpu.memory_space<vmem>> -> memref<80xi32, #tpu.memory_space<vmem>>
      %dma_start3A_561 = tpu.memref_slice %arg3[%min3A_545] : memref<640000xi32, #tpu.memory_space<hbm>> -> memref<80xi32, #tpu.memory_space<hbm>>
      tpu.enqueue_dma source(%dma_start3A_561 : memref<80xi32, #tpu.memory_space<hbm>>) target(%dma_start3A_560 : memref<80xi32, #tpu.memory_space<vmem>>) target_semaphore(%arg22 : memref<!tpu.dma_semaphore, #tpu.memory_space<semaphore_mem>>)
      %dma_wait3A_562 = arith.constant 0 : i32
      %dma_wait3A_563 = tpu.memref_slice %arg10[%select_n3A_514, %dma_wait3A_562] : memref<4x80xi32, #tpu.memory_space<vmem>> -> memref<1x80xi32, #tpu.memory_space<vmem>>
      %dma_wait3A_564 = tpu.memref_squeeze %dma_wait3A_563 : memref<1x80xi32, #tpu.memory_space<vmem>> -> memref<80xi32, #tpu.memory_space<vmem>>
      %dma_wait3A_565 = arith.constant 0 : i32
      %dma_wait3A_566 = arith.constant 0 : i32
      %dma_wait3A_567 = tpu.memref_slice %arg8[%dma_wait3A_565, %dma_wait3A_566] : memref<10000x128xf32, #tpu.memory_space<vmem_shared>> -> memref<10000x128xf32, #tpu.memory_space<vmem_shared>>
      tpu.wait_indirect_dma semaphore(%arg19 : memref<!tpu.dma_semaphore, #tpu.memory_space<semaphore_mem>>) src(%arg11 : memref<80x128xf32, #tpu.memory_space<vmem>>) dst(%dma_wait3A_567 : memref<10000x128xf32, #tpu.memory_space<vmem_shared>>)
      %dma_wait3A_568 = arith.constant 0 : i32
      %dma_wait3A_569 = tpu.memref_slice %arg9[%select_n3A_540, %dma_wait3A_568] : memref<4x80xi32, #tpu.memory_space<vmem>> -> memref<1x80xi32, #tpu.memory_space<vmem>>
      %dma_wait3A_570 = tpu.memref_squeeze %dma_wait3A_569 : memref<1x80xi32, #tpu.memory_space<vmem>> -> memref<80xi32, #tpu.memory_space<vmem>>
      %dma_wait3A_571 = tpu.memref_slice %arg4[%min3A_545] : memref<640000xi32, #tpu.memory_space<hbm>> -> memref<80xi32, #tpu.memory_space<hbm>>
      %dma_wait3A_572 = arith.constant 0 : i32
      %dma_wait3A_573 = tpu.memref_slice %arg9[%select_n3A_540, %dma_wait3A_572] : memref<4x80xi32, #tpu.memory_space<vmem>> -> memref<1x80xi32, #tpu.memory_space<vmem>>
      %dma_wait3A_574 = tpu.memref_squeeze %dma_wait3A_573 : memref<1x80xi32, #tpu.memory_space<vmem>> -> memref<80xi32, #tpu.memory_space<vmem>>
      %dma_wait3A_575 = tpu.memref_slice %arg4[%min3A_545] : memref<640000xi32, #tpu.memory_space<hbm>> -> memref<80xi32, #tpu.memory_space<hbm>>
      tpu.wait_dma2 semaphore(%arg22 : memref<!tpu.dma_semaphore, #tpu.memory_space<semaphore_mem>>) src(%dma_wait3A_575 : memref<80xi32, #tpu.memory_space<hbm>>) dst(%dma_wait3A_574 : memref<80xi32, #tpu.memory_space<vmem>>)
      %dma_wait3A_576 = arith.constant 0 : i32
      %dma_wait3A_577 = tpu.memref_slice %arg10[%select_n3A_540, %dma_wait3A_576] : memref<4x80xi32, #tpu.memory_space<vmem>> -> memref<1x80xi32, #tpu.memory_space<vmem>>
      %dma_wait3A_578 = tpu.memref_squeeze %dma_wait3A_577 : memref<1x80xi32, #tpu.memory_space<vmem>> -> memref<80xi32, #tpu.memory_space<vmem>>
      %dma_wait3A_579 = tpu.memref_slice %arg3[%min3A_545] : memref<640000xi32, #tpu.memory_space<hbm>> -> memref<80xi32, #tpu.memory_space<hbm>>
      %dma_wait3A_580 = arith.constant 0 : i32
      %dma_wait3A_581 = tpu.memref_slice %arg10[%select_n3A_540, %dma_wait3A_580] : memref<4x80xi32, #tpu.memory_space<vmem>> -> memref<1x80xi32, #tpu.memory_space<vmem>>
      %dma_wait3A_582 = tpu.memref_squeeze %dma_wait3A_581 : memref<1x80xi32, #tpu.memory_space<vmem>> -> memref<80xi32, #tpu.memory_space<vmem>>
      %dma_wait3A_583 = tpu.memref_slice %arg3[%min3A_545] : memref<640000xi32, #tpu.memory_space<hbm>> -> memref<80xi32, #tpu.memory_space<hbm>>
      tpu.wait_dma2 semaphore(%arg22 : memref<!tpu.dma_semaphore, #tpu.memory_space<semaphore_mem>>) src(%dma_wait3A_583 : memref<80xi32, #tpu.memory_space<hbm>>) dst(%dma_wait3A_582 : memref<80xi32, #tpu.memory_space<vmem>>)
      %add3A_584 = arith.constant 2 : i32
      %add3A_585 = arith.addi %add3A_482, %add3A_584 : i32
      %jit3A_586 = arith.constant 4 : i32
      %eq3A_587 = arith.constant 0 : i32
      %eq3A_588 = arith.cmpi eq, %jit3A_586, %eq3A_587 : i32
      %jit3A_589 = arith.constant 1 : i32
      %select_n3A_590 = arith.select %eq3A_588, %jit3A_589, %jit3A_586 : i32
      %rem3A_591 = arith.remsi %add3A_585, %select_n3A_590 : i32
      %ne3A_592 = arith.constant 0 : i32
      %ne3A_593 = arith.cmpi ne, %rem3A_591, %ne3A_592 : i32
      %lt3A_594 = arith.constant 0 : i32
      %lt3A_595 = arith.cmpi slt, %rem3A_591, %lt3A_594 : i32
      %lt3A_596 = arith.constant 0 : i32
      %lt3A_597 = arith.cmpi slt, %select_n3A_590, %lt3A_596 : i32
      %ne3A_598 = arith.xori %lt3A_595, %lt3A_597 : i1
      %and3A_599 = arith.andi %ne3A_598, %ne3A_593 : i1
      %add3A_600 = arith.addi %rem3A_591, %select_n3A_590 : i32
      %select_n3A_601 = arith.select %and3A_599, %add3A_600, %rem3A_591 : i32
      %scan3A_602 = arith.constant 0 : i32
      %scan3A_603 = arith.constant 0 : i32
      %scan3A_604 = arith.constant 5 : i32
      %scan3A_605 = arith.addi %scan3A_603, %scan3A_604 : i32
      %scan3A_606 = arith.constant 1 : i32
      %scan3A_607 = scf.for %scan3A_799 = %scan3A_603 to %scan3A_605 step %scan3A_606 iter_args(%scan3A_800 = %scan3A_602) -> (i32)  : i32 {
        %mul3A_801 = arith.constant 16 : i32
        %mul3A_802 = arith.muli %scan3A_799, %mul3A_801 : i32
        %get3A = arith.index_cast %select_n3A_601 : i32 to index
        %get3A_803 = arith.index_cast %mul3A_802 : i32 to index
        %get3A_804 = tpu.vector_load %arg9[%get3A, %get3A_803] {strides = array<i32>} : memref<4x80xi32, #tpu.memory_space<vmem>>, vector<16xi32>,
        %add3A_805 = vector.broadcast %mul3A_2 : i32 to vector<16xi32>
        %add3A_806 = arith.addi %get3A_804, %add3A_805 : vector<16xi32>
        %swap3A = arith.index_cast %select_n3A_601 : i32 to index
        %swap3A_807 = arith.index_cast %mul3A_802 : i32 to index
        %swap3A_808 = tpu.vector_load %arg9[%swap3A, %swap3A_807] {strides = array<i32>} : memref<4x80xi32, #tpu.memory_space<vmem>>, vector<16xi32>,
        tpu.vector_store %arg9[%swap3A, %swap3A_807], %add3A_806 {strides = array<i32>} : memref<4x80xi32, #tpu.memory_space<vmem>>, vector<16xi32>,
        %scan3A_809 = arith.constant 0 : i32
        scf.yield %scan3A_809 : i32
      }
      %scan3A_608 = arith.constant 5 : i32
      %add3A_609 = arith.constant 2 : i32
      %add3A_610 = arith.addi %add3A_482, %add3A_609 : i32
      %jit3A_611 = arith.constant 4 : i32
      %eq3A_612 = arith.constant 0 : i32
      %eq3A_613 = arith.cmpi eq, %jit3A_611, %eq3A_612 : i32
      %jit3A_614 = arith.constant 1 : i32
      %select_n3A_615 = arith.select %eq3A_613, %jit3A_614, %jit3A_611 : i32
      %rem3A_616 = arith.remsi %add3A_610, %select_n3A_615 : i32
      %ne3A_617 = arith.constant 0 : i32
      %ne3A_618 = arith.cmpi ne, %rem3A_616, %ne3A_617 : i32
      %lt3A_619 = arith.constant 0 : i32
      %lt3A_620 = arith.cmpi slt, %rem3A_616, %lt3A_619 : i32
      %lt3A_621 = arith.constant 0 : i32
      %lt3A_622 = arith.cmpi slt, %select_n3A_615, %lt3A_621 : i32
      %ne3A_623 = arith.xori %lt3A_620, %lt3A_622 : i1
      %and3A_624 = arith.andi %ne3A_623, %ne3A_618 : i1
      %add3A_625 = arith.addi %rem3A_616, %select_n3A_615 : i32
      %select_n3A_626 = arith.select %and3A_624, %add3A_625, %rem3A_616 : i32
      %dma_start3A_627 = arith.constant 0 : i32
      %dma_start3A_628 = tpu.memref_slice %arg9[%select_n3A_626, %dma_start3A_627] : memref<4x80xi32, #tpu.memory_space<vmem>> -> memref<1x80xi32, #tpu.memory_space<vmem>>
      %dma_start3A_629 = tpu.memref_squeeze %dma_start3A_628 : memref<1x80xi32, #tpu.memory_space<vmem>> -> memref<80xi32, #tpu.memory_space<vmem>>
      %dma_start3A_630 = arith.constant 0 : i32
      %dma_start3A_631 = arith.constant 0 : i32
      %dma_start3A_632 = tpu.memref_slice %arg7[%dma_start3A_630, %dma_start3A_631] : memref<20000x128xf32, #tpu.memory_space<hbm>> -> memref<20000x128xf32, #tpu.memory_space<hbm>>
      tpu.enqueue_indirect_dma source(%dma_start3A_632 : memref<20000x128xf32, #tpu.memory_space<hbm>>) target(%arg11 : memref<80x128xf32, #tpu.memory_space<vmem>>) offsets(%dma_start3A_629 : memref<80xi32, #tpu.memory_space<vmem>>) semaphore(%arg17 : memref<!tpu.dma_semaphore, #tpu.memory_space<semaphore_mem>>)
      %mul3A_633 = arith.constant 2 : i32
      %mul3A_634 = arith.muli %mul3A_633, %scan3A_477 : i32
      %add3A_635 = arith.constant 1 : i32
      %add3A_636 = arith.addi %mul3A_634, %add3A_635 : i32
      %jit3A_637 = arith.constant 4 : i32
      %eq3A_638 = arith.constant 0 : i32
      %eq3A_639 = arith.cmpi eq, %jit3A_637, %eq3A_638 : i32
      %jit3A_640 = arith.constant 1 : i32
      %select_n3A_641 = arith.select %eq3A_639, %jit3A_640, %jit3A_637 : i32
      %rem3A_642 = arith.remsi %add3A_636, %select_n3A_641 : i32
      %ne3A_643 = arith.constant 0 : i32
      %ne3A_644 = arith.cmpi ne, %rem3A_642, %ne3A_643 : i32
      %lt3A_645 = arith.constant 0 : i32
      %lt3A_646 = arith.cmpi slt, %rem3A_642, %lt3A_645 : i32
      %lt3A_647 = arith.constant 0 : i32
      %lt3A_648 = arith.cmpi slt, %select_n3A_641, %lt3A_647 : i32
      %ne3A_649 = arith.xori %lt3A_646, %lt3A_648 : i1
      %and3A_650 = arith.andi %ne3A_649, %ne3A_644 : i1
      %add3A_651 = arith.addi %rem3A_642, %select_n3A_641 : i32
      %select_n3A_652 = arith.select %and3A_650, %add3A_651, %rem3A_642 : i32
      %dma_wait3A_653 = arith.constant 0 : i32
      %dma_wait3A_654 = tpu.memref_slice %arg9[%select_n3A_652, %dma_wait3A_653] : memref<4x80xi32, #tpu.memory_space<vmem>> -> memref<1x80xi32, #tpu.memory_space<vmem>>
      %dma_wait3A_655 = tpu.memref_squeeze %dma_wait3A_654 : memref<1x80xi32, #tpu.memory_space<vmem>> -> memref<80xi32, #tpu.memory_space<vmem>>
      %dma_wait3A_656 = arith.constant 0 : i32
      %dma_wait3A_657 = arith.constant 0 : i32
      %dma_wait3A_658 = tpu.memref_slice %arg7[%dma_wait3A_656, %dma_wait3A_657] : memref<20000x128xf32, #tpu.memory_space<hbm>> -> memref<20000x128xf32, #tpu.memory_space<hbm>>
      tpu.wait_indirect_dma semaphore(%arg18 : memref<!tpu.dma_semaphore, #tpu.memory_space<semaphore_mem>>) src(%dma_wait3A_658 : memref<20000x128xf32, #tpu.memory_space<hbm>>) dst(%arg12 : memref<80x128xf32, #tpu.memory_space<vmem>>)
      %jit3A_659 = arith.constant 4 : i32
      %eq3A_660 = arith.constant 0 : i32
      %eq3A_661 = arith.cmpi eq, %jit3A_659, %eq3A_660 : i32
      %jit3A_662 = arith.constant 1 : i32
      %select_n3A_663 = arith.select %eq3A_661, %jit3A_662, %jit3A_659 : i32
      %rem3A_664 = arith.remsi %add3A_636, %select_n3A_663 : i32
      %ne3A_665 = arith.constant 0 : i32
      %ne3A_666 = arith.cmpi ne, %rem3A_664, %ne3A_665 : i32
      %lt3A_667 = arith.constant 0 : i32
      %lt3A_668 = arith.cmpi slt, %rem3A_664, %lt3A_667 : i32
      %lt3A_669 = arith.constant 0 : i32
      %lt3A_670 = arith.cmpi slt, %select_n3A_663, %lt3A_669 : i32
      %ne3A_671 = arith.xori %lt3A_668, %lt3A_670 : i1
      %and3A_672 = arith.andi %ne3A_671, %ne3A_666 : i1
      %add3A_673 = arith.addi %rem3A_664, %select_n3A_663 : i32
      %select_n3A_674 = arith.select %and3A_672, %add3A_673, %rem3A_664 : i32
      %dma_start3A_675 = arith.constant 0 : i32
      %dma_start3A_676 = tpu.memref_slice %arg10[%select_n3A_674, %dma_start3A_675] : memref<4x80xi32, #tpu.memory_space<vmem>> -> memref<1x80xi32, #tpu.memory_space<vmem>>
      %dma_start3A_677 = tpu.memref_squeeze %dma_start3A_676 : memref<1x80xi32, #tpu.memory_space<vmem>> -> memref<80xi32, #tpu.memory_space<vmem>>
      %dma_start3A_678 = arith.constant 0 : i32
      %dma_start3A_679 = arith.constant 0 : i32
      %dma_start3A_680 = tpu.memref_slice %arg8[%dma_start3A_678, %dma_start3A_679] : memref<10000x128xf32, #tpu.memory_space<vmem_shared>> -> memref<10000x128xf32, #tpu.memory_space<vmem_shared>>
      tpu.enqueue_indirect_dma source(%arg12 : memref<80x128xf32, #tpu.memory_space<vmem>>) target(%dma_start3A_680 : memref<10000x128xf32, #tpu.memory_space<vmem_shared>>) offsets(%dma_start3A_677 : memref<80xi32, #tpu.memory_space<vmem>>) semaphore(%arg20 : memref<!tpu.dma_semaphore, #tpu.memory_space<semaphore_mem>>) {add = true}
      %add3A_681 = arith.constant 2 : i32
      %add3A_682 = arith.addi %add3A_636, %add3A_681 : i32
      %add3A_683 = arith.constant 2 : i32
      %add3A_684 = arith.addi %add3A_636, %add3A_683 : i32
      %jit3A_685 = arith.constant 4 : i32
      %eq3A_686 = arith.constant 0 : i32
      %eq3A_687 = arith.cmpi eq, %jit3A_685, %eq3A_686 : i32
      %jit3A_688 = arith.constant 1 : i32
      %select_n3A_689 = arith.select %eq3A_687, %jit3A_688, %jit3A_685 : i32
      %rem3A_690 = arith.remsi %add3A_684, %select_n3A_689 : i32
      %ne3A_691 = arith.constant 0 : i32
      %ne3A_692 = arith.cmpi ne, %rem3A_690, %ne3A_691 : i32
      %lt3A_693 = arith.constant 0 : i32
      %lt3A_694 = arith.cmpi slt, %rem3A_690, %lt3A_693 : i32
      %lt3A_695 = arith.constant 0 : i32
      %lt3A_696 = arith.cmpi slt, %select_n3A_689, %lt3A_695 : i32
      %ne3A_697 = arith.xori %lt3A_694, %lt3A_696 : i1
      %and3A_698 = arith.andi %ne3A_697, %ne3A_692 : i1
      %add3A_699 = arith.addi %rem3A_690, %select_n3A_689 : i32
      %select_n3A_700 = arith.select %and3A_698, %add3A_699, %rem3A_690 : i32
      %mul3A_701 = arith.constant 80 : i32
      %mul3A_702 = arith.muli %add3A_682, %mul3A_701 : i32
      %add3A_703 = arith.addi %add3A_311, %mul3A_702 : i32
      %min3A_704 = arith.constant 639920 : i32
      %min3A_705 = arith.minsi %add3A_703, %min3A_704 : i32
      %dma_start3A_706 = arith.constant 0 : i32
      %dma_start3A_707 = tpu.memref_slice %arg9[%select_n3A_700, %dma_start3A_706] : memref<4x80xi32, #tpu.memory_space<vmem>> -> memref<1x80xi32, #tpu.memory_space<vmem>>
      %dma_start3A_708 = tpu.memref_squeeze %dma_start3A_707 : memref<1x80xi32, #tpu.memory_space<vmem>> -> memref<80xi32, #tpu.memory_space<vmem>>
      %dma_start3A_709 = tpu.memref_slice %arg4[%min3A_705] : memref<640000xi32, #tpu.memory_space<hbm>> -> memref<80xi32, #tpu.memory_space<hbm>>
      %dma_start3A_710 = arith.constant 0 : i32
      %dma_start3A_711 = tpu.memref_slice %arg9[%select_n3A_700, %dma_start3A_710] : memref<4x80xi32, #tpu.memory_space<vmem>> -> memref<1x80xi32, #tpu.memory_space<vmem>>
      %dma_start3A_712 = tpu.memref_squeeze %dma_start3A_711 : memref<1x80xi32, #tpu.memory_space<vmem>> -> memref<80xi32, #tpu.memory_space<vmem>>
      %dma_start3A_713 = tpu.memref_slice %arg4[%min3A_705] : memref<640000xi32, #tpu.memory_space<hbm>> -> memref<80xi32, #tpu.memory_space<hbm>>
      tpu.enqueue_dma source(%dma_start3A_713 : memref<80xi32, #tpu.memory_space<hbm>>) target(%dma_start3A_712 : memref<80xi32, #tpu.memory_space<vmem>>) target_semaphore(%arg22 : memref<!tpu.dma_semaphore, #tpu.memory_space<semaphore_mem>>)
      %dma_start3A_714 = arith.constant 0 : i32
      %dma_start3A_715 = tpu.memref_slice %arg10[%select_n3A_700, %dma_start3A_714] : memref<4x80xi32, #tpu.memory_space<vmem>> -> memref<1x80xi32, #tpu.memory_space<vmem>>
      %dma_start3A_716 = tpu.memref_squeeze %dma_start3A_715 : memref<1x80xi32, #tpu.memory_space<vmem>> -> memref<80xi32, #tpu.memory_space<vmem>>
      %dma_start3A_717 = tpu.memref_slice %arg3[%min3A_705] : memref<640000xi32, #tpu.memory_space<hbm>> -> memref<80xi32, #tpu.memory_space<hbm>>
      %dma_start3A_718 = arith.constant 0 : i32
      %dma_start3A_719 = tpu.memref_slice %arg10[%select_n3A_700, %dma_start3A_718] : memref<4x80xi32, #tpu.memory_space<vmem>> -> memref<1x80xi32, #tpu.memory_space<vmem>>
      %dma_start3A_720 = tpu.memref_squeeze %dma_start3A_719 : memref<1x80xi32, #tpu.memory_space<vmem>> -> memref<80xi32, #tpu.memory_space<vmem>>
      %dma_start3A_721 = tpu.memref_slice %arg3[%min3A_705] : memref<640000xi32, #tpu.memory_space<hbm>> -> memref<80xi32, #tpu.memory_space<hbm>>
      tpu.enqueue_dma source(%dma_start3A_721 : memref<80xi32, #tpu.memory_space<hbm>>) target(%dma_start3A_720 : memref<80xi32, #tpu.memory_space<vmem>>) target_semaphore(%arg22 : memref<!tpu.dma_semaphore, #tpu.memory_space<semaphore_mem>>)
      %lt3A_722 = arith.constant 80 : i32
      %lt3A_723 = arith.cmpi slt, %scan3A_477, %lt3A_722 : i32
      %convert_element_type3A_724 = arith.extui %lt3A_723 : i1 to i32
      %cond3A_725 = arith.constant 0 : i32
      %cond3A_726 = arith.cmpi ne, %convert_element_type3A_724, %cond3A_725 : i32
      scf.if %cond3A_726 {
        %mul3A_799 = arith.constant 320000 : i32
        %mul3A_800 = arith.muli %arg0, %mul3A_799 : i32
        %min3A_801 = arith.constant 79 : i32
        %min3A_802 = arith.minsi %scan3A_477, %min3A_801 : i32
        %mul3A_803 = arith.constant 4000 : i32
        %mul3A_804 = arith.muli %min3A_802, %mul3A_803 : i32
        %add3A_805 = arith.addi %mul3A_800, %mul3A_804 : i32
        %jit3A_806 = arith.constant 2 : i32
        %eq3A_807 = arith.constant 0 : i32
        %eq3A_808 = arith.cmpi eq, %jit3A_806, %eq3A_807 : i32
        %jit3A_809 = arith.constant 1 : i32
        %select_n3A_810 = arith.select %eq3A_808, %jit3A_809, %jit3A_806 : i32
        %rem3A_811 = arith.remsi %scan3A_477, %select_n3A_810 : i32
        %ne3A_812 = arith.constant 0 : i32
        %ne3A_813 = arith.cmpi ne, %rem3A_811, %ne3A_812 : i32
        %lt3A_814 = arith.constant 0 : i32
        %lt3A_815 = arith.cmpi slt, %rem3A_811, %lt3A_814 : i32
        %lt3A_816 = arith.constant 0 : i32
        %lt3A_817 = arith.cmpi slt, %select_n3A_810, %lt3A_816 : i32
        %ne3A_818 = arith.xori %lt3A_815, %lt3A_817 : i1
        %and3A_819 = arith.andi %ne3A_818, %ne3A_813 : i1
        %add3A_820 = arith.addi %rem3A_811, %select_n3A_810 : i32
        %select_n3A_821 = arith.select %and3A_819, %add3A_820, %rem3A_811 : i32
        %mul3A_822 = arith.constant 4000 : i32
        %mul3A_823 = arith.muli %select_n3A_821, %mul3A_822 : i32
        %dma_wait3A_824 = tpu.memref_slice %arg14[%mul3A_823] : memref<8000xi32, #tpu.memory_space<vmem>> -> memref<4000xi32, #tpu.memory_space<vmem>>
        %dma_wait3A_825 = tpu.memref_slice %arg3[%add3A_805] : memref<640000xi32, #tpu.memory_space<hbm>> -> memref<4000xi32, #tpu.memory_space<hbm>>
        %dma_wait3A_826 = tpu.memref_slice %arg14[%mul3A_823] : memref<8000xi32, #tpu.memory_space<vmem>> -> memref<4000xi32, #tpu.memory_space<vmem>>
        %dma_wait3A_827 = tpu.memref_slice %arg3[%add3A_805] : memref<640000xi32, #tpu.memory_space<hbm>> -> memref<4000xi32, #tpu.memory_space<hbm>>
        tpu.wait_dma2 semaphore(%arg21 : memref<!tpu.dma_semaphore, #tpu.memory_space<semaphore_mem>>) src(%dma_wait3A_827 : memref<4000xi32, #tpu.memory_space<hbm>>) dst(%dma_wait3A_826 : memref<4000xi32, #tpu.memory_space<vmem>>)
        %add3A_828 = arith.constant 1 : i32
        %add3A_829 = arith.addi %scan3A_477, %add3A_828 : i32
        %mul3A_830 = arith.constant 320000 : i32
        %mul3A_831 = arith.muli %arg0, %mul3A_830 : i32
        %min3A_832 = arith.constant 79 : i32
        %min3A_833 = arith.minsi %add3A_829, %min3A_832 : i32
        %mul3A_834 = arith.constant 4000 : i32
        %mul3A_835 = arith.muli %min3A_833, %mul3A_834 : i32
        %add3A_836 = arith.addi %mul3A_831, %mul3A_835 : i32
        %jit3A_837 = arith.constant 2 : i32
        %eq3A_838 = arith.constant 0 : i32
        %eq3A_839 = arith.cmpi eq, %jit3A_837, %eq3A_838 : i32
        %jit3A_840 = arith.constant 1 : i32
        %select_n3A_841 = arith.select %eq3A_839, %jit3A_840, %jit3A_837 : i32
        %rem3A_842 = arith.remsi %add3A_829, %select_n3A_841 : i32
        %ne3A_843 = arith.constant 0 : i32
        %ne3A_844 = arith.cmpi ne, %rem3A_842, %ne3A_843 : i32
        %lt3A_845 = arith.constant 0 : i32
        %lt3A_846 = arith.cmpi slt, %rem3A_842, %lt3A_845 : i32
        %lt3A_847 = arith.constant 0 : i32
        %lt3A_848 = arith.cmpi slt, %select_n3A_841, %lt3A_847 : i32
        %ne3A_849 = arith.xori %lt3A_846, %lt3A_848 : i1
        %and3A_850 = arith.andi %ne3A_849, %ne3A_844 : i1
        %add3A_851 = arith.addi %rem3A_842, %select_n3A_841 : i32
        %select_n3A_852 = arith.select %and3A_850, %add3A_851, %rem3A_842 : i32
        %mul3A_853 = arith.constant 4000 : i32
        %mul3A_854 = arith.muli %select_n3A_852, %mul3A_853 : i32
        %dma_start3A_855 = tpu.memref_slice %arg14[%mul3A_854] : memref<8000xi32, #tpu.memory_space<vmem>> -> memref<4000xi32, #tpu.memory_space<vmem>>
        %dma_start3A_856 = tpu.memref_slice %arg3[%add3A_836] : memref<640000xi32, #tpu.memory_space<hbm>> -> memref<4000xi32, #tpu.memory_space<hbm>>
        %dma_start3A_857 = tpu.memref_slice %arg14[%mul3A_854] : memref<8000xi32, #tpu.memory_space<vmem>> -> memref<4000xi32, #tpu.memory_space<vmem>>
        %dma_start3A_858 = tpu.memref_slice %arg3[%add3A_836] : memref<640000xi32, #tpu.memory_space<hbm>> -> memref<4000xi32, #tpu.memory_space<hbm>>
        tpu.enqueue_dma source(%dma_start3A_858 : memref<4000xi32, #tpu.memory_space<hbm>>) target(%dma_start3A_857 : memref<4000xi32, #tpu.memory_space<vmem>>) target_semaphore(%arg21 : memref<!tpu.dma_semaphore, #tpu.memory_space<semaphore_mem>>)
        %jit3A_859 = arith.constant 2 : i32
        %eq3A_860 = arith.constant 0 : i32
        %eq3A_861 = arith.cmpi eq, %jit3A_859, %eq3A_860 : i32
        %jit3A_862 = arith.constant 1 : i32
        %select_n3A_863 = arith.select %eq3A_861, %jit3A_862, %jit3A_859 : i32
        %rem3A_864 = arith.remsi %scan3A_477, %select_n3A_863 : i32
        %ne3A_865 = arith.constant 0 : i32
        %ne3A_866 = arith.cmpi ne, %rem3A_864, %ne3A_865 : i32
        %lt3A_867 = arith.constant 0 : i32
        %lt3A_868 = arith.cmpi slt, %rem3A_864, %lt3A_867 : i32
        %lt3A_869 = arith.constant 0 : i32
        %lt3A_870 = arith.cmpi slt, %select_n3A_863, %lt3A_869 : i32
        %ne3A_871 = arith.xori %lt3A_868, %lt3A_870 : i1
        %and3A_872 = arith.andi %ne3A_871, %ne3A_866 : i1
        %add3A_873 = arith.addi %rem3A_864, %select_n3A_863 : i32
        %select_n3A_874 = arith.select %and3A_872, %add3A_873, %rem3A_864 : i32
        %mul3A_875 = arith.constant 4000 : i32
        %mul3A_876 = arith.muli %select_n3A_874, %mul3A_875 : i32
        %scan3A_877 = arith.constant 0 : i32
        %scan3A_878 = arith.constant 0 : i32
        %scan3A_879 = arith.constant 50 : i32
        %scan3A_880 = arith.addi %scan3A_878, %scan3A_879 : i32
        %scan3A_881 = arith.constant 1 : i32
        %scan3A_882 = scf.for %scan3A_884 = %scan3A_878 to %scan3A_880 step %scan3A_881 iter_args(%scan3A_885 = %scan3A_877) -> (i32)  : i32 {
          %mul3A_886 = arith.constant 5 : i32
          %mul3A_887 = arith.muli %scan3A_884, %mul3A_886 : i32
          %add3A_888 = arith.constant 0 : i32
          %add3A_889 = arith.addi %mul3A_887, %add3A_888 : i32
          %mul3A_890 = arith.constant 16 : i32
          %mul3A_891 = arith.muli %add3A_889, %mul3A_890 : i32
          %add3A_892 = arith.addi %mul3A_876, %mul3A_891 : i32
          %get3A = arith.index_cast %add3A_892 : i32 to index
          %get3A_893 = tpu.vector_load %arg14[%get3A] {strides = array<i32>} : memref<8000xi32, #tpu.memory_space<vmem>>, vector<16xi32>,
          %shift_right_logical3A = arith.constant 4 : i32
          %shift_right_logical3A_894 = vector.broadcast %shift_right_logical3A : i32 to vector<16xi32>
          %shift_right_logical3A_895 = arith.shrui %get3A_893, %shift_right_logical3A_894 : vector<16xi32>
          %and3A_896 = arith.constant 15 : i32
          %and3A_897 = vector.broadcast %and3A_896 : i32 to vector<16xi32>
          %and3A_898 = arith.andi %shift_right_logical3A_895, %and3A_897 : vector<16xi32>
          %eq3A_899 = vector.broadcast %arg1 : i32 to vector<16xi32>
          %eq3A_900 = arith.cmpi eq, %and3A_898, %eq3A_899 : vector<16xi32>
          %shift_right_logical3A_901 = arith.constant 8 : i32
          %shift_right_logical3A_902 = vector.broadcast %shift_right_logical3A_901 : i32 to vector<16xi32>
          %shift_right_logical3A_903 = arith.shrui %get3A_893, %shift_right_logical3A_902 : vector<16xi32>
          %shift_left3A = arith.constant 4 : i32
          %shift_left3A_904 = vector.broadcast %shift_left3A : i32 to vector<16xi32>
          %shift_left3A_905 = arith.shli %shift_right_logical3A_903, %shift_left3A_904 : vector<16xi32>
          %and3A_906 = arith.constant 15 : i32
          %and3A_907 = vector.broadcast %and3A_906 : i32 to vector<16xi32>
          %and3A_908 = arith.andi %get3A_893, %and3A_907 : vector<16xi32>
          %add3A_909 = arith.addi %shift_left3A_905, %and3A_908 : vector<16xi32>
          %select_n3A_910 = arith.select %eq3A_900, %add3A_909, %add3A_5 : vector<16xi1>, vector<16xi32>
          tpu.vector_store_idx %arg13[%select_n3A_910], %broadcast_in_dim3A_3 {add = true} : memref<656xf32, #tpu.memory_space<vmem>>[vector<16xi32>], vector<16xf32>,
          %mul3A_911 = arith.constant 5 : i32
          %mul3A_912 = arith.muli %scan3A_884, %mul3A_911 : i32
          %add3A_913 = arith.constant 1 : i32
          %add3A_914 = arith.addi %mul3A_912, %add3A_913 : i32
          %mul3A_915 = arith.constant 16 : i32
          %mul3A_916 = arith.muli %add3A_914, %mul3A_915 : i32
          %add3A_917 = arith.addi %mul3A_876, %mul3A_916 : i32
          %get3A_918 = arith.index_cast %add3A_917 : i32 to index
          %get3A_919 = tpu.vector_load %arg14[%get3A_918] {strides = array<i32>} : memref<8000xi32, #tpu.memory_space<vmem>>, vector<16xi32>,
          %shift_right_logical3A_920 = arith.constant 4 : i32
          %shift_right_logical3A_921 = vector.broadcast %shift_right_logical3A_920 : i32 to vector<16xi32>
          %shift_right_logical3A_922 = arith.shrui %get3A_919, %shift_right_logical3A_921 : vector<16xi32>
          %and3A_923 = arith.constant 15 : i32
          %and3A_924 = vector.broadcast %and3A_923 : i32 to vector<16xi32>
          %and3A_925 = arith.andi %shift_right_logical3A_922, %and3A_924 : vector<16xi32>
          %eq3A_926 = vector.broadcast %arg1 : i32 to vector<16xi32>
          %eq3A_927 = arith.cmpi eq, %and3A_925, %eq3A_926 : vector<16xi32>
          %shift_right_logical3A_928 = arith.constant 8 : i32
          %shift_right_logical3A_929 = vector.broadcast %shift_right_logical3A_928 : i32 to vector<16xi32>
          %shift_right_logical3A_930 = arith.shrui %get3A_919, %shift_right_logical3A_929 : vector<16xi32>
          %shift_left3A_931 = arith.constant 4 : i32
          %shift_left3A_932 = vector.broadcast %shift_left3A_931 : i32 to vector<16xi32>
          %shift_left3A_933 = arith.shli %shift_right_logical3A_930, %shift_left3A_932 : vector<16xi32>
          %and3A_934 = arith.constant 15 : i32
          %and3A_935 = vector.broadcast %and3A_934 : i32 to vector<16xi32>
          %and3A_936 = arith.andi %get3A_919, %and3A_935 : vector<16xi32>
          %add3A_937 = arith.addi %shift_left3A_933, %and3A_936 : vector<16xi32>
          %select_n3A_938 = arith.select %eq3A_927, %add3A_937, %add3A_5 : vector<16xi1>, vector<16xi32>
          tpu.vector_store_idx %arg13[%select_n3A_938], %broadcast_in_dim3A_3 {add = true} : memref<656xf32, #tpu.memory_space<vmem>>[vector<16xi32>], vector<16xf32>,
          %mul3A_939 = arith.constant 5 : i32
          %mul3A_940 = arith.muli %scan3A_884, %mul3A_939 : i32
          %add3A_941 = arith.constant 2 : i32
          %add3A_942 = arith.addi %mul3A_940, %add3A_941 : i32
          %mul3A_943 = arith.constant 16 : i32
          %mul3A_944 = arith.muli %add3A_942, %mul3A_943 : i32
          %add3A_945 = arith.addi %mul3A_876, %mul3A_944 : i32
          %get3A_946 = arith.index_cast %add3A_945 : i32 to index
          %get3A_947 = tpu.vector_load %arg14[%get3A_946] {strides = array<i32>} : memref<8000xi32, #tpu.memory_space<vmem>>, vector<16xi32>,
          %shift_right_logical3A_948 = arith.constant 4 : i32
          %shift_right_logical3A_949 = vector.broadcast %shift_right_logical3A_948 : i32 to vector<16xi32>
          %shift_right_logical3A_950 = arith.shrui %get3A_947, %shift_right_logical3A_949 : vector<16xi32>
          %and3A_951 = arith.constant 15 : i32
          %and3A_952 = vector.broadcast %and3A_951 : i32 to vector<16xi32>
          %and3A_953 = arith.andi %shift_right_logical3A_950, %and3A_952 : vector<16xi32>
          %eq3A_954 = vector.broadcast %arg1 : i32 to vector<16xi32>
          %eq3A_955 = arith.cmpi eq, %and3A_953, %eq3A_954 : vector<16xi32>
          %shift_right_logical3A_956 = arith.constant 8 : i32
          %shift_right_logical3A_957 = vector.broadcast %shift_right_logical3A_956 : i32 to vector<16xi32>
          %shift_right_logical3A_958 = arith.shrui %get3A_947, %shift_right_logical3A_957 : vector<16xi32>
          %shift_left3A_959 = arith.constant 4 : i32
          %shift_left3A_960 = vector.broadcast %shift_left3A_959 : i32 to vector<16xi32>
          %shift_left3A_961 = arith.shli %shift_right_logical3A_958, %shift_left3A_960 : vector<16xi32>
          %and3A_962 = arith.constant 15 : i32
          %and3A_963 = vector.broadcast %and3A_962 : i32 to vector<16xi32>
          %and3A_964 = arith.andi %get3A_947, %and3A_963 : vector<16xi32>
          %add3A_965 = arith.addi %shift_left3A_961, %and3A_964 : vector<16xi32>
          %select_n3A_966 = arith.select %eq3A_955, %add3A_965, %add3A_5 : vector<16xi1>, vector<16xi32>
          tpu.vector_store_idx %arg13[%select_n3A_966], %broadcast_in_dim3A_3 {add = true} : memref<656xf32, #tpu.memory_space<vmem>>[vector<16xi32>], vector<16xf32>,
          %mul3A_967 = arith.constant 5 : i32
          %mul3A_968 = arith.muli %scan3A_884, %mul3A_967 : i32
          %add3A_969 = arith.constant 3 : i32
          %add3A_970 = arith.addi %mul3A_968, %add3A_969 : i32
          %mul3A_971 = arith.constant 16 : i32
          %mul3A_972 = arith.muli %add3A_970, %mul3A_971 : i32
          %add3A_973 = arith.addi %mul3A_876, %mul3A_972 : i32
          %get3A_974 = arith.index_cast %add3A_973 : i32 to index
          %get3A_975 = tpu.vector_load %arg14[%get3A_974] {strides = array<i32>} : memref<8000xi32, #tpu.memory_space<vmem>>, vector<16xi32>,
          %shift_right_logical3A_976 = arith.constant 4 : i32
          %shift_right_logical3A_977 = vector.broadcast %shift_right_logical3A_976 : i32 to vector<16xi32>
          %shift_right_logical3A_978 = arith.shrui %get3A_975, %shift_right_logical3A_977 : vector<16xi32>
          %and3A_979 = arith.constant 15 : i32
          %and3A_980 = vector.broadcast %and3A_979 : i32 to vector<16xi32>
          %and3A_981 = arith.andi %shift_right_logical3A_978, %and3A_980 : vector<16xi32>
          %eq3A_982 = vector.broadcast %arg1 : i32 to vector<16xi32>
          %eq3A_983 = arith.cmpi eq, %and3A_981, %eq3A_982 : vector<16xi32>
          %shift_right_logical3A_984 = arith.constant 8 : i32
          %shift_right_logical3A_985 = vector.broadcast %shift_right_logical3A_984 : i32 to vector<16xi32>
          %shift_right_logical3A_986 = arith.shrui %get3A_975, %shift_right_logical3A_985 : vector<16xi32>
          %shift_left3A_987 = arith.constant 4 : i32
          %shift_left3A_988 = vector.broadcast %shift_left3A_987 : i32 to vector<16xi32>
          %shift_left3A_989 = arith.shli %shift_right_logical3A_986, %shift_left3A_988 : vector<16xi32>
          %and3A_990 = arith.constant 15 : i32
          %and3A_991 = vector.broadcast %and3A_990 : i32 to vector<16xi32>
          %and3A_992 = arith.andi %get3A_975, %and3A_991 : vector<16xi32>
          %add3A_993 = arith.addi %shift_left3A_989, %and3A_992 : vector<16xi32>
          %select_n3A_994 = arith.select %eq3A_983, %add3A_993, %add3A_5 : vector<16xi1>, vector<16xi32>
          tpu.vector_store_idx %arg13[%select_n3A_994], %broadcast_in_dim3A_3 {add = true} : memref<656xf32, #tpu.memory_space<vmem>>[vector<16xi32>], vector<16xf32>,
          %mul3A_995 = arith.constant 5 : i32
          %mul3A_996 = arith.muli %scan3A_884, %mul3A_995 : i32
          %add3A_997 = arith.constant 4 : i32
          %add3A_998 = arith.addi %mul3A_996, %add3A_997 : i32
          %mul3A_999 = arith.constant 16 : i32
          %mul3A_1000 = arith.muli %add3A_998, %mul3A_999 : i32
          %add3A_1001 = arith.addi %mul3A_876, %mul3A_1000 : i32
          %get3A_1002 = arith.index_cast %add3A_1001 : i32 to index
          %get3A_1003 = tpu.vector_load %arg14[%get3A_1002] {strides = array<i32>} : memref<8000xi32, #tpu.memory_space<vmem>>, vector<16xi32>,
          %shift_right_logical3A_1004 = arith.constant 4 : i32
          %shift_right_logical3A_1005 = vector.broadcast %shift_right_logical3A_1004 : i32 to vector<16xi32>
          %shift_right_logical3A_1006 = arith.shrui %get3A_1003, %shift_right_logical3A_1005 : vector<16xi32>
          %and3A_1007 = arith.constant 15 : i32
          %and3A_1008 = vector.broadcast %and3A_1007 : i32 to vector<16xi32>
          %and3A_1009 = arith.andi %shift_right_logical3A_1006, %and3A_1008 : vector<16xi32>
          %eq3A_1010 = vector.broadcast %arg1 : i32 to vector<16xi32>
          %eq3A_1011 = arith.cmpi eq, %and3A_1009, %eq3A_1010 : vector<16xi32>
          %shift_right_logical3A_1012 = arith.constant 8 : i32
          %shift_right_logical3A_1013 = vector.broadcast %shift_right_logical3A_1012 : i32 to vector<16xi32>
          %shift_right_logical3A_1014 = arith.shrui %get3A_1003, %shift_right_logical3A_1013 : vector<16xi32>
          %shift_left3A_1015 = arith.constant 4 : i32
          %shift_left3A_1016 = vector.broadcast %shift_left3A_1015 : i32 to vector<16xi32>
          %shift_left3A_1017 = arith.shli %shift_right_logical3A_1014, %shift_left3A_1016 : vector<16xi32>
          %and3A_1018 = arith.constant 15 : i32
          %and3A_1019 = vector.broadcast %and3A_1018 : i32 to vector<16xi32>
          %and3A_1020 = arith.andi %get3A_1003, %and3A_1019 : vector<16xi32>
          %add3A_1021 = arith.addi %shift_left3A_1017, %and3A_1020 : vector<16xi32>
          %select_n3A_1022 = arith.select %eq3A_1011, %add3A_1021, %add3A_5 : vector<16xi1>, vector<16xi32>
          tpu.vector_store_idx %arg13[%select_n3A_1022], %broadcast_in_dim3A_3 {add = true} : memref<656xf32, #tpu.memory_space<vmem>>[vector<16xi32>], vector<16xf32>,
          %scan3A_1023 = arith.constant 0 : i32
          scf.yield %scan3A_1023 : i32
        }
        %scan3A_883 = arith.constant 50 : i32
      } else {
      }
      %dma_wait3A_727 = arith.constant 0 : i32
      %dma_wait3A_728 = tpu.memref_slice %arg10[%select_n3A_674, %dma_wait3A_727] : memref<4x80xi32, #tpu.memory_space<vmem>> -> memref<1x80xi32, #tpu.memory_space<vmem>>
      %dma_wait3A_729 = tpu.memref_squeeze %dma_wait3A_728 : memref<1x80xi32, #tpu.memory_space<vmem>> -> memref<80xi32, #tpu.memory_space<vmem>>
      %dma_wait3A_730 = arith.constant 0 : i32
      %dma_wait3A_731 = arith.constant 0 : i32
      %dma_wait3A_732 = tpu.memref_slice %arg8[%dma_wait3A_730, %dma_wait3A_731] : memref<10000x128xf32, #tpu.memory_space<vmem_shared>> -> memref<10000x128xf32, #tpu.memory_space<vmem_shared>>
      tpu.wait_indirect_dma semaphore(%arg20 : memref<!tpu.dma_semaphore, #tpu.memory_space<semaphore_mem>>) src(%arg12 : memref<80x128xf32, #tpu.memory_space<vmem>>) dst(%dma_wait3A_732 : memref<10000x128xf32, #tpu.memory_space<vmem_shared>>)
      %dma_wait3A_733 = arith.constant 0 : i32
      %dma_wait3A_734 = tpu.memref_slice %arg9[%select_n3A_700, %dma_wait3A_733] : memref<4x80xi32, #tpu.memory_space<vmem>> -> memref<1x80xi32, #tpu.memory_space<vmem>>
      %dma_wait3A_735 = tpu.memref_squeeze %dma_wait3A_734 : memref<1x80xi32, #tpu.memory_space<vmem>> -> memref<80xi32, #tpu.memory_space<vmem>>
      %dma_wait3A_736 = tpu.memref_slice %arg4[%min3A_705] : memref<640000xi32, #tpu.memory_space<hbm>> -> memref<80xi32, #tpu.memory_space<hbm>>
      %dma_wait3A_737 = arith.constant 0 : i32
      %dma_wait3A_738 = tpu.memref_slice %arg9[%select_n3A_700, %dma_wait3A_737] : memref<4x80xi32, #tpu.memory_space<vmem>> -> memref<1x80xi32, #tpu.memory_space<vmem>>
      %dma_wait3A_739 = tpu.memref_squeeze %dma_wait3A_738 : memref<1x80xi32, #tpu.memory_space<vmem>> -> memref<80xi32, #tpu.memory_space<vmem>>
      %dma_wait3A_740 = tpu.memref_slice %arg4[%min3A_705] : memref<640000xi32, #tpu.memory_space<hbm>> -> memref<80xi32, #tpu.memory_space<hbm>>
      tpu.wait_dma2 semaphore(%arg22 : memref<!tpu.dma_semaphore, #tpu.memory_space<semaphore_mem>>) src(%dma_wait3A_740 : memref<80xi32, #tpu.memory_space<hbm>>) dst(%dma_wait3A_739 : memref<80xi32, #tpu.memory_space<vmem>>)
      %dma_wait3A_741 = arith.constant 0 : i32
      %dma_wait3A_742 = tpu.memref_slice %arg10[%select_n3A_700, %dma_wait3A_741] : memref<4x80xi32, #tpu.memory_space<vmem>> -> memref<1x80xi32, #tpu.memory_space<vmem>>
      %dma_wait3A_743 = tpu.memref_squeeze %dma_wait3A_742 : memref<1x80xi32, #tpu.memory_space<vmem>> -> memref<80xi32, #tpu.memory_space<vmem>>
      %dma_wait3A_744 = tpu.memref_slice %arg3[%min3A_705] : memref<640000xi32, #tpu.memory_space<hbm>> -> memref<80xi32, #tpu.memory_space<hbm>>
      %dma_wait3A_745 = arith.constant 0 : i32
      %dma_wait3A_746 = tpu.memref_slice %arg10[%select_n3A_700, %dma_wait3A_745] : memref<4x80xi32, #tpu.memory_space<vmem>> -> memref<1x80xi32, #tpu.memory_space<vmem>>
      %dma_wait3A_747 = tpu.memref_squeeze %dma_wait3A_746 : memref<1x80xi32, #tpu.memory_space<vmem>> -> memref<80xi32, #tpu.memory_space<vmem>>
      %dma_wait3A_748 = tpu.memref_slice %arg3[%min3A_705] : memref<640000xi32, #tpu.memory_space<hbm>> -> memref<80xi32, #tpu.memory_space<hbm>>
      tpu.wait_dma2 semaphore(%arg22 : memref<!tpu.dma_semaphore, #tpu.memory_space<semaphore_mem>>) src(%dma_wait3A_748 : memref<80xi32, #tpu.memory_space<hbm>>) dst(%dma_wait3A_747 : memref<80xi32, #tpu.memory_space<vmem>>)
      %add3A_749 = arith.constant 2 : i32
      %add3A_750 = arith.addi %add3A_636, %add3A_749 : i32
      %jit3A_751 = arith.constant 4 : i32
      %eq3A_752 = arith.constant 0 : i32
      %eq3A_753 = arith.cmpi eq, %jit3A_751, %eq3A_752 : i32
      %jit3A_754 = arith.constant 1 : i32
      %select_n3A_755 = arith.select %eq3A_753, %jit3A_754, %jit3A_751 : i32
      %rem3A_756 = arith.remsi %add3A_750, %select_n3A_755 : i32
      %ne3A_757 = arith.constant 0 : i32
      %ne3A_758 = arith.cmpi ne, %rem3A_756, %ne3A_757 : i32
      %lt3A_759 = arith.constant 0 : i32
      %lt3A_760 = arith.cmpi slt, %rem3A_756, %lt3A_759 : i32
      %lt3A_761 = arith.constant 0 : i32
      %lt3A_762 = arith.cmpi slt, %select_n3A_755, %lt3A_761 : i32
      %ne3A_763 = arith.xori %lt3A_760, %lt3A_762 : i1
      %and3A_764 = arith.andi %ne3A_763, %ne3A_758 : i1
      %add3A_765 = arith.addi %rem3A_756, %select_n3A_755 : i32
      %select_n3A_766 = arith.select %and3A_764, %add3A_765, %rem3A_756 : i32
      %scan3A_767 = arith.constant 0 : i32
      %scan3A_768 = arith.constant 0 : i32
      %scan3A_769 = arith.constant 5 : i32
      %scan3A_770 = arith.addi %scan3A_768, %scan3A_769 : i32
      %scan3A_771 = arith.constant 1 : i32
      %scan3A_772 = scf.for %scan3A_799 = %scan3A_768 to %scan3A_770 step %scan3A_771 iter_args(%scan3A_800 = %scan3A_767) -> (i32)  : i32 {
        %mul3A_801 = arith.constant 16 : i32
        %mul3A_802 = arith.muli %scan3A_799, %mul3A_801 : i32
        %get3A = arith.index_cast %select_n3A_766 : i32 to index
        %get3A_803 = arith.index_cast %mul3A_802 : i32 to index
        %get3A_804 = tpu.vector_load %arg9[%get3A, %get3A_803] {strides = array<i32>} : memref<4x80xi32, #tpu.memory_space<vmem>>, vector<16xi32>,
        %add3A_805 = vector.broadcast %mul3A_2 : i32 to vector<16xi32>
        %add3A_806 = arith.addi %get3A_804, %add3A_805 : vector<16xi32>
        %swap3A = arith.index_cast %select_n3A_766 : i32 to index
        %swap3A_807 = arith.index_cast %mul3A_802 : i32 to index
        %swap3A_808 = tpu.vector_load %arg9[%swap3A, %swap3A_807] {strides = array<i32>} : memref<4x80xi32, #tpu.memory_space<vmem>>, vector<16xi32>,
        tpu.vector_store %arg9[%swap3A, %swap3A_807], %add3A_806 {strides = array<i32>} : memref<4x80xi32, #tpu.memory_space<vmem>>, vector<16xi32>,
        %scan3A_809 = arith.constant 0 : i32
        scf.yield %scan3A_809 : i32
      }
      %scan3A_773 = arith.constant 5 : i32
      %add3A_774 = arith.constant 2 : i32
      %add3A_775 = arith.addi %add3A_636, %add3A_774 : i32
      %jit3A_776 = arith.constant 4 : i32
      %eq3A_777 = arith.constant 0 : i32
      %eq3A_778 = arith.cmpi eq, %jit3A_776, %eq3A_777 : i32
      %jit3A_779 = arith.constant 1 : i32
      %select_n3A_780 = arith.select %eq3A_778, %jit3A_779, %jit3A_776 : i32
      %rem3A_781 = arith.remsi %add3A_775, %select_n3A_780 : i32
      %ne3A_782 = arith.constant 0 : i32
      %ne3A_783 = arith.cmpi ne, %rem3A_781, %ne3A_782 : i32
      %lt3A_784 = arith.constant 0 : i32
      %lt3A_785 = arith.cmpi slt, %rem3A_781, %lt3A_784 : i32
      %lt3A_786 = arith.constant 0 : i32
      %lt3A_787 = arith.cmpi slt, %select_n3A_780, %lt3A_786 : i32
      %ne3A_788 = arith.xori %lt3A_785, %lt3A_787 : i1
      %and3A_789 = arith.andi %ne3A_788, %ne3A_783 : i1
      %add3A_790 = arith.addi %rem3A_781, %select_n3A_780 : i32
      %select_n3A_791 = arith.select %and3A_789, %add3A_790, %rem3A_781 : i32
      %dma_start3A_792 = arith.constant 0 : i32
      %dma_start3A_793 = tpu.memref_slice %arg9[%select_n3A_791, %dma_start3A_792] : memref<4x80xi32, #tpu.memory_space<vmem>> -> memref<1x80xi32, #tpu.memory_space<vmem>>
      %dma_start3A_794 = tpu.memref_squeeze %dma_start3A_793 : memref<1x80xi32, #tpu.memory_space<vmem>> -> memref<80xi32, #tpu.memory_space<vmem>>
      %dma_start3A_795 = arith.constant 0 : i32
      %dma_start3A_796 = arith.constant 0 : i32
      %dma_start3A_797 = tpu.memref_slice %arg7[%dma_start3A_795, %dma_start3A_796] : memref<20000x128xf32, #tpu.memory_space<hbm>> -> memref<20000x128xf32, #tpu.memory_space<hbm>>
      tpu.enqueue_indirect_dma source(%dma_start3A_797 : memref<20000x128xf32, #tpu.memory_space<hbm>>) target(%arg12 : memref<80x128xf32, #tpu.memory_space<vmem>>) offsets(%dma_start3A_794 : memref<80xi32, #tpu.memory_space<vmem>>) semaphore(%arg18 : memref<!tpu.dma_semaphore, #tpu.memory_space<semaphore_mem>>)
      %scan3A_798 = arith.constant 0 : i32
      scf.yield %scan3A_798 : i32
    }
    %scan3A_440 = arith.constant 125 : i32
    %dma_wait3A_441 = arith.constant 2 : i32
    %dma_wait3A_442 = arith.constant 0 : i32
    %dma_wait3A_443 = tpu.memref_slice %arg9[%dma_wait3A_441, %dma_wait3A_442] : memref<4x80xi32, #tpu.memory_space<vmem>> -> memref<1x80xi32, #tpu.memory_space<vmem>>
    %dma_wait3A_444 = tpu.memref_squeeze %dma_wait3A_443 : memref<1x80xi32, #tpu.memory_space<vmem>> -> memref<80xi32, #tpu.memory_space<vmem>>
    %dma_wait3A_445 = arith.constant 0 : i32
    %dma_wait3A_446 = arith.constant 0 : i32
    %dma_wait3A_447 = tpu.memref_slice %arg7[%dma_wait3A_445, %dma_wait3A_446] : memref<20000x128xf32, #tpu.memory_space<hbm>> -> memref<20000x128xf32, #tpu.memory_space<hbm>>
    tpu.wait_indirect_dma semaphore(%arg17 : memref<!tpu.dma_semaphore, #tpu.memory_space<semaphore_mem>>) src(%dma_wait3A_447 : memref<20000x128xf32, #tpu.memory_space<hbm>>) dst(%arg11 : memref<80x128xf32, #tpu.memory_space<vmem>>)
    %dma_wait3A_448 = arith.constant 3 : i32
    %dma_wait3A_449 = arith.constant 0 : i32
    %dma_wait3A_450 = tpu.memref_slice %arg9[%dma_wait3A_448, %dma_wait3A_449] : memref<4x80xi32, #tpu.memory_space<vmem>> -> memref<1x80xi32, #tpu.memory_space<vmem>>
    %dma_wait3A_451 = tpu.memref_squeeze %dma_wait3A_450 : memref<1x80xi32, #tpu.memory_space<vmem>> -> memref<80xi32, #tpu.memory_space<vmem>>
    %dma_wait3A_452 = arith.constant 0 : i32
    %dma_wait3A_453 = arith.constant 0 : i32
    %dma_wait3A_454 = tpu.memref_slice %arg7[%dma_wait3A_452, %dma_wait3A_453] : memref<20000x128xf32, #tpu.memory_space<hbm>> -> memref<20000x128xf32, #tpu.memory_space<hbm>>
    tpu.wait_indirect_dma semaphore(%arg18 : memref<!tpu.dma_semaphore, #tpu.memory_space<semaphore_mem>>) src(%dma_wait3A_454 : memref<20000x128xf32, #tpu.memory_space<hbm>>) dst(%arg12 : memref<80x128xf32, #tpu.memory_space<vmem>>)
    %mul3A_455 = arith.constant 320000 : i32
    %mul3A_456 = arith.muli %arg0, %mul3A_455 : i32
    %min3A_457 = arith.constant 80 : i32
    %min3A_458 = arith.constant 79 : i32
    %min3A_459 = arith.minsi %min3A_457, %min3A_458 : i32
    %mul3A_460 = arith.constant 4000 : i32
    %mul3A_461 = arith.muli %min3A_459, %mul3A_460 : i32
    %add3A_462 = arith.addi %mul3A_456, %mul3A_461 : i32
    %dma_wait3A_463 = arith.constant 0 : i32
    %dma_wait3A_464 = tpu.memref_slice %arg14[%dma_wait3A_463] : memref<8000xi32, #tpu.memory_space<vmem>> -> memref<4000xi32, #tpu.memory_space<vmem>>
    %dma_wait3A_465 = tpu.memref_slice %arg3[%add3A_462] : memref<640000xi32, #tpu.memory_space<hbm>> -> memref<4000xi32, #tpu.memory_space<hbm>>
    %dma_wait3A_466 = arith.constant 0 : i32
    %dma_wait3A_467 = tpu.memref_slice %arg14[%dma_wait3A_466] : memref<8000xi32, #tpu.memory_space<vmem>> -> memref<4000xi32, #tpu.memory_space<vmem>>
    %dma_wait3A_468 = tpu.memref_slice %arg3[%add3A_462] : memref<640000xi32, #tpu.memory_space<hbm>> -> memref<4000xi32, #tpu.memory_space<hbm>>
    tpu.wait_dma2 semaphore(%arg21 : memref<!tpu.dma_semaphore, #tpu.memory_space<semaphore_mem>>) src(%dma_wait3A_468 : memref<4000xi32, #tpu.memory_space<hbm>>) dst(%dma_wait3A_467 : memref<4000xi32, #tpu.memory_space<vmem>>)
    %barrier3A_469 = arith.constant 0 : index
    tpu.barrier barrier_id(%barrier3A_469)
    %scan3A_470 = arith.constant 0 : i32
    %scan3A_471 = arith.constant 0 : i32
    %scan3A_472 = arith.constant 40 : i32
    %scan3A_473 = arith.addi %scan3A_471, %scan3A_472 : i32
    %scan3A_474 = arith.constant 1 : i32
    %scan3A_475 = scf.for %scan3A_477 = %scan3A_471 to %scan3A_473 step %scan3A_474 iter_args(%scan3A_478 = %scan3A_470) -> (i32)  : i32 {
      %mul3A_479 = arith.constant 16 : i32
      %mul3A_480 = arith.muli %scan3A_477, %mul3A_479 : i32
      %add3A_481 = arith.addi %mul3A_480, %arg1 : i32
      %lt3A_482 = arith.constant 625 : i32
      %lt3A_483 = arith.cmpi slt, %add3A_481, %lt3A_482 : i32
      %convert_element_type3A_484 = arith.extui %lt3A_483 : i1 to i32
      %cond3A_485 = arith.constant 0 : i32
      %cond3A_486 = arith.cmpi ne, %convert_element_type3A_484, %cond3A_485 : i32
      scf.if %cond3A_486 {
        %mul3A_488 = arith.constant 16 : i32
        %mul3A_489 = arith.muli %add3A_481, %mul3A_488 : i32
        "tpu.region"() ({
          %run_scoped3A = tpu.sem_alloc : memref<!tpu.dma_semaphore, #tpu.memory_space<semaphore_mem>>
          %dma_start3A_498 = arith.constant 0 : i32
          %dma_start3A_499 = tpu.memref_slice %arg8[%mul3A_489, %dma_start3A_498] : memref<10000x128xf32, #tpu.memory_space<vmem_shared>> -> memref<16x128xf32, #tpu.memory_space<vmem_shared>>
          %dma_start3A_500 = arith.constant 0 : i32
          %dma_start3A_501 = tpu.memref_slice %arg8[%mul3A_489, %dma_start3A_500] : memref<10000x128xf32, #tpu.memory_space<vmem_shared>> -> memref<16x128xf32, #tpu.memory_space<vmem_shared>>
          tpu.enqueue_dma source(%dma_start3A_501 : memref<16x128xf32, #tpu.memory_space<vmem_shared>>) target(%arg15 : memref<16x128xf32, #tpu.memory_space<vmem>>) target_semaphore(%run_scoped3A : memref<!tpu.dma_semaphore, #tpu.memory_space<semaphore_mem>>)
          %dma_wait3A_502 = arith.constant 0 : i32
          %dma_wait3A_503 = tpu.memref_slice %arg8[%mul3A_489, %dma_wait3A_502] : memref<10000x128xf32, #tpu.memory_space<vmem_shared>> -> memref<16x128xf32, #tpu.memory_space<vmem_shared>>
          %dma_wait3A_504 = arith.constant 0 : i32
          %dma_wait3A_505 = tpu.memref_slice %arg8[%mul3A_489, %dma_wait3A_504] : memref<10000x128xf32, #tpu.memory_space<vmem_shared>> -> memref<16x128xf32, #tpu.memory_space<vmem_shared>>
          tpu.wait_dma2 semaphore(%run_scoped3A : memref<!tpu.dma_semaphore, #tpu.memory_space<semaphore_mem>>) src(%dma_wait3A_505 : memref<16x128xf32, #tpu.memory_space<vmem_shared>>) dst(%arg15 : memref<16x128xf32, #tpu.memory_space<vmem>>)
          tpu.yield
        }) : () -> ()
        %scan3A_490 = arith.constant 0 : i32
        %scan3A_491 = arith.constant 0 : i32
        %scan3A_492 = arith.constant 16 : i32
        %scan3A_493 = arith.addi %scan3A_491, %scan3A_492 : i32
        %scan3A_494 = arith.constant 1 : i32
        %scan3A_495 = scf.for %scan3A_498 = %scan3A_491 to %scan3A_493 step %scan3A_494 iter_args(%scan3A_499 = %scan3A_490) -> (i32)  : i32 {
          %broadcast_in_dim3A_500 = arith.constant 0 : i32
          %broadcast_in_dim3A_501 = vector.broadcast %broadcast_in_dim3A_500 : i32 to vector<16xi32>
          %mul3A_502 = arith.constant 16 : i32
          %mul3A_503 = arith.muli %scan3A_477, %mul3A_502 : i32
          %add3A_504 = arith.addi %mul3A_503, %scan3A_498 : i32
          %add3A_505 = vector.broadcast %add3A_504 : i32 to vector<16xi32>
          %add3A_506 = arith.addi %broadcast_in_dim3A_501, %add3A_505 : vector<16xi32>
          %gather3A = tpu.vector_load_idx %arg13[%add3A_506] : memref<656xf32, #tpu.memory_space<vmem>>[vector<16xi32>], vector<16xf32>,
          %gt3A = arith.constant 0.000000e+00 : f32
          %gt3A_507 = vector.broadcast %gt3A : f32 to vector<16xf32>
          %gt3A_508 = arith.cmpf ogt, %gather3A, %gt3A_507 : vector<16xf32>
          %div3A = arith.constant 1.000000e+00 : f32
          %div3A_509 = vector.broadcast %div3A : f32 to vector<16xf32>
          %div3A_510 = arith.divf %div3A_509, %gather3A : vector<16xf32>
          %jit3A = arith.constant 0.000000e+00 : f32
          %broadcast_in_dim3A_511 = vector.broadcast %jit3A : f32 to vector<16xf32>
          %select_n3A = arith.select %gt3A_508, %div3A_510, %broadcast_in_dim3A_511 : vector<16xi1>, vector<16xf32>
          %get3A = arith.index_cast %scan3A_498 : i32 to index
          %get3A_512 = arith.constant 0 : index
          %get3A_513 = tpu.vector_load %arg15[%get3A, %get3A_512] {strides = array<i32>} : memref<16x128xf32, #tpu.memory_space<vmem>>, vector<16xf32>,
          %mul3A_514 = arith.mulf %get3A_513, %select_n3A : vector<16xf32>
          %get3A_515 = arith.constant 0 : index
          %get3A_516 = tpu.vector_load %arg16[%get3A_515] {strides = array<i32>} : memref<128xf32, #tpu.memory_space<vmem>>, vector<16xf32>,
          %add3A_517 = arith.addf %mul3A_514, %get3A_516 : vector<16xf32>
          %swap3A = arith.index_cast %scan3A_498 : i32 to index
          %swap3A_518 = arith.constant 0 : index
          %swap3A_519 = tpu.vector_load %arg15[%swap3A, %swap3A_518] {strides = array<i32>} : memref<16x128xf32, #tpu.memory_space<vmem>>, vector<16xf32>,
          tpu.vector_store %arg15[%swap3A, %swap3A_518], %add3A_517 {strides = array<i32>} : memref<16x128xf32, #tpu.memory_space<vmem>>, vector<16xf32>,
          %get3A_520 = arith.index_cast %scan3A_498 : i32 to index
          %get3A_521 = arith.constant 16 : index
          %get3A_522 = tpu.vector_load %arg15[%get3A_520, %get3A_521] {strides = array<i32>} : memref<16x128xf32, #tpu.memory_space<vmem>>, vector<16xf32>,
          %mul3A_523 = arith.mulf %get3A_522, %select_n3A : vector<16xf32>
          %get3A_524 = arith.constant 16 : index
          %get3A_525 = tpu.vector_load %arg16[%get3A_524] {strides = array<i32>} : memref<128xf32, #tpu.memory_space<vmem>>, vector<16xf32>,
          %add3A_526 = arith.addf %mul3A_523, %get3A_525 : vector<16xf32>
          %swap3A_527 = arith.index_cast %scan3A_498 : i32 to index
          %swap3A_528 = arith.constant 16 : index
          %swap3A_529 = tpu.vector_load %arg15[%swap3A_527, %swap3A_528] {strides = array<i32>} : memref<16x128xf32, #tpu.memory_space<vmem>>, vector<16xf32>,
          tpu.vector_store %arg15[%swap3A_527, %swap3A_528], %add3A_526 {strides = array<i32>} : memref<16x128xf32, #tpu.memory_space<vmem>>, vector<16xf32>,
          %get3A_530 = arith.index_cast %scan3A_498 : i32 to index
          %get3A_531 = arith.constant 32 : index
          %get3A_532 = tpu.vector_load %arg15[%get3A_530, %get3A_531] {strides = array<i32>} : memref<16x128xf32, #tpu.memory_space<vmem>>, vector<16xf32>,
          %mul3A_533 = arith.mulf %get3A_532, %select_n3A : vector<16xf32>
          %get3A_534 = arith.constant 32 : index
          %get3A_535 = tpu.vector_load %arg16[%get3A_534] {strides = array<i32>} : memref<128xf32, #tpu.memory_space<vmem>>, vector<16xf32>,
          %add3A_536 = arith.addf %mul3A_533, %get3A_535 : vector<16xf32>
          %swap3A_537 = arith.index_cast %scan3A_498 : i32 to index
          %swap3A_538 = arith.constant 32 : index
          %swap3A_539 = tpu.vector_load %arg15[%swap3A_537, %swap3A_538] {strides = array<i32>} : memref<16x128xf32, #tpu.memory_space<vmem>>, vector<16xf32>,
          tpu.vector_store %arg15[%swap3A_537, %swap3A_538], %add3A_536 {strides = array<i32>} : memref<16x128xf32, #tpu.memory_space<vmem>>, vector<16xf32>,
          %get3A_540 = arith.index_cast %scan3A_498 : i32 to index
          %get3A_541 = arith.constant 48 : index
          %get3A_542 = tpu.vector_load %arg15[%get3A_540, %get3A_541] {strides = array<i32>} : memref<16x128xf32, #tpu.memory_space<vmem>>, vector<16xf32>,
          %mul3A_543 = arith.mulf %get3A_542, %select_n3A : vector<16xf32>
          %get3A_544 = arith.constant 48 : index
          %get3A_545 = tpu.vector_load %arg16[%get3A_544] {strides = array<i32>} : memref<128xf32, #tpu.memory_space<vmem>>, vector<16xf32>,
          %add3A_546 = arith.addf %mul3A_543, %get3A_545 : vector<16xf32>
          %swap3A_547 = arith.index_cast %scan3A_498 : i32 to index
          %swap3A_548 = arith.constant 48 : index
          %swap3A_549 = tpu.vector_load %arg15[%swap3A_547, %swap3A_548] {strides = array<i32>} : memref<16x128xf32, #tpu.memory_space<vmem>>, vector<16xf32>,
          tpu.vector_store %arg15[%swap3A_547, %swap3A_548], %add3A_546 {strides = array<i32>} : memref<16x128xf32, #tpu.memory_space<vmem>>, vector<16xf32>,
          %get3A_550 = arith.index_cast %scan3A_498 : i32 to index
          %get3A_551 = arith.constant 64 : index
          %get3A_552 = tpu.vector_load %arg15[%get3A_550, %get3A_551] {strides = array<i32>} : memref<16x128xf32, #tpu.memory_space<vmem>>, vector<16xf32>,
          %mul3A_553 = arith.mulf %get3A_552, %select_n3A : vector<16xf32>
          %get3A_554 = arith.constant 64 : index
          %get3A_555 = tpu.vector_load %arg16[%get3A_554] {strides = array<i32>} : memref<128xf32, #tpu.memory_space<vmem>>, vector<16xf32>,
          %add3A_556 = arith.addf %mul3A_553, %get3A_555 : vector<16xf32>
          %swap3A_557 = arith.index_cast %scan3A_498 : i32 to index
          %swap3A_558 = arith.constant 64 : index
          %swap3A_559 = tpu.vector_load %arg15[%swap3A_557, %swap3A_558] {strides = array<i32>} : memref<16x128xf32, #tpu.memory_space<vmem>>, vector<16xf32>,
          tpu.vector_store %arg15[%swap3A_557, %swap3A_558], %add3A_556 {strides = array<i32>} : memref<16x128xf32, #tpu.memory_space<vmem>>, vector<16xf32>,
          %get3A_560 = arith.index_cast %scan3A_498 : i32 to index
          %get3A_561 = arith.constant 80 : index
          %get3A_562 = tpu.vector_load %arg15[%get3A_560, %get3A_561] {strides = array<i32>} : memref<16x128xf32, #tpu.memory_space<vmem>>, vector<16xf32>,
          %mul3A_563 = arith.mulf %get3A_562, %select_n3A : vector<16xf32>
          %get3A_564 = arith.constant 80 : index
          %get3A_565 = tpu.vector_load %arg16[%get3A_564] {strides = array<i32>} : memref<128xf32, #tpu.memory_space<vmem>>, vector<16xf32>,
          %add3A_566 = arith.addf %mul3A_563, %get3A_565 : vector<16xf32>
          %swap3A_567 = arith.index_cast %scan3A_498 : i32 to index
          %swap3A_568 = arith.constant 80 : index
          %swap3A_569 = tpu.vector_load %arg15[%swap3A_567, %swap3A_568] {strides = array<i32>} : memref<16x128xf32, #tpu.memory_space<vmem>>, vector<16xf32>,
          tpu.vector_store %arg15[%swap3A_567, %swap3A_568], %add3A_566 {strides = array<i32>} : memref<16x128xf32, #tpu.memory_space<vmem>>, vector<16xf32>,
          %get3A_570 = arith.index_cast %scan3A_498 : i32 to index
          %get3A_571 = arith.constant 96 : index
          %get3A_572 = tpu.vector_load %arg15[%get3A_570, %get3A_571] {strides = array<i32>} : memref<16x128xf32, #tpu.memory_space<vmem>>, vector<16xf32>,
          %mul3A_573 = arith.mulf %get3A_572, %select_n3A : vector<16xf32>
          %get3A_574 = arith.constant 96 : index
          %get3A_575 = tpu.vector_load %arg16[%get3A_574] {strides = array<i32>} : memref<128xf32, #tpu.memory_space<vmem>>, vector<16xf32>,
          %add3A_576 = arith.addf %mul3A_573, %get3A_575 : vector<16xf32>
          %swap3A_577 = arith.index_cast %scan3A_498 : i32 to index
          %swap3A_578 = arith.constant 96 : index
          %swap3A_579 = tpu.vector_load %arg15[%swap3A_577, %swap3A_578] {strides = array<i32>} : memref<16x128xf32, #tpu.memory_space<vmem>>, vector<16xf32>,
          tpu.vector_store %arg15[%swap3A_577, %swap3A_578], %add3A_576 {strides = array<i32>} : memref<16x128xf32, #tpu.memory_space<vmem>>, vector<16xf32>,
          %get3A_580 = arith.index_cast %scan3A_498 : i32 to index
          %get3A_581 = arith.constant 112 : index
          %get3A_582 = tpu.vector_load %arg15[%get3A_580, %get3A_581] {strides = array<i32>} : memref<16x128xf32, #tpu.memory_space<vmem>>, vector<16xf32>,
          %mul3A_583 = arith.mulf %get3A_582, %select_n3A : vector<16xf32>
          %get3A_584 = arith.constant 112 : index
          %get3A_585 = tpu.vector_load %arg16[%get3A_584] {strides = array<i32>} : memref<128xf32, #tpu.memory_space<vmem>>, vector<16xf32>,
          %add3A_586 = arith.addf %mul3A_583, %get3A_585 : vector<16xf32>
          %swap3A_587 = arith.index_cast %scan3A_498 : i32 to index
          %swap3A_588 = arith.constant 112 : index
          %swap3A_589 = tpu.vector_load %arg15[%swap3A_587, %swap3A_588] {strides = array<i32>} : memref<16x128xf32, #tpu.memory_space<vmem>>, vector<16xf32>,
          tpu.vector_store %arg15[%swap3A_587, %swap3A_588], %add3A_586 {strides = array<i32>} : memref<16x128xf32, #tpu.memory_space<vmem>>, vector<16xf32>,
          %scan3A_590 = arith.constant 0 : i32
          scf.yield %scan3A_590 : i32
        }
        %scan3A_496 = arith.constant 16 : i32
        %add3A_497 = arith.addi %mul3A_2, %mul3A_489 : i32
        "tpu.region"() ({
          %run_scoped3A = tpu.sem_alloc : memref<!tpu.dma_semaphore, #tpu.memory_space<semaphore_mem>>
          %dma_start3A_498 = arith.constant 0 : i32
          %dma_start3A_499 = tpu.memref_slice %arg6[%add3A_497, %dma_start3A_498] : memref<20000x128xf32, #tpu.memory_space<hbm>> -> memref<16x128xf32, #tpu.memory_space<hbm>>
          %dma_start3A_500 = arith.constant 0 : i32
          %dma_start3A_501 = tpu.memref_slice %arg6[%add3A_497, %dma_start3A_500] : memref<20000x128xf32, #tpu.memory_space<hbm>> -> memref<16x128xf32, #tpu.memory_space<hbm>>
          tpu.enqueue_dma source(%arg15 : memref<16x128xf32, #tpu.memory_space<vmem>>) target(%dma_start3A_501 : memref<16x128xf32, #tpu.memory_space<hbm>>) target_semaphore(%run_scoped3A : memref<!tpu.dma_semaphore, #tpu.memory_space<semaphore_mem>>)
          %dma_wait3A_502 = arith.constant 0 : i32
          %dma_wait3A_503 = tpu.memref_slice %arg6[%add3A_497, %dma_wait3A_502] : memref<20000x128xf32, #tpu.memory_space<hbm>> -> memref<16x128xf32, #tpu.memory_space<hbm>>
          %dma_wait3A_504 = arith.constant 0 : i32
          %dma_wait3A_505 = tpu.memref_slice %arg6[%add3A_497, %dma_wait3A_504] : memref<20000x128xf32, #tpu.memory_space<hbm>> -> memref<16x128xf32, #tpu.memory_space<hbm>>
          tpu.wait_dma2 semaphore(%run_scoped3A : memref<!tpu.dma_semaphore, #tpu.memory_space<semaphore_mem>>) src(%arg15 : memref<16x128xf32, #tpu.memory_space<vmem>>) dst(%dma_wait3A_505 : memref<16x128xf32, #tpu.memory_space<hbm>>)
          tpu.yield
        }) : () -> ()
      } else {
      }
      %scan3A_487 = arith.constant 0 : i32
      scf.yield %scan3A_487 : i32
    }
    %scan3A_476 = arith.constant 40 : i32
    return
  }
}

module attributes {stable_mosaic.version = 14 : i64} {
  func.func @_matmul_body(%arg0: i32, %arg1: i32, %arg2: memref<1x1000x128xf32, #tpu.memory_space<vmem>>, %arg3: memref<128x128xf32, #tpu.memory_space<vmem>>, %arg4: memref<1x1000x128xf32, #tpu.memory_space<vmem>>) attributes {dimension_semantics = [#tpu.dimension_semantics<arbitrary>, #tpu.dimension_semantics<arbitrary>], iteration_bounds = array<i64: 2, 10>, scalar_prefetch = 0 : i64, scratch_operands = 0 : i64, tpu.core_type = #tpu.core_type<tc>, window_params = [{transform_indices = @transform_0, window_bounds = array<i64: 1, 1000, 128>}, {pipeline_mode = #tpu.pipeline_mode<synchronous>, transform_indices = @transform_1, window_bounds = array<i64: 128, 128>}, {transform_indices = @transform_2, window_bounds = array<i64: 1, 1000, 128>}]} {
    %get3A = arith.constant 0 : index
    %get3A_0 = arith.constant 0 : index
    %get3A_1 = arith.constant 0 : index
    %get3A_2 = vector.load %arg2[%get3A, %get3A_0, %get3A_1] : memref<1x1000x128xf32, #tpu.memory_space<vmem>>, vector<1x1000x128xf32>
    %get3A_3 = vector.shape_cast %get3A_2 : vector<1x1000x128xf32> to vector<1000x128xf32>
    %get3A_4 = arith.constant 0 : index
    %get3A_5 = arith.constant 0 : index
    %get3A_6 = vector.load %arg3[%get3A_4, %get3A_5] : memref<128x128xf32, #tpu.memory_space<vmem>>, vector<128x128xf32>
    %dot_general3A = arith.constant dense<0.000000e+00> : vector<1000x128xf32>
    %dot_general3A_7 = tpu.matmul %get3A_3, %get3A_6, %dot_general3A {dimension_numbers = #tpu.dot_dimension_numbers<[1], [0], [0], [1], [0, 0, 1, 1], [], []>, transpose_lhs_hint = false} : vector<1000x128xf32>, vector<128x128xf32>, vector<1000x128xf32> -> vector<1000x128xf32>
    %swap3A = arith.constant 0 : index
    %swap3A_8 = arith.constant 0 : index
    %swap3A_9 = arith.constant 0 : index
    %swap3A_10 = vector.load %arg4[%swap3A, %swap3A_8, %swap3A_9] : memref<1x1000x128xf32, #tpu.memory_space<vmem>>, vector<1x1000x128xf32>
    %swap3A_11 = vector.shape_cast %swap3A_10 : vector<1x1000x128xf32> to vector<1000x128xf32>
    %swap3A_12 = vector.shape_cast %dot_general3A_7 : vector<1000x128xf32> to vector<1x1000x128xf32>
    tpu.vector_store %arg4[%swap3A, %swap3A_8, %swap3A_9], %swap3A_12 {strides = array<i32>} : memref<1x1000x128xf32, #tpu.memory_space<vmem>>, vector<1x1000x128xf32>,
    return
  }
  func.func @transform_0(%arg0: i32, %arg1: i32) -> (i32, i32, i32) {
    %c0_i32 = arith.constant 0 : i32
    %c0_i32_0 = arith.constant 0 : i32
    return %arg0, %arg1, %c0_i32 : i32, i32, i32
  }
  func.func @transform_1(%arg0: i32, %arg1: i32) -> (i32, i32) {
    %c0_i32 = arith.constant 0 : i32
    %c0_i32_0 = arith.constant 0 : i32
    %c0_i32_1 = arith.constant 0 : i32
    return %c0_i32, %c0_i32_0 : i32, i32
  }
  func.func @transform_2(%arg0: i32, %arg1: i32) -> (i32, i32, i32) {
    %c0_i32 = arith.constant 0 : i32
    %c0_i32_0 = arith.constant 0 : i32
    return %arg0, %arg1, %c0_i32 : i32, i32, i32
  }
}

</mosaic_0001>

<sc_bundles>
// kernel: kernel.4.cloned.1.call-start
scs
__scs_entry_jumppad:
0x0: {  	(pc) =	sbr.rel $0x88, $3  }
0x1: {  	(tag) =	ssettag $0x0;
	lr =	simm.s32 $0x1  }
0x2: {  	[smem:$0x3F9D] =	sst lr;
	_ =	strace $0xD0000000  }
0x3: {  	_ = 	snop  }
0x4: {  	_ = 	snop  }
0x5: {  	_ = 	snop  }
0x6: {  	_ = 	snop  }
0x7: {  	_ = 	snop  }
__scs_overlays_trampoline_lowered:
0x8: {  	[smem:$0x3FAC] =	sst s0  }
0x9: {  	[smem:$0x3FAD] =	sst s1  }
0xa: {  	[smem:$0x3FAE] =	sst s2  }
0xb: {  	[smem:$0x3FAF] =	sst s3  }
0xc: {  	[smem:$0x3FB0] =	sst s4  }
0xd: {  	[smem:$0x3FB1] =	sst s5  }
0xe: {  	[smem:$0x3FB2] =	sst s6  }
0xf: {  	[smem:$0x3FB3] =	sst s7  }
0x10: {  	[smem:$0x3FB4] =	sst s8  }
0x11: {  	[smem:$0x3FB5] =	sst s9;
	s0 =	simm.s32 @!p0 $0x0  }
0x12: {  	s1 =	sld [smem:$0x3F9B];
	s0 =	simm.s32 @p0 $0x1  }
0x13: {  	[smem:$0x3FB6] =	sst s0;
	s0 =	simm.s32 @!p1 $0x0  }
0x14: {  	s2 =	sld [smem:$0x3F9A];
	s0 =	simm.s32 @p1 $0x1  }
0x15: {  	[smem:$0x3FB7] =	sst s0;
	s0 =	simm.s32 @!p2 $0x0  }
0x16: {  	s3 =	sld [smem:$0x3FDB];
	s0 =	simm.s32 @p2 $0x1  }
0x17: {  	s4 =	simm.s32 $0x1BF5;
	[smem:$0x3FB9] =	sst s0  }
0x18: {  	s0 =	sld [smem:$0x3F9C];
	_ =	swait.ge [sflag:s4], $0x0  }
0x19: {  	s7 =	sld [smem:$0x3F9D]  }
0x1a: {  	s8 =	sadd.s32 $0xFFFFE003, lr  }
0x1b: {  	s9 =	sadd.s32 $0xFFFFFEF7, lr;
	s5 =	simm.s32 $0xFFFFFFFF;
	p2 =	slt.u32 s8, $0xFFFFF086  }
0x1c: {  	p1 =	slt.u32 s9, $0xF7A;
	s5 =	simm.s32 @!p2 $0x0  }
0x1d: {  	s5 =	simm.s32 @p1 $0x1;
	p0 =	seq.s32 s7, s2  }
0x1e: {  	s7 =	smul.u32 @!p0 $0xF7A, s2;
	p2 =	seq.s32 @!p0 s5, $0x0  }
0x1f: {  	s9 =	smul.u32 $0xF7A, s1;
	s8 =	simm.s32 @!p0 $0x1BF5;
	p2 =	por !p2, p0  }
0x20: {  	[sflag:s8] =	ssyncset.s32 @!p0 $0xFFFFF086;
	s6 =	sadd.s32 @!p0 s3, s7;
	s7 =	simm.s32 @!p0 $0x108  }
0x21: {  	s3 =	sadd.s32 s3, s9;
	s6 =	sadd.s32 @!p0 $0x88, s6;
	s7 =	simm.s32 @p2 $0x1082  }
0x22: {  	[simem:s7], [sflag:s8] =	dma.local @!p0 [hbm:s6], $0xF7A  }
0x23: {  	s9 =	sor.u32 $0xD0000000, s2;
	s6 =	simm.s32 $0x108;
	_ =	swait.ge @!p0 [sflag:s8], $0x0  }
0x24: {  	s3 =	sadd.s32 $0x88, s3;
	s6 =	simm.s32 @!p1 $0x1082;
	[sflag:s4] =	ssyncset.s32 $0xFFFFF086  }
0x25: {  	[simem:s6], [sflag:s4] =	dma.local [hbm:s3], $0xF7A  }
0x26: {  	[smem:$0x3F9D] =	sst s1;
	(tag) =	ssettag s2;
	_ =	strace s9  }
0x27: {  	s1 =	sld [smem:$0x3FAD]  }
0x28: {  	s2 =	sld [smem:$0x3FAE]  }
0x29: {  	s4 =	sld [smem:$0x3FB0]  }
0x2a: {  	p0 =	seq.s32 s5, $0x0;
	s5 =	sld [smem:$0x3FB1]  }
0x2b: {  	s6 =	sld [smem:$0x3FB2]  }
0x2c: {  	s7 =	sld [smem:$0x3FB3]  }
0x2d: {  	s3 =	simm.s32 $0x108;
	s8 =	sld [smem:$0x3FB4]  }
0x2e: {  	s3 =	simm.s32 @!p0 $0x1082;
	s9 =	sld [smem:$0x3FB5]  }
0x2f: {  	lr =	sadd.s32 s0, s3;
	s0 =	sld [smem:$0x3FAC]  }
0x30: {  	s3 =	sld [smem:$0x3FAF]  }
0x31: {  	[smem:$0x3FB8] =	sst s10  }
0x32: {  	s10 =	sld [smem:$0x3FB6];
	_ =	sdelay $0x3  }
0x33: {  	p0 =	seq.s32 s10, $0x1;
	s10 =	sld [smem:$0x3FB8];
	_ =	sdelay $0x3  }
0x34: {  	[smem:$0x3FB8] =	sst s10  }
0x35: {  	s10 =	sld [smem:$0x3FB7];
	_ =	sdelay $0x3  }
0x36: {  	p1 =	seq.s32 s10, $0x1;
	s10 =	sld [smem:$0x3FB8];
	_ =	sdelay $0x3  }
0x37: {  	[smem:$0x3FB8] =	sst s10  }
0x38: {  	s10 =	sld [smem:$0x3FB9]  }
0x39: {  	_ = 	snop;
	(pc) =	sbr.ind lr, $3  }
0x3a: {  	_ = 	snop  }
0x3b: {  	_ = 	snop  }
0x3c: {  	p2 =	seq.s32 s10, $0x1;
	s10 =	sld [smem:$0x3FB8]  }
0x3d: {  	_ =	shalt  }
0x3e: {  	_ =	shalt  }
0x3f: {  	_ =	shalt  }
0x40: {  	_ =	shalt  }
0x41: {  	_ =	shalt  }
0x42: {  	_ =	shalt  }
0x43: {  	_ =	shalt  }
0x44: {  	_ =	shalt  }
0x45: {  	_ =	shalt  }
0x46: {  	_ =	shalt  }
0x47: {  	_ =	shalt  }
0x48: {  	_ =	shalt  }
0x49: {  	_ =	shalt  }
0x4a: {  	_ =	shalt  }
0x4b: {  	_ =	shalt  }
0x4c: {  	_ =	shalt  }
0x4d: {  	_ =	shalt  }
0x4e: {  	_ =	shalt  }
0x4f: {  	_ =	shalt  }
0x50: {  	_ =	shalt  }
0x51: {  	_ =	shalt  }
0x52: {  	_ =	shalt  }
0x53: {  	_ =	shalt  }
0x54: {  	_ =	shalt  }
0x55: {  	_ =	shalt  }
0x56: {  	_ =	shalt  }
0x57: {  	_ =	shalt  }
0x58: {  	_ =	shalt  }
0x59: {  	_ =	shalt  }
0x5a: {  	_ =	shalt  }
0x5b: {  	_ =	shalt  }
0x5c: {  	_ =	shalt  }
0x5d: {  	_ =	shalt  }
0x5e: {  	_ =	shalt  }
0x5f: {  	_ =	shalt  }
0x60: {  	_ =	shalt  }
0x61: {  	_ =	shalt  }
0x62: {  	_ =	shalt  }
0x63: {  	_ =	shalt  }
0x64: {  	_ =	shalt  }
0x65: {  	_ =	shalt  }
0x66: {  	_ =	shalt  }
0x67: {  	_ =	shalt  }
0x68: {  	_ =	shalt  }
0x69: {  	_ =	shalt  }
0x6a: {  	_ =	shalt  }
0x6b: {  	_ =	shalt  }
0x6c: {  	_ =	shalt  }
0x6d: {  	_ =	shalt  }
0x6e: {  	_ =	shalt  }
0x6f: {  	_ =	shalt  }
0x70: {  	_ =	shalt  }
0x71: {  	_ =	shalt  }
0x72: {  	_ =	shalt  }
0x73: {  	_ =	shalt  }
0x74: {  	_ =	shalt  }
0x75: {  	_ =	shalt  }
0x76: {  	_ =	shalt  }
0x77: {  	_ =	shalt  }
0x78: {  	_ =	shalt  }
0x79: {  	_ =	shalt  }
0x7a: {  	_ =	shalt  }
0x7b: {  	_ =	shalt  }
0x7c: {  	_ =	shalt  }
0x7d: {  	_ =	shalt  }
0x7e: {  	_ =	shalt  }
0x7f: {  	_ =	shalt  }
0x80: {  	_ =	shalt  }
0x81: {  	_ =	shalt  }
0x82: {  	_ =	shalt  }
0x83: {  	_ =	shalt  }
0x84: {  	_ =	shalt  }
0x85: {  	_ =	shalt  }
0x86: {  	_ =	shalt  }
0x87: {  	_ =	shalt  }
.Lfunc_end0:
.L_simem_size_0:
called_computation_lowered:
.L_overlay_start_0:
0x88: {  	s2 =	sld [smem:$0x3FD9]  }
0x89: {  	s3 =	sld [smem:$0x3FFE];
	_ =	sdelay $0x1  }
0x8a: {  	s1 =	srdreg.scid  }
0x8b: {  	s0 =	sand.u32 $0x1, s1  }
0x8c: {  	s17 =	sshll.u32 s0, $0xA;
	s2 =	sadd.s32 s3, s2  }
0x8d: {  	s2 =	sadd.s32 s2, s17  }
0x8e: {  	[smem:$0x3FC4] =	sst s2  }
0x8f: {  	_ = 	snop  }
0x90: {  	s2 =	sld [smem:$0x3FC6]  }
0x91: {  	s18 =	sld [smem:$0x3FD0];
	(tm) =	ssettm $0x1  }
0x92: {  	s4 =	sld [smem:$0x3FFB];
	_ =	sdelay $0x3  }
0x93: {  	_ =	strace s4  }
0x94: {  	s4 =	sld [smem:$0x3FFC];
	_ =	sdelay $0x3  }
0x95: {  	_ =	strace s4  }
0x96: {  	s4 =	sld [smem:$0x3FFD];
	_ =	sdelay $0x3  }
0x97: {  	_ =	strace s4  }
0x98: {  	_ =	strace $0x8FFFFFFF  }
0x99: {  	s19 =	sld [smem:$0x3FDB];
	_ =	sdelay $0x1  }
0x9a: {  	s5 =	simm.s32 $_scs_section_size  }
0x9b: {  	s6 =	simm.s32 $_size__tile_overlayer_lowered;
	s7 =	simm.s32 $_tile_overlayer_lowered  }
0x9c: {  	s22 =	simm.s32 $0x1BFF;
	s21 =	sshll.u32 s7, $0x1;
	s4 =	sadd.s32 s5, s19  }
0x9d: {  	s8 =	simm.s32 $0x0;
	s20 =	sshll.u32 s6, $0x1;
	s6 =	sadd.s32 s21, s4  }
0x9e: {  	[timem:s8], [sflag:s22] =	dma.local [hbm:s6], s20  }
0x9f: {  	_ =	swait.ge [sflag:s22], s20  }
0xa0: {  	s5 =	ssub.s32 $0x0, s20;
	[sflag:s22] =	ssyncset.done $0x0  }
0xa1: {  	[sflag:s22] =	ssyncadd.s32 s5;
	_ =	sdelay $0x1  }
0xa2: {  	s23 =	simm.s32 $0x1B8B  }
0xa3: {  	_ =	swait.ge [sflag:s23], $0x1  }
0xa4: {  	[sflag:s23] =	ssyncset.done $0x0  }
0xa5: {  	s25 =	simm.s32 $0x1B8E;
	s24 =	sld [smem:$0x3FFE];
	[sflag:s23] =	ssyncadd.s32 $0xFFFFFFFF  }
0xa6: {  	s26 =	simm.s32 $execute0_lowered;
	[smem:$0x3FD2] =	sst s25  }
0xa7: {  	s6 =	sshll.u32 s26, $0x1;
	_ =	strace $0x80000046;
	[dreg:$0x1] =	wrdreg $0xFFFFFFFF  }
0xa8: {  	s28 =	simm.s32 $_size_execute0_lowered;
	s4 =	sadd.s32 s4, s6;
	[dreg:$0x0] =	wrdreg $0x0  }
0xa9: {  	s6 =	sshll.u32 s28, $0x1;
	[dreg:$0x2] =	wrdreg s4  }
0xaa: {  	[dreg:$0x3] =	wrdreg s6  }
0xab: {  	[dreg:$0x4] =	wrdreg $0xC0  }
0xac: {  	_ =	task [dreg:s8], $0x5FFFF  }
0xad: {  	[dreg:$0x1] =	wrdreg $0xFFFFFFFF  }
0xae: {  	[dreg:$0x0] =	wrdreg $0x60  }
0xaf: {  	[dreg:$0x2] =	wrdreg s24  }
0xb0: {  	[dreg:$0x3] =	wrdreg s2  }
0xb1: {  	[dreg:$0x4] =	wrdreg s18  }
0xb2: {  	[dreg:$0x5] =	wrdreg $0x0  }
0xb3: {  	[dreg:$0x6] =	wrdreg $0x9  }
0xb4: {  	_ =	task.clear_ibuf [dreg:s8], $0x7FFFF;
	_ =	strace $0x90000046  }
0xb5: {  	s29 =	simm.s32 $0x9;
	_ =	strace $0x80000048  }
0xb6: {  	_ =	swait.ge [sflag:s29], $0x1  }
0xb7: {  	[sflag:s29] =	ssyncadd.s32 $0xFFFFFFFF  }
0xb8: {  	_ =	strace $0x90000048  }
0xb9: {  	_ =	sfence  }
0xba: {  	s30 =	sld [smem:$0x0];
	_ =	sdelay $0x2  }
0xbb: {  	s31 =	sshll.u32 s1, $0xD;
	s1 =	sshrl.u32 s1, $0x2  }
0xbc: {  	s3 =	sand.u32 $0x4000, s31;
	s1 =	sadd.s32 s1, s30  }
0xbd: {  	s0 =	sor.u32 s3, s0;
	s1 =	sshll.u32 s1, $0x11  }
0xbe: {  	s0 =	sor.u32 s1, s0  }
0xbf: {  	s0 =	sadd.s32 $0x8F2B, s0  }
0xc0: {  	[sflag:s0] =	ssyncadd.remote.s32 $0x1  }
0xc1: {  	_ =	sfence.sel $0xFFFF  }
0xc2: {  	[dreg:$0x0] =	wrdreg $0xFFFFFFFF;
	(pc) =	sbr.abs _section_cstart, $3  }
0xc3: {  	[dreg:$0x1] =	wrdreg $0xFFFFFFFF  }
0xc4: {  	_ =	task.clear_ibuf [dreg:s8], $0x2FFFF;
	_ =	strace $0x9FFFFFFF  }
0xc5: {  	(tm) =	ssettm $0x7FFFFFFF  }
tec
execute0_lowered:
.L_overlay_start_1:
0x0: {  	(tag) =	ssettag $0x1  }
0x1: {  	s0 =	rddreg [dreg:$0x0]  }
0x2: {  	s2 =	rddreg [dreg:$0x2]  }
0x3: {  	s3 =	rddreg [dreg:$0x3]  }
0x4: {  	s5 =	simm.s32 $0x0;
	s1 =	srdreg.scid;
	s4 =	stileid.u32  }
0x5: {  	s30 =	simm.s32 $0x7;
	s31 =	simm.s32 $0x13C80;
	[smem:$0x7FF] =	sst s5  }
0x6: {  	s6 =	sadd.s32 $0x28400, s0;
	s1 =	sand.u32 $0x1, s1;
	s11 =	smul.u32 $0x4E20, s4  }
0x7: {  	s7 =	sadd.s32 $0x14A00, s0;
	s13 =	smul.u32 $0xA000, s4;
	s8 =	sadd.s32 $0x1000, s0  }
0x8: {  	s10 =	sadd.s32 $0x76600, s0;
	p0 =	sgt.u32 s4, $0xC;
	_ =	strace $0x80000047  }
0x9: {  	s12 =	ssub.s32 $0x2, s1;
	s9 =	smul.u32 $0x4E200, s1;
	s28 =	sshrl.u32 s13, $0x2  }
0xa: {  	s15 =	smul.u32 $0x2710, s1;
	s14 =	sshrl.u32 s12, $0x1;
	s29 =	sadd.s32 s28, s3  }
0xb: {  	s13 =	simm.s32 $0x3;
	s16 =	sadd.s32 $0x28000, s29;
	[dreg:$0x5] =	wrdreg s29  }
0xc: {  	s26 =	ssub.s32 s12, s14;
	s17 =	sadd.s32 $0x50000, s29;
	[dreg:$0x6] =	wrdreg s16  }
0xd: {  	s12 =	sadd.s32 s11, s9;
	s19 =	sadd.s32 $0x78000, s29;
	[dreg:$0x7] =	wrdreg s17  }
0xe: {  	s23 =	sshrl.u32 s9, $0x3;
	s20 =	sadd.s32 $0xA0000, s29;
	[dreg:$0x8] =	wrdreg s19  }
0xf: {  	s14 =	simm.s32 $0x2;
	s24 =	sadd.s32 s8, s23;
	[dreg:$0x9] =	wrdreg s20  }
0x10: {  	v0 =	vmov s15;
	s15 =	simm.s32 $0x5;
	s25 =	sadd.s32 s7, s23;
	[dreg:$0xe] =	wrdreg s24  }
0x11: {  	s18 =	sshrl.u32 s12, $0x3;
	s0 =	smax.u32 s26, $0x1;
	[dreg:$0xf] =	wrdreg s25  }
0x12: {  	s26 =	sadd.s32 $0xC8000, s29;
	s28 =	sadd.s32 $0xF0000, s29;
	[dreg:$0x10] =	wrdreg s0  }
0x13: {  	s29 =	sadd.s32 $0x118000, s29;
	s23 =	simm.s32 $0x16480;
	[dreg:$0x11] =	wrdreg s26  }
0x14: {  	s21 =	sadd.s32 s7, s18;
	s22 =	sadd.s32 s8, s18;
	[dreg:$0x12] =	wrdreg s28  }
0x15: {  	s11 =	sadd.s32 $0xA, s18;
	[dreg:$0x13] =	wrdreg s29;
	s24 =	simm.s32 $0x1  }
.Ltmp0:
0x16: {  	s17 =	simm.s32 $0x4;
	[dreg:$0xa] =	wrdreg s21;
	(pc) =	sbr.rel .LBB2_1-.Ltmp0, $4  }
0x17: {  	s18 =	simm.s32 $0x1AF00;
	s19 =	simm.s32 $0x8;
	[dreg:$0xb] =	wrdreg s22  }
0x18: {  	s16 =	sadd.s32 s7, s11;
	s11 =	sadd.s32 s8, s11;
	s22 =	smul.u32 $0x138800, s1  }
0x19: {  	v3 =	vlaneseq.u32;
	v2 =	vimm.f32 $0.0e+00;
	s1 =	simm.s32 $0x6;
	s21 =	simm.s32 $0x50;
	[dreg:$0xc] =	wrdreg s16  }
0x1a: {  	v4 =	vimm.f32 $1.000000000e+00;
	v1 =	vmov s4;
	v3 =	vor.u32 $0x280, v3;
	[dreg:$0xd] =	wrdreg s11;
	s16 =	simm.s32 $0x18C80;
	s11 =	simm.s32 $0x0  }
.LBB2_29:
0x1b: {  	s11 =	rddreg [dreg:$0x14]  }
0x1c: {  	s0 =	rddreg [dreg:$0x10];
	s11 =	sadd.s32 $0x1, s11  }
0x1d: {  	p1 =	sne.s32 s11, s0  }
.Ltmp1:
0x1e: {  	_ = 	snop;
	(pc) =	sbr.rel @!p1 .LBB2_30-.Ltmp1, $1  }
0x1f: {  	_ =	sdelay $0x3  }
.LBB2_1:
0x20: {  	[dreg:$0x14] =	wrdreg s11  }
0x21: {  	s0 =	rddreg [dreg:$0x1];
	s29 =	simm.s32 $0x1B700  }
0x22: {  	[tilespmem:s29], [sflag:$0x7] =	stream.linear.gather [hbm4b:s0+s5], $0x80, $0x38;
	[tilespmem:$0x1B780] =	vst v63  }
0x23: {  	_ =	swait.ge [sflag:s30], $0x80  }
0x24: {  	[sflag:s30] =	ssyncset.done $0x0  }
0x25: {  	s11 =	simm.s32 $0x200;
	s0 =	simm.s32 $0x0;
	[sflag:s30] =	ssyncadd.s32 $0xFFFFFF80  }
.LBB2_2:
0x26: {  	p1 =	sne.s32 s11, $0x9E00;
	[tilespmem:s0+$0x13CF0] =	vst v2  }
0x27: {  	[tilespmem:s0+$0x13C80] =	vst v2  }
0x28: {  	[tilespmem:s0+$0x13C90] =	vst v2  }
.Ltmp2:
0x29: {  	[tilespmem:s0+$0x13CA0] =	vst v2;
	(pc) =	sbr.rel @p1 .LBB2_2-.Ltmp2, $4  }
0x2a: {  	[tilespmem:s0+$0x13CB0] =	vst v2  }
0x2b: {  	[tilespmem:s0+$0x13CC0] =	vst v2  }
0x2c: {  	[tilespmem:s0+$0x13CD0] =	vst v2  }
0x2d: {  	[tilespmem:s0+$0x13CE0] =	vst v2;
	s0 =	sshra.s32 s11, $0x2;
	s11 =	sadd.s32 $0x200, s11  }
0x2e: {  	[tilespmem:s0+$0x13CF0] =	vst v2  }
0x2f: {  	[tilespmem:s0+$0x13C80] =	vst v2  }
0x30: {  	[tilespmem:s0+$0x13C90] =	vst v2  }
0x31: {  	[tilespmem:s0+$0x13CA0] =	vst v2  }
0x32: {  	[tilespmem:s0+$0x13CB0] =	vst v2  }
0x33: {  	[tilespmem:s0+$0x13CC0] =	vst v2  }
0x34: {  	[tilespmem:s0+$0x13CD0] =	vst v2  }
0x35: {  	[tilespmem:s0+$0x13CE0] =	vst v2;
	s26 =	rddreg [dreg:$0x5]  }
0x36: {  	[spmem:s26] =	stream.linear.scatter [tilespmem:s31], [sflag:$0x7], $0x2800, $0x38;
	[tilespmem:$0x1B780] =	vst v63  }
0x37: {  	_ =	swait.ge [sflag:s30], $0x2800  }
0x38: {  	[sflag:s30] =	ssyncset.done $0x0  }
0x39: {  	s28 =	rddreg [dreg:$0x6];
	[sflag:s30] =	ssyncadd.s32 $0xFFFFD800  }
0x3a: {  	[spmem:s28] =	stream.linear.scatter [tilespmem:s31], [sflag:$0x7], $0x2800, $0x38;
	[tilespmem:$0x1B780] =	vst v63  }
0x3b: {  	_ =	swait.ge [sflag:s30], $0x2800  }
0x3c: {  	[sflag:s30] =	ssyncset.done $0x0  }
0x3d: {  	s29 =	rddreg [dreg:$0x7];
	[sflag:s30] =	ssyncadd.s32 $0xFFFFD800  }
0x3e: {  	[spmem:s29] =	stream.linear.scatter [tilespmem:s31], [sflag:$0x7], $0x2800, $0x38;
	[tilespmem:$0x1B780] =	vst v63  }
0x3f: {  	_ =	swait.ge [sflag:s30], $0x2800  }
0x40: {  	[sflag:s30] =	ssyncset.done $0x0  }
0x41: {  	s11 =	rddreg [dreg:$0x8];
	[sflag:s30] =	ssyncadd.s32 $0xFFFFD800  }
0x42: {  	[spmem:s11] =	stream.linear.scatter [tilespmem:s31], [sflag:$0x7], $0x2800, $0x38;
	[tilespmem:$0x1B780] =	vst v63  }
0x43: {  	_ =	swait.ge [sflag:s30], $0x2800  }
0x44: {  	[sflag:s30] =	ssyncset.done $0x0  }
0x45: {  	s20 =	rddreg [dreg:$0x9];
	[sflag:s30] =	ssyncadd.s32 $0xFFFFD800  }
0x46: {  	[spmem:s20] =	stream.linear.scatter [tilespmem:s31], [sflag:$0x7], $0x2800, $0x38;
	[tilespmem:$0x1B780] =	vst v63  }
0x47: {  	_ =	swait.ge [sflag:s30], $0x2800  }
0x48: {  	[sflag:s30] =	ssyncset.done $0x0  }
0x49: {  	s25 =	rddreg [dreg:$0x11];
	[sflag:s30] =	ssyncadd.s32 $0xFFFFD800  }
0x4a: {  	[spmem:s25] =	stream.linear.scatter [tilespmem:s31], [sflag:$0x7], $0x2800, $0x38;
	[tilespmem:$0x1B780] =	vst v63  }
0x4b: {  	_ =	swait.ge [sflag:s30], $0x2800  }
0x4c: {  	[sflag:s30] =	ssyncset.done $0x0  }
0x4d: {  	s26 =	rddreg [dreg:$0x12];
	[sflag:s30] =	ssyncadd.s32 $0xFFFFD800  }
0x4e: {  	[spmem:s26] =	stream.linear.scatter [tilespmem:s31], [sflag:$0x7], $0x2800, $0x38;
	[tilespmem:$0x1B780] =	vst v63  }
0x4f: {  	_ =	swait.ge [sflag:s30], $0x2800  }
0x50: {  	[sflag:s30] =	ssyncset.done $0x0  }
0x51: {  	s0 =	simm.s32 @!p0 $0x13C80;
	s11 =	rddreg [dreg:$0x13];
	[sflag:s30] =	ssyncadd.s32 $0xFFFFD800  }
0x52: {  	[spmem:s11] =	stream.linear.scatter @!p0 [tilespmem:s0], [sflag:$0x7], $0x2800, $0x38;
	[tilespmem:$0x1B780] =	vst v63  }
0x53: {  	s0 =	simm.s32 @!p0 $0x7  }
0x54: {  	_ =	swait.ge @!p0 [sflag:s0], $0x2800  }
0x55: {  	[sflag:s0] =	ssyncset.done @!p0 $0x0  }
0x56: {  	[sflag:s0] =	ssyncadd.s32 @!p0 $0xFFFFD800  }
0x57: {  	[tilespmem:$0x18C80] =	vst v2  }
0x58: {  	[tilespmem:$0x18C90] =	vst v2  }
0x59: {  	[tilespmem:$0x18CA0] =	vst v2  }
0x5a: {  	[tilespmem:$0x18CB0] =	vst v2  }
0x5b: {  	[tilespmem:$0x18CC0] =	vst v2  }
0x5c: {  	[tilespmem:$0x18CD0] =	vst v2  }
0x5d: {  	[tilespmem:$0x18CE0] =	vst v2  }
0x5e: {  	[tilespmem:$0x18CF0] =	vst v2  }
0x5f: {  	[tilespmem:$0x18D00] =	vst v2  }
0x60: {  	[tilespmem:$0x18D10] =	vst v2  }
0x61: {  	[tilespmem:$0x18D20] =	vst v2  }
0x62: {  	[tilespmem:$0x18D30] =	vst v2  }
0x63: {  	[tilespmem:$0x18D40] =	vst v2  }
0x64: {  	[tilespmem:$0x18D50] =	vst v2  }
0x65: {  	[tilespmem:$0x18D60] =	vst v2  }
0x66: {  	[tilespmem:$0x18D70] =	vst v2  }
0x67: {  	[tilespmem:$0x18D80] =	vst v2  }
0x68: {  	[tilespmem:$0x18D90] =	vst v2  }
0x69: {  	[tilespmem:$0x18DA0] =	vst v2  }
0x6a: {  	[tilespmem:$0x18DB0] =	vst v2  }
0x6b: {  	[tilespmem:$0x18DC0] =	vst v2  }
0x6c: {  	[tilespmem:$0x18DD0] =	vst v2  }
0x6d: {  	[tilespmem:$0x18DE0] =	vst v2  }
0x6e: {  	[tilespmem:$0x18DF0] =	vst v2  }
0x6f: {  	[tilespmem:$0x18E00] =	vst v2  }
0x70: {  	[tilespmem:$0x18E10] =	vst v2  }
0x71: {  	[tilespmem:$0x18E20] =	vst v2  }
0x72: {  	[tilespmem:$0x18E30] =	vst v2  }
0x73: {  	[tilespmem:$0x18E40] =	vst v2  }
0x74: {  	[tilespmem:$0x18E50] =	vst v2  }
0x75: {  	[tilespmem:$0x18E60] =	vst v2  }
0x76: {  	[tilespmem:$0x18E70] =	vst v2  }
0x77: {  	[tilespmem:$0x18E80] =	vst v2  }
0x78: {  	[tilespmem:$0x18E90] =	vst v2  }
0x79: {  	[tilespmem:$0x18EA0] =	vst v2  }
0x7a: {  	[tilespmem:$0x18EB0] =	vst v2  }
0x7b: {  	[tilespmem:$0x18EC0] =	vst v2  }
0x7c: {  	[tilespmem:$0x18ED0] =	vst v2  }
0x7d: {  	[tilespmem:$0x18EE0] =	vst v2  }
0x7e: {  	[tilespmem:$0x18EF0] =	vst v2  }
0x7f: {  	[tilespmem:$0x18F00] =	vst v2  }
0x80: {  	[bflag:$0x0] =	sbarrier.arrive $0xFFFF  }
0x81: {  	s20 =	simm.s32 $0x13880;
	s0 =	simm.s32 $0x0;
	s28 =	rddreg [dreg:$0xa]  }
0x82: {  	[tilespmem:s20], [sflag:$0x6] =	stream.linear.gather [hbm4b:s28+s0], $0x50, $0x38;
	[tilespmem:$0x1B780] =	vst v63  }
0x83: {  	_ =	swait.ge [sflag:s1], $0x50  }
0x84: {  	[sflag:s1] =	ssyncset.done $0x0  }
0x85: {  	s25 =	simm.s32 $0x13A80;
	s29 =	rddreg [dreg:$0xb];
	[sflag:s1] =	ssyncadd.s32 $0xFFFFFFB0  }
0x86: {  	[tilespmem:s25], [sflag:$0x6] =	stream.linear.gather [hbm4b:s29+s0], $0x50, $0x38;
	[tilespmem:$0x1B780] =	vst v63  }
0x87: {  	_ =	swait.ge [sflag:s1], $0x50  }
0x88: {  	[sflag:s1] =	ssyncset.done $0x0  }
0x89: {  	[sflag:s1] =	ssyncadd.s32 $0xFFFFFFB0  }
0x8a: {  	v5 =	vld [tilespmem:$0x13880]  }
0x8b: {  	v6 =	vld [tilespmem:$0x13890]  }
0x8c: {  	v7 =	vld [tilespmem:$0x138A0]  }
0x8d: {  	v8 =	vld [tilespmem:$0x138B0]  }
0x8e: {  	v9 =	vld [tilespmem:$0x138C0]  }
0x8f: {  	v5 =	vadd.s32 v0, v5  }
0x90: {  	[tilespmem:$0x13880] =	vst v5;
	v5 =	vadd.s32 v0, v6  }
0x91: {  	[tilespmem:$0x13890] =	vst v5;
	v5 =	vadd.s32 v0, v7  }
0x92: {  	[tilespmem:$0x138A0] =	vst v5;
	v5 =	vadd.s32 v0, v8  }
0x93: {  	[tilespmem:$0x138B0] =	vst v5;
	v5 =	vadd.s32 v0, v9  }
0x94: {  	s28 =	simm.s32 $0x13900;
	s26 =	rddreg [dreg:$0xc];
	[tilespmem:$0x138C0] =	vst v5  }
0x95: {  	[tilespmem:s28], [sflag:$0x6] =	stream.linear.gather [hbm4b:s26+s0], $0x50, $0x38;
	[tilespmem:$0x1B780] =	vst v63  }
0x96: {  	_ =	swait.ge [sflag:s1], $0x50  }
0x97: {  	[sflag:s1] =	ssyncset.done $0x0  }
0x98: {  	s26 =	simm.s32 $0x13B00;
	s29 =	rddreg [dreg:$0xd];
	[sflag:s1] =	ssyncadd.s32 $0xFFFFFFB0  }
0x99: {  	[tilespmem:s26], [sflag:$0x6] =	stream.linear.gather [hbm4b:s29+s0], $0x50, $0x38;
	[tilespmem:$0x1B780] =	vst v63  }
0x9a: {  	_ =	swait.ge [sflag:s1], $0x50  }
0x9b: {  	[sflag:s1] =	ssyncset.done $0x0  }
0x9c: {  	[sflag:s1] =	ssyncadd.s32 $0xFFFFFFB0  }
0x9d: {  	v5 =	vld [tilespmem:$0x13900]  }
0x9e: {  	v6 =	vld [tilespmem:$0x13910]  }
0x9f: {  	v7 =	vld [tilespmem:$0x13920]  }
0xa0: {  	v62 =	vld [tilespmem:$0x13930]  }
0xa1: {  	v63 =	vld [tilespmem:$0x13940]  }
0xa2: {  	v5 =	vadd.s32 v0, v5  }
0xa3: {  	[tilespmem:$0x13900] =	vst v5;
	v5 =	vadd.s32 v0, v6  }
0xa4: {  	[tilespmem:$0x13910] =	vst v5;
	v5 =	vadd.s32 v0, v7  }
0xa5: {  	[tilespmem:$0x13920] =	vst v5;
	v5 =	vadd.s32 v0, v62  }
0xa6: {  	[tilespmem:$0x13930] =	vst v5;
	v5 =	vadd.s32 v0, v63  }
0xa7: {  	[tilespmem:$0x13940] =	vst v5  }
0xa8: {  	[tilespmem:s31], [sflag:$0x1] =	stream.indirect.gather [hbm4b:s6+s21], $0x80, s20, s21, $0xb8;
	[tilespmem:$0x1B780] =	vst v63  }
.Ltmp3:
0xa9: {  	_ = 	snop;
	(pc) =	sbr.rel .LBB2_4-.Ltmp3, $4  }
0xaa: {  	_ = 	snop  }
0xab: {  	[tilespmem:s23], [sflag:$0x2] =	stream.indirect.gather [hbm4b:s6+s21], $0x80, s28, s21, $0xb8;
	[tilespmem:$0x1B780] =	vst v63  }
0xac: {  	s29 =	simm.s32 $0x18F80;
	s28 =	rddreg [dreg:$0xe]  }
0xad: {  	[tilespmem:s29], [sflag:$0x5] =	stream.linear.gather [hbm4b:s28+s0], $0xFA0, $0x38;
	[tilespmem:$0x1B780] =	vst v63  }
.LBB2_5:
0xae: {  	s0 =	sadd.s32 $0x1, s0  }
.LBB2_8:
0xaf: {  	_ =	swait.ge [sflag:s17], $0x2800  }
0xb0: {  	[sflag:s17] =	ssyncset.done $0x0  }
0xb1: {  	[sflag:s17] =	ssyncadd.s32 $0xFFFFD800  }
0xb2: {  	_ =	swait.ge [sflag:s1], $0x50  }
0xb3: {  	[sflag:s1] =	ssyncset.done $0x0  }
0xb4: {  	[sflag:s1] =	ssyncadd.s32 $0xFFFFFFB0  }
0xb5: {  	_ =	swait.ge [sflag:s1], $0x50  }
0xb6: {  	[sflag:s1] =	ssyncset.done $0x0  }
0xb7: {  	[sflag:s1] =	ssyncadd.s32 $0xFFFFFFB0  }
0xb8: {  	v5 =	vld [tilespmem:s11+$0x13880]  }
0xb9: {  	v6 =	vld [tilespmem:s11+$0x13890]  }
0xba: {  	v7 =	vld [tilespmem:s11+$0x138A0]  }
0xbb: {  	v8 =	vld [tilespmem:s11+$0x138B0]  }
0xbc: {  	v9 =	vld [tilespmem:s11+$0x138C0]  }
0xbd: {  	v5 =	vadd.s32 v0, v5  }
0xbe: {  	p1 =	sne.s32 s0, $0x7D;
	[tilespmem:s11+$0x13880] =	vst v5;
	v5 =	vadd.s32 v0, v6  }
.Ltmp4:
0xbf: {  	[tilespmem:s11+$0x13890] =	vst v5;
	v5 =	vadd.s32 v0, v7;
	(pc) =	sbr.rel @!p1 .LBB2_9-.Ltmp4, $4  }
0xc0: {  	[tilespmem:s11+$0x138A0] =	vst v5;
	v5 =	vadd.s32 v0, v8  }
0xc1: {  	[tilespmem:s11+$0x138B0] =	vst v5;
	v5 =	vadd.s32 v0, v9  }
0xc2: {  	[tilespmem:s11+$0x138C0] =	vst v5  }
0xc3: {  	[tilespmem:s23], [sflag:$0x2] =	stream.indirect.gather [hbm4b:s6+s21], $0x80, s25, s21, $0xb8;
	[tilespmem:$0x1B780] =	vst v63  }
.LBB2_4:
0xc4: {  	s11 =	sshll.u32 s0, $0x1;
	_ =	swait.ge [sflag:s24], $0x2800;
	s25 =	sshll.u32 s0, $0x8  }
0xc5: {  	[sflag:s24] =	ssyncset.done $0x0;
	s26 =	sand.u32 $0x100, s25;
	s11 =	sadd.s32 $0x2, s11  }
0xc6: {  	[sflag:s24] =	ssyncadd.s32 $0xFFFFD800;
	s28 =	sor.u32 $0x13A80, s26;
	s29 =	smul.u32 $0x50, s11  }
0xc7: {  	[spmem:s3] =	stream.indirect.scatter.add.f32 [tilespmem:s31], [sflag:$0x3], $0x80, s28, s21, $0xb8;
	[tilespmem:$0x1B780] =	vst v63  }
0xc8: {  	s28 =	sadd.s32 s12, s29  }
0xc9: {  	p1 =	slt.s32 s28, $0x9C3B0  }
0xca: {  	s11 =	sshll.u32 s11, $0x7;
	s28 =	simm.s32 @!p1 $0x9C3B0  }
0xcb: {  	s11 =	sand.u32 $0x100, s11;
	s28 =	sshrl.u32 s28, $0x3  }
0xcc: {  	s29 =	sor.u32 $0x13880, s11;
	s20 =	sadd.s32 s7, s28  }
0xcd: {  	[tilespmem:s29], [sflag:$0x6] =	stream.linear.gather [hbm4b:s20+s5], $0x50, $0x38;
	[tilespmem:$0x1B780] =	vst v63  }
0xce: {  	s28 =	sadd.s32 s8, s28;
	s20 =	sor.u32 $0x13A80, s11  }
0xcf: {  	[tilespmem:s20], [sflag:$0x6] =	stream.linear.gather [hbm4b:s28+s5], $0x50, $0x38;
	[tilespmem:$0x1B780] =	vst v63  }
0xd0: {  	_ =	swait.ge [sflag:s13], $0x2800  }
0xd1: {  	[sflag:s13] =	ssyncset.done $0x0  }
0xd2: {  	[sflag:s13] =	ssyncadd.s32 $0xFFFFD800  }
0xd3: {  	_ =	swait.ge [sflag:s1], $0x50  }
0xd4: {  	[sflag:s1] =	ssyncset.done $0x0  }
0xd5: {  	[sflag:s1] =	ssyncadd.s32 $0xFFFFFFB0  }
0xd6: {  	_ =	swait.ge [sflag:s1], $0x50  }
0xd7: {  	[sflag:s1] =	ssyncset.done $0x0  }
0xd8: {  	[sflag:s1] =	ssyncadd.s32 $0xFFFFFFB0  }
0xd9: {  	v5 =	vld [tilespmem:s11+$0x13880]  }
0xda: {  	v6 =	vld [tilespmem:s11+$0x13890]  }
0xdb: {  	v7 =	vld [tilespmem:s11+$0x138A0]  }
0xdc: {  	v8 =	vld [tilespmem:s11+$0x138B0]  }
0xdd: {  	v9 =	vld [tilespmem:s11+$0x138C0]  }
0xde: {  	v5 =	vadd.s32 v0, v5  }
0xdf: {  	[tilespmem:s11+$0x13880] =	vst v5;
	v5 =	vadd.s32 v0, v6  }
0xe0: {  	[tilespmem:s11+$0x13890] =	vst v5;
	v5 =	vadd.s32 v0, v7  }
0xe1: {  	[tilespmem:s11+$0x138A0] =	vst v5;
	v5 =	vadd.s32 v0, v8  }
0xe2: {  	[tilespmem:s11+$0x138B0] =	vst v5;
	v5 =	vadd.s32 v0, v9  }
0xe3: {  	[tilespmem:s11+$0x138C0] =	vst v5  }
0xe4: {  	[tilespmem:s31], [sflag:$0x1] =	stream.indirect.gather [hbm4b:s6+s21], $0x80, s29, s21, $0xb8;
	[tilespmem:$0x1B780] =	vst v63  }
0xe5: {  	s29 =	smul.u32 $0xA0, s0  }
0xe6: {  	_ =	swait.ge [sflag:s14], $0x2800  }
0xe7: {  	[sflag:s14] =	ssyncset.done $0x0;
	s20 =	sadd.s32 s12, s29  }
0xe8: {  	s28 =	sadd.s32 $0x13B00, s26;
	[sflag:s14] =	ssyncadd.s32 $0xFFFFD800;
	s20 =	sadd.s32 $0xF0, s20  }
0xe9: {  	[spmem:s3] =	stream.indirect.scatter.add.f32 [tilespmem:s23], [sflag:$0x4], $0x80, s28, s21, $0xb8;
	[tilespmem:$0x1B780] =	vst v63  }
0xea: {  	p1 =	slt.s32 s20, $0x9C3B0  }
0xeb: {  	s26 =	sadd.s32 $0xFFFFFF80, s25;
	s20 =	simm.s32 @!p1 $0x9C3B0;
	p1 =	slt.u32 s0, $0x50  }
.Ltmp5:
0xec: {  	s11 =	sand.u32 $0x180, s26;
	s20 =	sshrl.u32 s20, $0x3;
	(pc) =	sbr.rel @!p1 .LBB2_5-.Ltmp5, $4  }
0xed: {  	s25 =	sadd.s32 $0x13880, s11;
	s28 =	sadd.s32 s7, s20  }
0xee: {  	[tilespmem:s25], [sflag:$0x6] =	stream.linear.gather [hbm4b:s28+s5], $0x50, $0x38;
	[tilespmem:$0x1B780] =	vst v63  }
0xef: {  	s29 =	sadd.s32 $0x13A80, s11;
	s20 =	sadd.s32 s8, s20  }
0xf0: {  	[tilespmem:s29], [sflag:$0x6] =	stream.linear.gather [hbm4b:s20+s5], $0x50, $0x38;
	[tilespmem:$0x1B780] =	vst v63  }
0xf1: {  	s20 =	sand.u32 $0x1, s0;
	s0 =	sadd.s32 $0x1, s0  }
0xf2: {  	s26 =	sand.u32 $0x1, s0;
	s28 =	smin.u32 s0, $0x4F  }
0xf3: {  	s29 =	simm.s32 $0x19F20;
	p1 =	seq.s32 s26, $0x1;
	s28 =	smul.u32 $0xFA0, s28  }
0xf4: {  	s29 =	simm.s32 @!p1 $0x18F80  }
0xf5: {  	p1 =	seq.s32 s20, $0x1;
	s26 =	sadd.s32 s9, s28;
	s28 =	simm.s32 $0x19F40  }
0xf6: {  	s28 =	simm.s32 @!p1 $0x18FA0  }
0xf7: {  	_ =	swait.ge [sflag:s15], $0xFA0;
	v5 =	vmov s28  }
0xf8: {  	[sflag:s15] =	ssyncset.done $0x0;
	s20 =	sshrl.u32 s26, $0x3  }
0xf9: {  	[sflag:s15] =	ssyncadd.s32 $0xFFFFF060;
	s26 =	simm.s32 $0x0;
	s20 =	sadd.s32 s8, s20  }
0xfa: {  	[tilespmem:s29], [sflag:$0x5] =	stream.linear.gather [hbm4b:s20+s26], $0xFA0, $0x38;
	[tilespmem:$0x1B780] =	vst v63  }
.LBB2_7:
0xfb: {  	s20 =	sshra.s32 s26, $0x2  }
0xfc: {  	v6 =	vld.idx.msk [tilespmem:v5+s20+$0xFFFFFFE0 ss:$0x1], $0xffff;
	_ =	sdelay $0x4  }
0xfd: {  	v7 =	vshrl.u32 v6, $0x4  }
0xfe: {  	v6 =	vand.u32 $0xF, v6;
	v8 =	vand.u32 $0xF, v7;
	v7 =	vand.u32 $0xFFFFFF0, v7  }
0xff: {  	vm0 =	veq.s32 v8, v1;
	v6 =	vor.u32 v6, v7  }
0x100: {  	v6 =	vsel vm0, v6, v3;
	_ =	sdelay $0x4  }
0x101: {  	[tilespmem:v6+s16+$0x0] =	vst.idx.add.f32.msk $0xffff, v4  }
0x102: {  	v6 =	vld.idx.msk [tilespmem:v5+s20+$0xFFFFFFF0 ss:$0x1], $0xffff;
	_ =	sdelay $0x4  }
0x103: {  	v7 =	vshrl.u32 v6, $0x4  }
0x104: {  	v6 =	vand.u32 $0xF, v6;
	v60 =	vand.u32 $0xF, v7;
	v7 =	vand.u32 $0xFFFFFF0, v7  }
0x105: {  	vm12 =	veq.s32 v60, v1;
	v6 =	vor.u32 v6, v7  }
0x106: {  	v6 =	vsel vm12, v6, v3;
	_ =	sdelay $0x4  }
0x107: {  	[tilespmem:v6+s16+$0x0] =	vst.idx.add.f32.msk $0xffff, v4  }
0x108: {  	v6 =	vld.idx.msk [tilespmem:v5+s20+$0x0 ss:$0x1], $0xffff;
	_ =	sdelay $0x4  }
0x109: {  	v7 =	vshrl.u32 v6, $0x4  }
0x10a: {  	v6 =	vand.u32 $0xF, v6;
	v61 =	vand.u32 $0xF, v7;
	v7 =	vand.u32 $0xFFFFFF0, v7  }
0x10b: {  	vm13 =	veq.s32 v61, v1;
	v6 =	vor.u32 v6, v7  }
0x10c: {  	v6 =	vsel vm13, v6, v3;
	_ =	sdelay $0x4  }
0x10d: {  	[tilespmem:v6+s16+$0x0] =	vst.idx.add.f32.msk $0xffff, v4  }
0x10e: {  	v6 =	vld.idx.msk [tilespmem:v5+s20+$0x10 ss:$0x1], $0xffff;
	_ =	sdelay $0x4  }
0x10f: {  	v7 =	vshrl.u32 v6, $0x4  }
0x110: {  	v6 =	vand.u32 $0xF, v6;
	v62 =	vand.u32 $0xF, v7;
	v7 =	vand.u32 $0xFFFFFF0, v7  }
0x111: {  	vm14 =	veq.s32 v62, v1;
	v6 =	vor.u32 v6, v7  }
0x112: {  	v6 =	vsel vm14, v6, v3;
	_ =	sdelay $0x4  }
0x113: {  	[tilespmem:v6+s16+$0x0] =	vst.idx.add.f32.msk $0xffff, v4  }
0x114: {  	v6 =	vld.idx.msk [tilespmem:v5+s20+$0x20 ss:$0x1], $0xffff;
	_ =	sdelay $0x4  }
0x115: {  	v7 =	vshrl.u32 v6, $0x4  }
0x116: {  	v6 =	vand.u32 $0xF, v6;
	v63 =	vand.u32 $0xF, v7;
	v7 =	vand.u32 $0xFFFFFF0, v7  }
0x117: {  	vm15 =	veq.s32 v63, v1;
	v6 =	vor.u32 v6, v7  }
0x118: {  	p1 =	sne.s32 s26, $0x3D40;
	v6 =	vsel vm15, v6, v3  }
.Ltmp6:
0x119: {  	_ = 	snop;
	(pc) =	sbr.rel @p1 .LBB2_7-.Ltmp6, $2  }
0x11a: {  	_ =	sdelay $0x2  }
0x11b: {  	s26 =	sadd.s32 $0x140, s26;
	[tilespmem:v6+s16+$0x0] =	vst.idx.add.f32.msk $0xffff, v4  }
.Ltmp7:
0x11c: {  	_ = 	snop;
	(pc) =	sbr.rel .LBB2_8-.Ltmp7, $1  }
0x11d: {  	_ =	sdelay $0x3  }
.LBB2_9:
0x11e: {  	_ =	swait.ge [sflag:s24], $0x2800  }
0x11f: {  	[sflag:s24] =	ssyncset.done $0x0  }
0x120: {  	[sflag:s24] =	ssyncadd.s32 $0xFFFFD800  }
0x121: {  	_ =	swait.ge [sflag:s14], $0x2800  }
0x122: {  	[sflag:s14] =	ssyncset.done $0x0  }
0x123: {  	[sflag:s14] =	ssyncadd.s32 $0xFFFFD800  }
.Ltmp8:
0x124: {  	_ =	swait.ge [sflag:s15], $0xFA0;
	(pc) =	sbr.rel .LBB2_10-.Ltmp8, $4  }
0x125: {  	[sflag:s15] =	ssyncset.done $0x0  }
0x126: {  	[sflag:s15] =	ssyncadd.s32 $0xFFFFF060  }
0x127: {  	[bflag:$0x0] =	sbarrier.arrive $0xFFFF  }
0x128: {  	s0 =	simm.s32 $0x0;
	s25 =	simm.s32 $0x0  }
.LBB2_14:
0x129: {  	s25 =	sadd.s32 $0x1, s25  }
0x12a: {  	p1 =	sne.s32 s25, $0x28  }
.Ltmp9:
0x12b: {  	_ = 	snop;
	(pc) =	sbr.rel @!p1 .LBB2_15-.Ltmp9, $2  }
0x12c: {  	_ =	sdelay $0x2  }
0x12d: {  	s0 =	sadd.s32 $0x10, s0  }
.LBB2_10:
0x12e: {  	s11 =	sshll.u32 s25, $0x4  }
0x12f: {  	s11 =	sor.u32 s4, s11  }
0x130: {  	p1 =	sgt.u32 s11, $0x270  }
.Ltmp10:
0x131: {  	_ = 	snop;
	(pc) =	sbr.rel @p1 .LBB2_14-.Ltmp10, $1  }
0x132: {  	_ =	sdelay $0x3  }
0x133: {  	s26 =	sshll.u32 s11, $0xB  }
0x134: {  	s20 =	sadd.s32 $0x0, s0;
	s11 =	sand.u32 $0x3FFFF800, s26  }
0x135: {  	v5 =	vmov s20;
	s11 =	sadd.s32 s11, s3  }
0x136: {  	[tilespmem:s18], [sflag:$0x8] =	stream.linear.gather [spmem:s11], $0x800, $0x38;
	[tilespmem:$0x1B780] =	vst v63  }
0x137: {  	_ =	swait.ge [sflag:s19], $0x800  }
0x138: {  	[sflag:s19] =	ssyncset.done $0x0  }
0x139: {  	[sflag:s19] =	ssyncadd.s32 $0xFFFFF800  }
0x13a: {  	v5 =	vld.idx.msk [tilespmem:v5+s16+$0x0], $0xffff;
	_ =	sdelay $0x4  }
0x13b: {  	(erf) = vrcp.f32 v5;
	_ =	sdelay $0x1  }
0x13c: {  	s11 =	simm.s32 $0x1AF40  }
0x13d: {  	v6 =	vld [tilespmem:s11+$0xFFFFFFF0]  }
0x13e: {  	v8 =	vld [tilespmem:s11+$0x30]  }
0x13f: {  	v9 =	vld [tilespmem:s11+$0x10]  }
0x140: {  	v7 =	vld [tilespmem:s11+$0xFFFFFFC0]  }
0x141: {  	v10 =	vld [tilespmem:s11+$0xFFFFFFD0]  }
0x142: {  	v11 =	vld [tilespmem:s11+$0xFFFFFFE0]  }
0x143: {  	v13 =	vld [tilespmem:s11+$0x20];
	vm0 =	vgt.f32 v5, $0.0e+00;
	v5 =	vpop (erf)  }
0x144: {  	v12 =	vld [tilespmem:s11+$0x0];
	v14 =	vnsel vm0, $0x0, v5  }
0x145: {  	v7 =	vmul.f32 v14, v7  }
0x146: {  	v10 =	vmul.f32 v10, v14  }
0x147: {  	v11 =	vmul.f32 v11, v14;
	v5 =	vmul.f32 v6, v14;
	[tilespmem:s11+$0xFFFFFFC0] =	vst v7  }
0x148: {  	v6 =	vmul.f32 v9, v14;
	v9 =	vmul.f32 v13, v14;
	[tilespmem:s11+$0xFFFFFFD0] =	vst v10  }
0x149: {  	s29 =	sadd.s32 $0x1, s0;
	s28 =	simm.s32 $0x2;
	v8 =	vmul.f32 v8, v14;
	v7 =	vmul.f32 v12, v14;
	[tilespmem:s11+$0xFFFFFFE0] =	vst v11  }
.LBB2_12:
0x14a: {  	p1 =	sne.s32 s28, $0xF;
	v10 =	vmov s29;
	[tilespmem:s11+$0xFFFFFFF0] =	vst v5  }
0x14b: {  	[tilespmem:s11+$0x0] =	vst v7  }
0x14c: {  	[tilespmem:s11+$0x10] =	vst v6  }
0x14d: {  	[tilespmem:s11+$0x20] =	vst v9  }
0x14e: {  	[tilespmem:s11+$0x30] =	vst v8  }
0x14f: {  	v5 =	vld.idx.msk [tilespmem:v10+s16+$0x0], $0xffff;
	_ =	sdelay $0x5  }
0x150: {  	(erf) = vrcp.f32 v5  }
0x151: {  	s11 =	sadd.s32 $0x80, s11  }
0x152: {  	v6 =	vld [tilespmem:s11+$0xFFFFFFF0]  }
0x153: {  	v8 =	vld [tilespmem:s11+$0x30]  }
0x154: {  	v9 =	vld [tilespmem:s11+$0x10]  }
0x155: {  	v7 =	vld [tilespmem:s11+$0xFFFFFFD0]  }
0x156: {  	v10 =	vld [tilespmem:s11+$0xFFFFFFC0]  }
0x157: {  	v11 =	vld [tilespmem:s11+$0xFFFFFFE0]  }
0x158: {  	v12 =	vld [tilespmem:s11+$0x0]  }
0x159: {  	vm0 =	vgt.f32 v5, $0.0e+00;
	v13 =	vld [tilespmem:s11+$0x20];
	v5 =	vpop (erf)  }
0x15a: {  	v14 =	vnsel vm0, $0x0, v5  }
.Ltmp11:
0x15b: {  	v10 =	vmul.f32 v14, v10;
	v15 =	vmul.f32 v7, v14;
	(pc) =	sbr.rel @p1 .LBB2_12-.Ltmp11, $4  }
0x15c: {  	v5 =	vmul.f32 v6, v14;
	v11 =	vmul.f32 v11, v14  }
0x15d: {  	v6 =	vmul.f32 v9, v14;
	[tilespmem:s11+$0xFFFFFFC0] =	vst v10;
	v7 =	vmul.f32 v12, v14  }
0x15e: {  	v8 =	vmul.f32 v8, v14;
	[tilespmem:s11+$0xFFFFFFD0] =	vst v15;
	v9 =	vmul.f32 v13, v14  }
0x15f: {  	s29 =	sadd.s32 s28, s0;
	s28 =	sadd.s32 $0x1, s28;
	[tilespmem:s11+$0xFFFFFFE0] =	vst v11  }
0x160: {  	v10 =	vmov s29;
	[tilespmem:s11+$0xFFFFFFF0] =	vst v5  }
0x161: {  	[tilespmem:s11+$0x0] =	vst v7  }
0x162: {  	[tilespmem:s11+$0x10] =	vst v6  }
0x163: {  	[tilespmem:s11+$0x20] =	vst v9  }
0x164: {  	[tilespmem:s11+$0x30] =	vst v8  }
0x165: {  	v5 =	vld.idx.msk [tilespmem:v10+s16+$0x0], $0xffff;
	_ =	sdelay $0x4  }
0x166: {  	(erf) = vrcp.f32 v5;
	_ =	sdelay $0x4  }
0x167: {  	s28 =	sadd.s32 $0x80, s11  }
0x168: {  	v6 =	vld [tilespmem:s28+$0xFFFFFFC0]  }
0x169: {  	v7 =	vld [tilespmem:s28+$0xFFFFFFD0]  }
0x16a: {  	v61 =	vld [tilespmem:s28+$0xFFFFFFE0]  }
0x16b: {  	v11 =	vld [tilespmem:s28+$0x10];
	vm0 =	vgt.f32 v5, $0.0e+00;
	v5 =	vpop (erf)  }
0x16c: {  	v9 =	vld [tilespmem:s28+$0xFFFFFFF0];
	v5 =	vnsel vm0, $0x0, v5  }
0x16d: {  	v62 =	vld [tilespmem:s28+$0x0];
	v6 =	vmul.f32 v5, v6  }
0x16e: {  	v12 =	vld [tilespmem:s28+$0x20];
	v7 =	vmul.f32 v7, v5  }
0x16f: {  	v13 =	vld [tilespmem:s28+$0x30];
	v8 =	vmul.f32 v61, v5;
	[tilespmem:s28+$0xFFFFFFC0] =	vst v6  }
0x170: {  	v63 =	vmul.f32 v11, v5;
	[tilespmem:s28+$0xFFFFFFD0] =	vst v7  }
0x171: {  	v6 =	vmul.f32 v9, v5;
	[tilespmem:s28+$0xFFFFFFE0] =	vst v8  }
0x172: {  	v7 =	vmul.f32 v62, v5;
	[tilespmem:s28+$0x10] =	vst v63  }
0x173: {  	[tilespmem:s28+$0xFFFFFFF0] =	vst v6;
	v6 =	vmul.f32 v12, v5  }
0x174: {  	s20 =	sadd.s32 s22, s26;
	[tilespmem:s28+$0x0] =	vst v7;
	v5 =	vmul.f32 v13, v5  }
0x175: {  	s20 =	sshrl.u32 s20, $0x3;
	[tilespmem:s28+$0x20] =	vst v6  }
.Ltmp12:
0x176: {  	s29 =	sadd.s32 s10, s20;
	[tilespmem:s28+$0x30] =	vst v5;
	(pc) =	sbr.rel .LBB2_14-.Ltmp12, $4  }
0x177: {  	[hbm4b:s29+s5] =	stream.linear.scatter [tilespmem:s18], [sflag:$0x7], $0x800, $0x38;
	[tilespmem:$0x1B780] =	vst v63  }
0x178: {  	_ =	swait.ge [sflag:s30], $0x800  }
0x179: {  	[sflag:s30] =	ssyncset.done $0x0  }
0x17a: {  	[sflag:s30] =	ssyncadd.s32 $0xFFFFF800  }
.LBB2_15:
0x17b: {  	[bflag:$0x0] =	sbarrier.arrive $0xFFFF;
	s0 =	simm.s32 $0x0;
	s11 =	simm.s32 $0x200  }
.LBB2_16:
0x17c: {  	p1 =	sne.s32 s11, $0x9E00;
	[tilespmem:s0+$0x13CF0] =	vst v2  }
0x17d: {  	[tilespmem:s0+$0x13C80] =	vst v2  }
0x17e: {  	[tilespmem:s0+$0x13C90] =	vst v2  }
.Ltmp13:
0x17f: {  	[tilespmem:s0+$0x13CA0] =	vst v2;
	(pc) =	sbr.rel @p1 .LBB2_16-.Ltmp13, $4  }
0x180: {  	[tilespmem:s0+$0x13CB0] =	vst v2  }
0x181: {  	[tilespmem:s0+$0x13CC0] =	vst v2  }
0x182: {  	[tilespmem:s0+$0x13CD0] =	vst v2  }
0x183: {  	[tilespmem:s0+$0x13CE0] =	vst v2;
	s0 =	sshra.s32 s11, $0x2;
	s11 =	sadd.s32 $0x200, s11  }
0x184: {  	[tilespmem:s0+$0x13CF0] =	vst v2  }
0x185: {  	[tilespmem:s0+$0x13C80] =	vst v2  }
0x186: {  	[tilespmem:s0+$0x13C90] =	vst v2  }
0x187: {  	[tilespmem:s0+$0x13CA0] =	vst v2  }
0x188: {  	[tilespmem:s0+$0x13CB0] =	vst v2  }
0x189: {  	[tilespmem:s0+$0x13CC0] =	vst v2  }
0x18a: {  	[tilespmem:s0+$0x13CD0] =	vst v2  }
0x18b: {  	[tilespmem:s0+$0x13CE0] =	vst v2;
	s26 =	rddreg [dreg:$0x5]  }
0x18c: {  	[spmem:s26] =	stream.linear.scatter [tilespmem:s31], [sflag:$0x7], $0x2800, $0x38;
	[tilespmem:$0x1B780] =	vst v63  }
0x18d: {  	_ =	swait.ge [sflag:s30], $0x2800  }
0x18e: {  	[sflag:s30] =	ssyncset.done $0x0  }
0x18f: {  	s28 =	rddreg [dreg:$0x6];
	[sflag:s30] =	ssyncadd.s32 $0xFFFFD800  }
0x190: {  	[spmem:s28] =	stream.linear.scatter [tilespmem:s31], [sflag:$0x7], $0x2800, $0x38;
	[tilespmem:$0x1B780] =	vst v63  }
0x191: {  	_ =	swait.ge [sflag:s30], $0x2800  }
0x192: {  	[sflag:s30] =	ssyncset.done $0x0  }
0x193: {  	s29 =	rddreg [dreg:$0x7];
	[sflag:s30] =	ssyncadd.s32 $0xFFFFD800  }
0x194: {  	[spmem:s29] =	stream.linear.scatter [tilespmem:s31], [sflag:$0x7], $0x2800, $0x38;
	[tilespmem:$0x1B780] =	vst v63  }
0x195: {  	_ =	swait.ge [sflag:s30], $0x2800  }
0x196: {  	[sflag:s30] =	ssyncset.done $0x0  }
0x197: {  	s11 =	rddreg [dreg:$0x8];
	[sflag:s30] =	ssyncadd.s32 $0xFFFFD800  }
0x198: {  	[spmem:s11] =	stream.linear.scatter [tilespmem:s31], [sflag:$0x7], $0x2800, $0x38;
	[tilespmem:$0x1B780] =	vst v63  }
0x199: {  	_ =	swait.ge [sflag:s30], $0x2800  }
0x19a: {  	[sflag:s30] =	ssyncset.done $0x0  }
0x19b: {  	s20 =	rddreg [dreg:$0x9];
	[sflag:s30] =	ssyncadd.s32 $0xFFFFD800  }
0x19c: {  	[spmem:s20] =	stream.linear.scatter [tilespmem:s31], [sflag:$0x7], $0x2800, $0x38;
	[tilespmem:$0x1B780] =	vst v63  }
0x19d: {  	_ =	swait.ge [sflag:s30], $0x2800  }
0x19e: {  	[sflag:s30] =	ssyncset.done $0x0  }
0x19f: {  	s25 =	rddreg [dreg:$0x11];
	[sflag:s30] =	ssyncadd.s32 $0xFFFFD800  }
0x1a0: {  	[spmem:s25] =	stream.linear.scatter [tilespmem:s31], [sflag:$0x7], $0x2800, $0x38;
	[tilespmem:$0x1B780] =	vst v63  }
0x1a1: {  	_ =	swait.ge [sflag:s30], $0x2800  }
0x1a2: {  	[sflag:s30] =	ssyncset.done $0x0  }
0x1a3: {  	s26 =	rddreg [dreg:$0x12];
	[sflag:s30] =	ssyncadd.s32 $0xFFFFD800  }
0x1a4: {  	[spmem:s26] =	stream.linear.scatter [tilespmem:s31], [sflag:$0x7], $0x2800, $0x38;
	[tilespmem:$0x1B780] =	vst v63  }
0x1a5: {  	_ =	swait.ge [sflag:s30], $0x2800  }
0x1a6: {  	[sflag:s30] =	ssyncset.done $0x0  }
0x1a7: {  	s0 =	simm.s32 @!p0 $0x13C80;
	s11 =	rddreg [dreg:$0x13];
	[sflag:s30] =	ssyncadd.s32 $0xFFFFD800  }
0x1a8: {  	[spmem:s11] =	stream.linear.scatter @!p0 [tilespmem:s0], [sflag:$0x7], $0x2800, $0x38;
	[tilespmem:$0x1B780] =	vst v63  }
0x1a9: {  	s0 =	simm.s32 @!p0 $0x7  }
0x1aa: {  	_ =	swait.ge @!p0 [sflag:s0], $0x2800  }
0x1ab: {  	[sflag:s0] =	ssyncset.done @!p0 $0x0  }
0x1ac: {  	[sflag:s0] =	ssyncadd.s32 @!p0 $0xFFFFD800  }
0x1ad: {  	[tilespmem:$0x18C80] =	vst v2  }
0x1ae: {  	[tilespmem:$0x18C90] =	vst v2  }
0x1af: {  	[tilespmem:$0x18CA0] =	vst v2  }
0x1b0: {  	[tilespmem:$0x18CB0] =	vst v2  }
0x1b1: {  	[tilespmem:$0x18CC0] =	vst v2  }
0x1b2: {  	[tilespmem:$0x18CD0] =	vst v2  }
0x1b3: {  	[tilespmem:$0x18CE0] =	vst v2  }
0x1b4: {  	[tilespmem:$0x18CF0] =	vst v2  }
0x1b5: {  	[tilespmem:$0x18D00] =	vst v2  }
0x1b6: {  	[tilespmem:$0x18D10] =	vst v2  }
0x1b7: {  	[tilespmem:$0x18D20] =	vst v2  }
0x1b8: {  	[tilespmem:$0x18D30] =	vst v2  }
0x1b9: {  	[tilespmem:$0x18D40] =	vst v2  }
0x1ba: {  	[tilespmem:$0x18D50] =	vst v2  }
0x1bb: {  	[tilespmem:$0x18D60] =	vst v2  }
0x1bc: {  	[tilespmem:$0x18D70] =	vst v2  }
0x1bd: {  	[tilespmem:$0x18D80] =	vst v2  }
0x1be: {  	[tilespmem:$0x18D90] =	vst v2  }
0x1bf: {  	[tilespmem:$0x18DA0] =	vst v2  }
0x1c0: {  	[tilespmem:$0x18DB0] =	vst v2  }
0x1c1: {  	[tilespmem:$0x18DC0] =	vst v2  }
0x1c2: {  	[tilespmem:$0x18DD0] =	vst v2  }
0x1c3: {  	[tilespmem:$0x18DE0] =	vst v2  }
0x1c4: {  	[tilespmem:$0x18DF0] =	vst v2  }
0x1c5: {  	[tilespmem:$0x18E00] =	vst v2  }
0x1c6: {  	[tilespmem:$0x18E10] =	vst v2  }
0x1c7: {  	[tilespmem:$0x18E20] =	vst v2  }
0x1c8: {  	[tilespmem:$0x18E30] =	vst v2  }
0x1c9: {  	[tilespmem:$0x18E40] =	vst v2  }
0x1ca: {  	[tilespmem:$0x18E50] =	vst v2  }
0x1cb: {  	[tilespmem:$0x18E60] =	vst v2  }
0x1cc: {  	[tilespmem:$0x18E70] =	vst v2  }
0x1cd: {  	[tilespmem:$0x18E80] =	vst v2  }
0x1ce: {  	[tilespmem:$0x18E90] =	vst v2  }
0x1cf: {  	[tilespmem:$0x18EA0] =	vst v2  }
0x1d0: {  	[tilespmem:$0x18EB0] =	vst v2  }
0x1d1: {  	[tilespmem:$0x18EC0] =	vst v2  }
0x1d2: {  	[tilespmem:$0x18ED0] =	vst v2  }
0x1d3: {  	[tilespmem:$0x18EE0] =	vst v2  }
0x1d4: {  	[tilespmem:$0x18EF0] =	vst v2  }
0x1d5: {  	[tilespmem:$0x18F00] =	vst v2  }
0x1d6: {  	[bflag:$0x0] =	sbarrier.arrive $0xFFFF  }
0x1d7: {  	s20 =	simm.s32 $0x13880;
	s0 =	simm.s32 $0x0;
	s28 =	rddreg [dreg:$0xb]  }
0x1d8: {  	[tilespmem:s20], [sflag:$0x6] =	stream.linear.gather [hbm4b:s28+s0], $0x50, $0x38;
	[tilespmem:$0x1B780] =	vst v63  }
0x1d9: {  	_ =	swait.ge [sflag:s1], $0x50  }
0x1da: {  	[sflag:s1] =	ssyncset.done $0x0  }
0x1db: {  	s25 =	simm.s32 $0x13A80;
	s29 =	rddreg [dreg:$0xa];
	[sflag:s1] =	ssyncadd.s32 $0xFFFFFFB0  }
0x1dc: {  	[tilespmem:s25], [sflag:$0x6] =	stream.linear.gather [hbm4b:s29+s0], $0x50, $0x38;
	[tilespmem:$0x1B780] =	vst v63  }
0x1dd: {  	_ =	swait.ge [sflag:s1], $0x50  }
0x1de: {  	[sflag:s1] =	ssyncset.done $0x0  }
0x1df: {  	[sflag:s1] =	ssyncadd.s32 $0xFFFFFFB0  }
0x1e0: {  	v5 =	vld [tilespmem:$0x13880]  }
0x1e1: {  	v6 =	vld [tilespmem:$0x13890]  }
0x1e2: {  	v7 =	vld [tilespmem:$0x138A0]  }
0x1e3: {  	v8 =	vld [tilespmem:$0x138B0]  }
0x1e4: {  	v9 =	vld [tilespmem:$0x138C0]  }
0x1e5: {  	v5 =	vadd.s32 v0, v5  }
0x1e6: {  	[tilespmem:$0x13880] =	vst v5;
	v5 =	vadd.s32 v0, v6  }
0x1e7: {  	[tilespmem:$0x13890] =	vst v5;
	v5 =	vadd.s32 v0, v7  }
0x1e8: {  	[tilespmem:$0x138A0] =	vst v5;
	v5 =	vadd.s32 v0, v8  }
0x1e9: {  	[tilespmem:$0x138B0] =	vst v5;
	v5 =	vadd.s32 v0, v9  }
0x1ea: {  	s28 =	simm.s32 $0x13900;
	s26 =	rddreg [dreg:$0xd];
	[tilespmem:$0x138C0] =	vst v5  }
0x1eb: {  	[tilespmem:s28], [sflag:$0x6] =	stream.linear.gather [hbm4b:s26+s0], $0x50, $0x38;
	[tilespmem:$0x1B780] =	vst v63  }
0x1ec: {  	_ =	swait.ge [sflag:s1], $0x50  }
0x1ed: {  	[sflag:s1] =	ssyncset.done $0x0  }
0x1ee: {  	s26 =	simm.s32 $0x13B00;
	s29 =	rddreg [dreg:$0xc];
	[sflag:s1] =	ssyncadd.s32 $0xFFFFFFB0  }
0x1ef: {  	[tilespmem:s26], [sflag:$0x6] =	stream.linear.gather [hbm4b:s29+s0], $0x50, $0x38;
	[tilespmem:$0x1B780] =	vst v63  }
0x1f0: {  	_ =	swait.ge [sflag:s1], $0x50  }
0x1f1: {  	[sflag:s1] =	ssyncset.done $0x0  }
0x1f2: {  	[sflag:s1] =	ssyncadd.s32 $0xFFFFFFB0  }
0x1f3: {  	v5 =	vld [tilespmem:$0x13900]  }
0x1f4: {  	v6 =	vld [tilespmem:$0x13910]  }
0x1f5: {  	v7 =	vld [tilespmem:$0x13920]  }
0x1f6: {  	v62 =	vld [tilespmem:$0x13930]  }
0x1f7: {  	v63 =	vld [tilespmem:$0x13940]  }
0x1f8: {  	v5 =	vadd.s32 v0, v5  }
0x1f9: {  	[tilespmem:$0x13900] =	vst v5;
	v5 =	vadd.s32 v0, v6  }
0x1fa: {  	[tilespmem:$0x13910] =	vst v5;
	v5 =	vadd.s32 v0, v7  }
0x1fb: {  	[tilespmem:$0x13920] =	vst v5;
	v5 =	vadd.s32 v0, v62  }
0x1fc: {  	[tilespmem:$0x13930] =	vst v5;
	v5 =	vadd.s32 v0, v63  }
0x1fd: {  	[tilespmem:$0x13940] =	vst v5  }
0x1fe: {  	[tilespmem:s31], [sflag:$0x1] =	stream.indirect.gather [hbm4b:s10+s21], $0x80, s20, s21, $0xb8;
	[tilespmem:$0x1B780] =	vst v63  }
.Ltmp14:
0x1ff: {  	_ = 	snop;
	(pc) =	sbr.rel .LBB2_18-.Ltmp14, $4  }
0x200: {  	_ = 	snop  }
0x201: {  	[tilespmem:s23], [sflag:$0x2] =	stream.indirect.gather [hbm4b:s10+s21], $0x80, s28, s21, $0xb8;
	[tilespmem:$0x1B780] =	vst v63  }
0x202: {  	s29 =	simm.s32 $0x18F80;
	s28 =	rddreg [dreg:$0xf]  }
0x203: {  	[tilespmem:s29], [sflag:$0x5] =	stream.linear.gather [hbm4b:s28+s0], $0xFA0, $0x38;
	[tilespmem:$0x1B780] =	vst v63  }
.LBB2_19:
0x204: {  	s0 =	sadd.s32 $0x1, s0  }
.LBB2_22:
0x205: {  	_ =	swait.ge [sflag:s17], $0x2800  }
0x206: {  	[sflag:s17] =	ssyncset.done $0x0  }
0x207: {  	[sflag:s17] =	ssyncadd.s32 $0xFFFFD800  }
0x208: {  	_ =	swait.ge [sflag:s1], $0x50  }
0x209: {  	[sflag:s1] =	ssyncset.done $0x0  }
0x20a: {  	[sflag:s1] =	ssyncadd.s32 $0xFFFFFFB0  }
0x20b: {  	_ =	swait.ge [sflag:s1], $0x50  }
0x20c: {  	[sflag:s1] =	ssyncset.done $0x0  }
0x20d: {  	[sflag:s1] =	ssyncadd.s32 $0xFFFFFFB0  }
0x20e: {  	v5 =	vld [tilespmem:s11+$0x13880]  }
0x20f: {  	v6 =	vld [tilespmem:s11+$0x13890]  }
0x210: {  	v7 =	vld [tilespmem:s11+$0x138A0]  }
0x211: {  	v8 =	vld [tilespmem:s11+$0x138B0]  }
0x212: {  	v9 =	vld [tilespmem:s11+$0x138C0]  }
0x213: {  	v5 =	vadd.s32 v0, v5  }
0x214: {  	p1 =	sne.s32 s0, $0x7D;
	[tilespmem:s11+$0x13880] =	vst v5;
	v5 =	vadd.s32 v0, v6  }
.Ltmp15:
0x215: {  	[tilespmem:s11+$0x13890] =	vst v5;
	v5 =	vadd.s32 v0, v7;
	(pc) =	sbr.rel @!p1 .LBB2_23-.Ltmp15, $4  }
0x216: {  	[tilespmem:s11+$0x138A0] =	vst v5;
	v5 =	vadd.s32 v0, v8  }
0x217: {  	[tilespmem:s11+$0x138B0] =	vst v5;
	v5 =	vadd.s32 v0, v9  }
0x218: {  	[tilespmem:s11+$0x138C0] =	vst v5  }
0x219: {  	[tilespmem:s23], [sflag:$0x2] =	stream.indirect.gather [hbm4b:s10+s21], $0x80, s25, s21, $0xb8;
	[tilespmem:$0x1B780] =	vst v63  }
.LBB2_18:
0x21a: {  	s11 =	sshll.u32 s0, $0x1;
	_ =	swait.ge [sflag:s24], $0x2800;
	s20 =	sshll.u32 s0, $0x8  }
0x21b: {  	[sflag:s24] =	ssyncset.done $0x0;
	s25 =	sand.u32 $0x100, s20;
	s11 =	sadd.s32 $0x2, s11  }
0x21c: {  	[sflag:s24] =	ssyncadd.s32 $0xFFFFD800;
	s26 =	sor.u32 $0x13A80, s25;
	s28 =	smul.u32 $0x50, s11  }
0x21d: {  	[spmem:s3] =	stream.indirect.scatter.add.f32 [tilespmem:s31], [sflag:$0x3], $0x80, s26, s21, $0xb8;
	[tilespmem:$0x1B780] =	vst v63  }
0x21e: {  	s26 =	sadd.s32 s12, s28  }
0x21f: {  	p1 =	slt.s32 s26, $0x9C3B0  }
0x220: {  	s11 =	sshll.u32 s11, $0x7;
	s26 =	simm.s32 @!p1 $0x9C3B0  }
0x221: {  	s11 =	sand.u32 $0x100, s11;
	s26 =	sshrl.u32 s26, $0x3  }
0x222: {  	s28 =	sor.u32 $0x13880, s11;
	s29 =	sadd.s32 s8, s26  }
0x223: {  	[tilespmem:s28], [sflag:$0x6] =	stream.linear.gather [hbm4b:s29+s5], $0x50, $0x38;
	[tilespmem:$0x1B780] =	vst v63  }
0x224: {  	s26 =	sadd.s32 s7, s26;
	s29 =	sor.u32 $0x13A80, s11  }
0x225: {  	[tilespmem:s29], [sflag:$0x6] =	stream.linear.gather [hbm4b:s26+s5], $0x50, $0x38;
	[tilespmem:$0x1B780] =	vst v63  }
0x226: {  	_ =	swait.ge [sflag:s13], $0x2800  }
0x227: {  	[sflag:s13] =	ssyncset.done $0x0  }
0x228: {  	[sflag:s13] =	ssyncadd.s32 $0xFFFFD800  }
0x229: {  	_ =	swait.ge [sflag:s1], $0x50  }
0x22a: {  	[sflag:s1] =	ssyncset.done $0x0  }
0x22b: {  	[sflag:s1] =	ssyncadd.s32 $0xFFFFFFB0  }
0x22c: {  	_ =	swait.ge [sflag:s1], $0x50  }
0x22d: {  	[sflag:s1] =	ssyncset.done $0x0  }
0x22e: {  	[sflag:s1] =	ssyncadd.s32 $0xFFFFFFB0  }
0x22f: {  	v5 =	vld [tilespmem:s11+$0x13880]  }
0x230: {  	v6 =	vld [tilespmem:s11+$0x13890]  }
0x231: {  	v7 =	vld [tilespmem:s11+$0x138A0]  }
0x232: {  	v8 =	vld [tilespmem:s11+$0x138B0]  }
0x233: {  	v9 =	vld [tilespmem:s11+$0x138C0]  }
0x234: {  	v5 =	vadd.s32 v0, v5  }
0x235: {  	[tilespmem:s11+$0x13880] =	vst v5;
	v5 =	vadd.s32 v0, v6  }
0x236: {  	[tilespmem:s11+$0x13890] =	vst v5;
	v5 =	vadd.s32 v0, v7  }
0x237: {  	[tilespmem:s11+$0x138A0] =	vst v5;
	v5 =	vadd.s32 v0, v8  }
0x238: {  	[tilespmem:s11+$0x138B0] =	vst v5;
	v5 =	vadd.s32 v0, v9  }
0x239: {  	s29 =	smul.u32 $0xA0, s0;
	[tilespmem:s11+$0x138C0] =	vst v5  }
0x23a: {  	[tilespmem:s31], [sflag:$0x1] =	stream.indirect.gather [hbm4b:s10+s21], $0x80, s28, s21, $0xb8;
	[tilespmem:$0x1B780] =	vst v63  }
0x23b: {  	s28 =	sadd.s32 $0x13B00, s25;
	s25 =	sadd.s32 s12, s29  }
0x23c: {  	_ =	swait.ge [sflag:s14], $0x2800;
	s25 =	sadd.s32 $0xF0, s25  }
0x23d: {  	s26 =	sadd.s32 $0xFFFFFF80, s20;
	[sflag:s14] =	ssyncset.done $0x0;
	p1 =	slt.s32 s25, $0x9C3B0  }
0x23e: {  	[sflag:s14] =	ssyncadd.s32 $0xFFFFD800;
	s25 =	simm.s32 @!p1 $0x9C3B0;
	p1 =	slt.u32 s0, $0x50  }
0x23f: {  	[spmem:s3] =	stream.indirect.scatter.add.f32 [tilespmem:s23], [sflag:$0x4], $0x80, s28, s21, $0xb8;
	[tilespmem:$0x1B780] =	vst v63  }
.Ltmp16:
0x240: {  	s11 =	sand.u32 $0x180, s26;
	s20 =	sshrl.u32 s25, $0x3;
	(pc) =	sbr.rel @!p1 .LBB2_19-.Ltmp16, $4  }
0x241: {  	s25 =	sadd.s32 $0x13880, s11;
	s28 =	sadd.s32 s8, s20  }
0x242: {  	[tilespmem:s25], [sflag:$0x6] =	stream.linear.gather [hbm4b:s28+s5], $0x50, $0x38;
	[tilespmem:$0x1B780] =	vst v63  }
0x243: {  	s29 =	sadd.s32 $0x13A80, s11;
	s20 =	sadd.s32 s7, s20  }
0x244: {  	[tilespmem:s29], [sflag:$0x6] =	stream.linear.gather [hbm4b:s20+s5], $0x50, $0x38;
	[tilespmem:$0x1B780] =	vst v63  }
0x245: {  	s20 =	sand.u32 $0x1, s0;
	s0 =	sadd.s32 $0x1, s0  }
0x246: {  	s26 =	sand.u32 $0x1, s0;
	s28 =	smin.u32 s0, $0x4F  }
0x247: {  	s29 =	simm.s32 $0x19F20;
	p1 =	seq.s32 s26, $0x1;
	s28 =	smul.u32 $0xFA0, s28  }
0x248: {  	s29 =	simm.s32 @!p1 $0x18F80  }
0x249: {  	p1 =	seq.s32 s20, $0x1;
	s26 =	sadd.s32 s9, s28;
	s28 =	simm.s32 $0x19F40  }
0x24a: {  	s28 =	simm.s32 @!p1 $0x18FA0  }
0x24b: {  	_ =	swait.ge [sflag:s15], $0xFA0;
	v5 =	vmov s28  }
0x24c: {  	[sflag:s15] =	ssyncset.done $0x0;
	s20 =	sshrl.u32 s26, $0x3  }
0x24d: {  	[sflag:s15] =	ssyncadd.s32 $0xFFFFF060;
	s26 =	simm.s32 $0x0;
	s20 =	sadd.s32 s7, s20  }
0x24e: {  	[tilespmem:s29], [sflag:$0x5] =	stream.linear.gather [hbm4b:s20+s26], $0xFA0, $0x38;
	[tilespmem:$0x1B780] =	vst v63  }
.LBB2_21:
0x24f: {  	s20 =	sshra.s32 s26, $0x2  }
0x250: {  	v6 =	vld.idx.msk [tilespmem:v5+s20+$0xFFFFFFE0 ss:$0x1], $0xffff;
	_ =	sdelay $0x4  }
0x251: {  	v7 =	vshrl.u32 v6, $0x4  }
0x252: {  	v6 =	vand.u32 $0xF, v6;
	v8 =	vand.u32 $0xF, v7;
	v7 =	vand.u32 $0xFFFFFF0, v7  }
0x253: {  	vm0 =	veq.s32 v8, v1;
	v6 =	vor.u32 v6, v7  }
0x254: {  	v6 =	vsel vm0, v6, v3;
	_ =	sdelay $0x4  }
0x255: {  	[tilespmem:v6+s16+$0x0] =	vst.idx.add.f32.msk $0xffff, v4  }
0x256: {  	v6 =	vld.idx.msk [tilespmem:v5+s20+$0xFFFFFFF0 ss:$0x1], $0xffff;
	_ =	sdelay $0x4  }
0x257: {  	v7 =	vshrl.u32 v6, $0x4  }
0x258: {  	v6 =	vand.u32 $0xF, v6;
	v60 =	vand.u32 $0xF, v7;
	v7 =	vand.u32 $0xFFFFFF0, v7  }
0x259: {  	vm12 =	veq.s32 v60, v1;
	v6 =	vor.u32 v6, v7  }
0x25a: {  	v6 =	vsel vm12, v6, v3;
	_ =	sdelay $0x4  }
0x25b: {  	[tilespmem:v6+s16+$0x0] =	vst.idx.add.f32.msk $0xffff, v4  }
0x25c: {  	v6 =	vld.idx.msk [tilespmem:v5+s20+$0x0 ss:$0x1], $0xffff;
	_ =	sdelay $0x4  }
0x25d: {  	v7 =	vshrl.u32 v6, $0x4  }
0x25e: {  	v6 =	vand.u32 $0xF, v6;
	v61 =	vand.u32 $0xF, v7;
	v7 =	vand.u32 $0xFFFFFF0, v7  }
0x25f: {  	vm13 =	veq.s32 v61, v1;
	v6 =	vor.u32 v6, v7  }
0x260: {  	v6 =	vsel vm13, v6, v3;
	_ =	sdelay $0x4  }
0x261: {  	[tilespmem:v6+s16+$0x0] =	vst.idx.add.f32.msk $0xffff, v4  }
0x262: {  	v6 =	vld.idx.msk [tilespmem:v5+s20+$0x10 ss:$0x1], $0xffff;
	_ =	sdelay $0x4  }
0x263: {  	v7 =	vshrl.u32 v6, $0x4  }
0x264: {  	v6 =	vand.u32 $0xF, v6;
	v62 =	vand.u32 $0xF, v7;
	v7 =	vand.u32 $0xFFFFFF0, v7  }
0x265: {  	vm14 =	veq.s32 v62, v1;
	v6 =	vor.u32 v6, v7  }
0x266: {  	v6 =	vsel vm14, v6, v3;
	_ =	sdelay $0x4  }
0x267: {  	[tilespmem:v6+s16+$0x0] =	vst.idx.add.f32.msk $0xffff, v4  }
0x268: {  	v6 =	vld.idx.msk [tilespmem:v5+s20+$0x20 ss:$0x1], $0xffff;
	_ =	sdelay $0x4  }
0x269: {  	v7 =	vshrl.u32 v6, $0x4  }
0x26a: {  	v6 =	vand.u32 $0xF, v6;
	v63 =	vand.u32 $0xF, v7;
	v7 =	vand.u32 $0xFFFFFF0, v7  }
0x26b: {  	vm15 =	veq.s32 v63, v1;
	v6 =	vor.u32 v6, v7  }
0x26c: {  	p1 =	sne.s32 s26, $0x3D40;
	v6 =	vsel vm15, v6, v3  }
.Ltmp17:
0x26d: {  	_ = 	snop;
	(pc) =	sbr.rel @p1 .LBB2_21-.Ltmp17, $2  }
0x26e: {  	_ =	sdelay $0x2  }
0x26f: {  	s26 =	sadd.s32 $0x140, s26;
	[tilespmem:v6+s16+$0x0] =	vst.idx.add.f32.msk $0xffff, v4  }
.Ltmp18:
0x270: {  	_ = 	snop;
	(pc) =	sbr.rel .LBB2_22-.Ltmp18, $1  }
0x271: {  	_ =	sdelay $0x3  }
.LBB2_23:
0x272: {  	_ =	swait.ge [sflag:s24], $0x2800  }
0x273: {  	[sflag:s24] =	ssyncset.done $0x0  }
0x274: {  	[sflag:s24] =	ssyncadd.s32 $0xFFFFD800  }
0x275: {  	_ =	swait.ge [sflag:s14], $0x2800  }
0x276: {  	[sflag:s14] =	ssyncset.done $0x0  }
0x277: {  	[sflag:s14] =	ssyncadd.s32 $0xFFFFD800  }
.Ltmp19:
0x278: {  	_ =	swait.ge [sflag:s15], $0xFA0;
	(pc) =	sbr.rel .LBB2_24-.Ltmp19, $4  }
0x279: {  	[sflag:s15] =	ssyncset.done $0x0  }
0x27a: {  	[sflag:s15] =	ssyncadd.s32 $0xFFFFF060  }
0x27b: {  	[bflag:$0x0] =	sbarrier.arrive $0xFFFF  }
0x27c: {  	s0 =	simm.s32 $0x0;
	s29 =	simm.s32 $0x0  }
.LBB2_28:
0x27d: {  	s29 =	sadd.s32 $0x1, s29  }
0x27e: {  	p1 =	sne.s32 s29, $0x28  }
.Ltmp20:
0x27f: {  	_ = 	snop;
	(pc) =	sbr.rel @!p1 .LBB2_29-.Ltmp20, $2  }
0x280: {  	_ =	sdelay $0x2  }
0x281: {  	s0 =	sadd.s32 $0x10, s0  }
.LBB2_24:
0x282: {  	s11 =	sshll.u32 s29, $0x4  }
0x283: {  	s11 =	sor.u32 s4, s11  }
0x284: {  	p1 =	sgt.u32 s11, $0x270  }
.Ltmp21:
0x285: {  	_ = 	snop;
	(pc) =	sbr.rel @p1 .LBB2_28-.Ltmp21, $1  }
0x286: {  	_ =	sdelay $0x3  }
0x287: {  	s25 =	sshll.u32 s11, $0xB  }
0x288: {  	s20 =	sadd.s32 $0x0, s0;
	s11 =	sand.u32 $0x3FFFF800, s25  }
0x289: {  	v5 =	vmov s20;
	s11 =	sadd.s32 s11, s3  }
0x28a: {  	[tilespmem:s18], [sflag:$0x8] =	stream.linear.gather [spmem:s11], $0x800, $0x38;
	[tilespmem:$0x1B780] =	vst v63  }
0x28b: {  	_ =	swait.ge [sflag:s19], $0x800  }
0x28c: {  	[sflag:s19] =	ssyncset.done $0x0  }
0x28d: {  	[sflag:s19] =	ssyncadd.s32 $0xFFFFF800  }
0x28e: {  	v5 =	vld.idx.msk [tilespmem:v5+s16+$0x0], $0xffff;
	_ =	sdelay $0x4  }
0x28f: {  	(erf) = vrcp.f32 v5;
	_ =	sdelay $0x4  }
0x290: {  	s26 =	simm.s32 $0x1AF40  }
0x291: {  	v6 =	vld [tilespmem:s26+$0xFFFFFFC0];
	_ =	sdelay $0x1  }
0x292: {  	v7 =	vld [tilespmem:$0x1B700]  }
0x293: {  	vm0 =	vgt.f32 v5, $0.0e+00;
	v5 =	vpop (erf)  }
0x294: {  	v5 =	vnsel vm0, $0x0, v5  }
0x295: {  	v6 =	vmul.f32 v5, v6;
	_ =	sdelay $0x1  }
0x296: {  	v6 =	vadd.f32 v6, v7  }
0x297: {  	v7 =	vld [tilespmem:s26+$0xFFFFFFD0]  }
0x298: {  	[tilespmem:s26+$0xFFFFFFC0] =	vst v6  }
0x299: {  	v6 =	vld [tilespmem:$0x1B710];
	_ =	sdelay $0x2  }
0x29a: {  	v7 =	vmul.f32 v7, v5;
	_ =	sdelay $0x1  }
0x29b: {  	v6 =	vadd.f32 v6, v7  }
0x29c: {  	v7 =	vld [tilespmem:s26+$0xFFFFFFE0]  }
0x29d: {  	[tilespmem:s26+$0xFFFFFFD0] =	vst v6  }
0x29e: {  	v6 =	vld [tilespmem:$0x1B720];
	_ =	sdelay $0x2  }
0x29f: {  	v7 =	vmul.f32 v7, v5;
	_ =	sdelay $0x1  }
0x2a0: {  	v6 =	vadd.f32 v6, v7  }
0x2a1: {  	v7 =	vld [tilespmem:s26+$0xFFFFFFF0]  }
0x2a2: {  	[tilespmem:s26+$0xFFFFFFE0] =	vst v6  }
0x2a3: {  	v6 =	vld [tilespmem:$0x1B730];
	_ =	sdelay $0x2  }
0x2a4: {  	v7 =	vmul.f32 v7, v5;
	_ =	sdelay $0x1  }
0x2a5: {  	v6 =	vadd.f32 v6, v7  }
0x2a6: {  	v7 =	vld [tilespmem:s26+$0x0]  }
0x2a7: {  	[tilespmem:s26+$0xFFFFFFF0] =	vst v6  }
0x2a8: {  	v6 =	vld [tilespmem:$0x1B740];
	_ =	sdelay $0x2  }
0x2a9: {  	v7 =	vmul.f32 v7, v5;
	_ =	sdelay $0x1  }
0x2aa: {  	v6 =	vadd.f32 v6, v7  }
0x2ab: {  	v7 =	vld [tilespmem:s26+$0x10]  }
0x2ac: {  	[tilespmem:s26+$0x0] =	vst v6  }
0x2ad: {  	v6 =	vld [tilespmem:$0x1B750];
	_ =	sdelay $0x2  }
0x2ae: {  	v7 =	vmul.f32 v7, v5;
	_ =	sdelay $0x1  }
0x2af: {  	v6 =	vadd.f32 v6, v7  }
0x2b0: {  	v7 =	vld [tilespmem:s26+$0x20]  }
0x2b1: {  	[tilespmem:s26+$0x10] =	vst v6  }
0x2b2: {  	v6 =	vld [tilespmem:$0x1B760];
	_ =	sdelay $0x2  }
0x2b3: {  	v7 =	vmul.f32 v7, v5;
	_ =	sdelay $0x1  }
0x2b4: {  	v6 =	vadd.f32 v6, v7  }
0x2b5: {  	v7 =	vld [tilespmem:s26+$0x30]  }
0x2b6: {  	[tilespmem:s26+$0x20] =	vst v6  }
0x2b7: {  	v6 =	vld [tilespmem:$0x1B770];
	_ =	sdelay $0x1  }
0x2b8: {  	s20 =	sadd.s32 $0x1, s0  }
0x2b9: {  	v7 =	vmul.f32 v7, v5;
	v5 =	vmov s20;
	_ =	sdelay $0x1  }
0x2ba: {  	s28 =	simm.s32 $0x2;
	v6 =	vadd.f32 v6, v7  }
.LBB2_26:
0x2bb: {  	p1 =	sne.s32 s28, $0xF  }
0x2bc: {  	s11 =	smov.u32 s28;
	s28 =	sadd.s32 $0x1, s28;
	[tilespmem:s26+$0x30] =	vst v6;
	s26 =	sadd.s32 $0x80, s26  }
0x2bd: {  	v5 =	vld.idx.msk [tilespmem:v5+s16+$0x0], $0xffff;
	_ =	sdelay $0x5  }
0x2be: {  	(erf) = vrcp.f32 v5;
	_ =	sdelay $0x5  }
0x2bf: {  	v6 =	vld [tilespmem:s26+$0xFFFFFFC0];
	_ =	sdelay $0x1  }
0x2c0: {  	v7 =	vld [tilespmem:$0x1B700]  }
0x2c1: {  	vm0 =	vgt.f32 v5, $0.0e+00;
	v5 =	vpop (erf)  }
0x2c2: {  	v8 =	vnsel vm0, $0x0, v5  }
0x2c3: {  	v5 =	vmul.f32 v8, v6;
	_ =	sdelay $0x1  }
0x2c4: {  	v5 =	vadd.f32 v5, v7  }
0x2c5: {  	v6 =	vld [tilespmem:s26+$0xFFFFFFD0]  }
0x2c6: {  	[tilespmem:s26+$0xFFFFFFC0] =	vst v5  }
0x2c7: {  	v5 =	vld [tilespmem:$0x1B710];
	_ =	sdelay $0x2  }
0x2c8: {  	v6 =	vmul.f32 v6, v8;
	_ =	sdelay $0x1  }
0x2c9: {  	v5 =	vadd.f32 v5, v6  }
0x2ca: {  	v6 =	vld [tilespmem:s26+$0xFFFFFFE0]  }
0x2cb: {  	[tilespmem:s26+$0xFFFFFFD0] =	vst v5  }
0x2cc: {  	v5 =	vld [tilespmem:$0x1B720];
	_ =	sdelay $0x2  }
0x2cd: {  	v6 =	vmul.f32 v6, v8;
	_ =	sdelay $0x1  }
0x2ce: {  	v5 =	vadd.f32 v5, v6  }
0x2cf: {  	v6 =	vld [tilespmem:s26+$0xFFFFFFF0]  }
0x2d0: {  	[tilespmem:s26+$0xFFFFFFE0] =	vst v5  }
0x2d1: {  	v5 =	vld [tilespmem:$0x1B730];
	_ =	sdelay $0x2  }
0x2d2: {  	v6 =	vmul.f32 v6, v8;
	_ =	sdelay $0x1  }
0x2d3: {  	v5 =	vadd.f32 v5, v6  }
0x2d4: {  	v6 =	vld [tilespmem:s26+$0x0]  }
0x2d5: {  	[tilespmem:s26+$0xFFFFFFF0] =	vst v5  }
0x2d6: {  	v5 =	vld [tilespmem:$0x1B740];
	_ =	sdelay $0x2  }
0x2d7: {  	v6 =	vmul.f32 v6, v8;
	_ =	sdelay $0x1  }
0x2d8: {  	v5 =	vadd.f32 v5, v6  }
0x2d9: {  	v6 =	vld [tilespmem:s26+$0x10]  }
0x2da: {  	[tilespmem:s26+$0x0] =	vst v5  }
0x2db: {  	v5 =	vld [tilespmem:$0x1B750];
	_ =	sdelay $0x2  }
0x2dc: {  	v6 =	vmul.f32 v6, v8;
	_ =	sdelay $0x1  }
0x2dd: {  	v5 =	vadd.f32 v5, v6  }
0x2de: {  	v6 =	vld [tilespmem:s26+$0x20]  }
0x2df: {  	[tilespmem:s26+$0x10] =	vst v5  }
0x2e0: {  	v5 =	vld [tilespmem:$0x1B760];
	_ =	sdelay $0x2  }
0x2e1: {  	v6 =	vmul.f32 v6, v8;
	_ =	sdelay $0x1  }
0x2e2: {  	v5 =	vadd.f32 v5, v6  }
0x2e3: {  	v6 =	vld [tilespmem:s26+$0x30]  }
0x2e4: {  	[tilespmem:s26+$0x20] =	vst v5  }
0x2e5: {  	v7 =	vld [tilespmem:$0x1B770]  }
.Ltmp22:
0x2e6: {  	(pc) =	sbr.rel @p1 .LBB2_26-.Ltmp22, $3  }
0x2e7: {  	s11 =	sadd.s32 s11, s0  }
0x2e8: {  	v5 =	vmov s11;
	v6 =	vmul.f32 v6, v8;
	_ =	sdelay $0x1  }
0x2e9: {  	v6 =	vadd.f32 v7, v6  }
0x2ea: {  	_ =	sdelay $0x2  }
0x2eb: {  	[tilespmem:s26+$0x30] =	vst v6  }
0x2ec: {  	v5 =	vld.idx.msk [tilespmem:v5+s16+$0x0], $0xffff;
	_ =	sdelay $0x4  }
0x2ed: {  	(erf) = vrcp.f32 v5;
	_ =	sdelay $0x4  }
0x2ee: {  	s11 =	sadd.s32 $0x80, s26  }
0x2ef: {  	v6 =	vld [tilespmem:s11+$0xFFFFFFC0];
	_ =	sdelay $0x1  }
0x2f0: {  	v7 =	vld [tilespmem:$0x1B700]  }
0x2f1: {  	vm0 =	vgt.f32 v5, $0.0e+00;
	v5 =	vpop (erf)  }
0x2f2: {  	v5 =	vnsel vm0, $0x0, v5  }
0x2f3: {  	v6 =	vmul.f32 v5, v6;
	_ =	sdelay $0x1  }
0x2f4: {  	v6 =	vadd.f32 v6, v7  }
0x2f5: {  	v7 =	vld [tilespmem:s11+$0xFFFFFFD0]  }
0x2f6: {  	[tilespmem:s11+$0xFFFFFFC0] =	vst v6  }
0x2f7: {  	v6 =	vld [tilespmem:$0x1B710];
	_ =	sdelay $0x2  }
0x2f8: {  	v7 =	vmul.f32 v7, v5;
	_ =	sdelay $0x1  }
0x2f9: {  	v6 =	vadd.f32 v6, v7  }
0x2fa: {  	v7 =	vld [tilespmem:s11+$0xFFFFFFE0]  }
0x2fb: {  	[tilespmem:s11+$0xFFFFFFD0] =	vst v6  }
0x2fc: {  	v6 =	vld [tilespmem:$0x1B720];
	_ =	sdelay $0x2  }
0x2fd: {  	v7 =	vmul.f32 v7, v5;
	_ =	sdelay $0x1  }
0x2fe: {  	v6 =	vadd.f32 v6, v7  }
0x2ff: {  	v7 =	vld [tilespmem:s11+$0xFFFFFFF0]  }
0x300: {  	[tilespmem:s11+$0xFFFFFFE0] =	vst v6  }
0x301: {  	v6 =	vld [tilespmem:$0x1B730];
	_ =	sdelay $0x2  }
0x302: {  	v7 =	vmul.f32 v7, v5;
	_ =	sdelay $0x1  }
0x303: {  	v6 =	vadd.f32 v6, v7  }
0x304: {  	v7 =	vld [tilespmem:s11+$0x0]  }
0x305: {  	[tilespmem:s11+$0xFFFFFFF0] =	vst v6  }
0x306: {  	v6 =	vld [tilespmem:$0x1B740];
	_ =	sdelay $0x2  }
0x307: {  	v7 =	vmul.f32 v7, v5;
	_ =	sdelay $0x1  }
0x308: {  	v6 =	vadd.f32 v6, v7  }
0x309: {  	v7 =	vld [tilespmem:s11+$0x10]  }
0x30a: {  	[tilespmem:s11+$0x0] =	vst v6  }
0x30b: {  	v6 =	vld [tilespmem:$0x1B750];
	_ =	sdelay $0x2  }
0x30c: {  	v7 =	vmul.f32 v7, v5;
	_ =	sdelay $0x1  }
0x30d: {  	v6 =	vadd.f32 v6, v7  }
0x30e: {  	v7 =	vld [tilespmem:s11+$0x20]  }
0x30f: {  	[tilespmem:s11+$0x10] =	vst v6  }
0x310: {  	v6 =	vld [tilespmem:$0x1B760];
	_ =	sdelay $0x2  }
0x311: {  	v7 =	vmul.f32 v7, v5;
	_ =	sdelay $0x1  }
0x312: {  	v6 =	vadd.f32 v6, v7  }
0x313: {  	v7 =	vld [tilespmem:s11+$0x30]  }
0x314: {  	[tilespmem:s11+$0x20] =	vst v6  }
0x315: {  	v6 =	vld [tilespmem:$0x1B770];
	_ =	sdelay $0x2  }
0x316: {  	v5 =	vmul.f32 v7, v5;
	_ =	sdelay $0x1  }
0x317: {  	s20 =	sadd.s32 s22, s25;
	v5 =	vadd.f32 v6, v5  }
0x318: {  	s20 =	sshrl.u32 s20, $0x3  }
.Ltmp23:
0x319: {  	s28 =	sadd.s32 s2, s20;
	[tilespmem:s11+$0x30] =	vst v5;
	(pc) =	sbr.rel .LBB2_28-.Ltmp23, $4  }
0x31a: {  	[hbm4b:s28+s5] =	stream.linear.scatter [tilespmem:s18], [sflag:$0x7], $0x800, $0x38;
	[tilespmem:$0x1B780] =	vst v63  }
0x31b: {  	_ =	swait.ge [sflag:s30], $0x800  }
0x31c: {  	[sflag:s30] =	ssyncset.done $0x0  }
0x31d: {  	[sflag:s30] =	ssyncadd.s32 $0xFFFFF800  }
.LBB2_30:
0x31e: {  	_ =	sfence.sel $0x180000  }
0x31f: {  	[bflag:$0x0] =	sbarrier.arrive $0xFFFF  }
0x320: {  	_ =	strace $0x90000047  }
0x321: {  	[bflag:$0x2] =	sbarrier.arrive $0xFFFF  }
0x322: {  	p0 =	sne.s32 s4, $0x0;
	s0 =	rddreg [dreg:$0x4]  }
0x323: {  	s0 =	sadd.s32 @!p0 $0x100000, s0  }
0x324: {  	[sflag:s0] =	ssyncadd.tile.s32 @!p0 $0x1;
	_ =	shalt  }
.Lfunc_end2:
_tile_overlayer_lowered:
.L_overlay_start_2:
0x325: {  	(tag) =	ssettag $0x2  }
0x326: {  	s0 =	rddreg [dreg:$0x0];
	s2 =	stileid.u32  }
0x327: {  	s1 =	rddreg [dreg:$0x1];
	p0 =	sne.s32 s2, $0x0  }
0x328: {  	s3 =	rddreg [dreg:$0x2];
	[bflag:$0x3] =	sbarrier.arrive $0xFFFF;
	s2 =	simm.s32 @!p0 $0x1C07  }
0x329: {  	[timem:s3], [sflag:s2] =	dma.local @!p0 [hbm:s0], s1  }
0x32a: {  	s0 =	simm.s32 @!p0 $0x7  }
0x32b: {  	_ =	swait.ge @!p0 [sflag:s0], s1  }
0x32c: {  	s1 =	ssub.s32 @!p0 $0x0, s1;
	[sflag:s0] =	ssyncset.done @!p0 $0x0  }
0x32d: {  	[sflag:s0] =	ssyncadd.s32 @!p0 s1  }
0x32e: {  	[bflag:$0x3] =	sbarrier.arrive $0xFFFF  }
0x32f: {  	_ =	shalt  }

</sc_bundles>
